<compile_context>
chip_gen: v7x
topology: tpu7x:2x2x1
jax: 0.10.2.dev20260603
libtpu: 0.0.44.dev20260713+nightly
codegen_flags: <defaults>
</compile_context>

<pallas_src>
import functools

import jax
import jax.numpy as jnp
from jax import lax
from jax.experimental import pallas as pl
from jax.experimental.pallas import tpu as pltpu
from jax.experimental.pallas import tpu_sc as plsc

HIDDEN = 128
LANES = 16
NJ = HIDDEN // LANES
EPS = 1e-5
NUM_CORES = 2
NUM_SUBCORES = 16
NUM_WORKERS = NUM_CORES * NUM_SUBCORES
CHUNK = 256
IVEC = 128
NSPLIT = CHUNK // IVEC


@functools.lru_cache(maxsize=None)
def _build(n_tokens: int, small_rows: int):
  n_per_w = n_tokens // NUM_WORKERS
  n_chunks = n_per_w // CHUNK
  assert n_tokens % NUM_WORKERS == 0 and n_per_w % CHUNK == 0
  assert n_chunks % 2 == 0

  mesh = plsc.VectorSubcoreMesh(
      core_axis_name="c", subcore_axis_name="s",
      num_cores=NUM_CORES, num_subcores=NUM_SUBCORES)

  @functools.partial(
      pl.kernel,
      mesh=mesh,
      compiler_params=pltpu.CompilerParams(needs_layout_passes=False),
      out_type=jax.ShapeDtypeStruct((n_tokens, HIDDEN), jnp.float32),
      scratch_types=[
          pltpu.VMEM((3, NSPLIT, IVEC), jnp.int32),
          pltpu.VMEM((3, NSPLIT, IVEC), jnp.int32),
          pltpu.VMEM((CHUNK, HIDDEN), jnp.float32),
          pltpu.VMEM((CHUNK, HIDDEN), jnp.float32),
          pltpu.VMEM((2 * HIDDEN,), jnp.float32),
          pltpu.VMEM_SHARED((small_rows, HIDDEN), jnp.float32),
          pltpu.SemaphoreType.DMA,
          pltpu.SemaphoreType.DMA,
          pltpu.SemaphoreType.DMA,
          pltpu.SemaphoreType.DMA,
          pltpu.SemaphoreType.DMA,
          pltpu.SemaphoreType.DMA,
          pltpu.SemaphoreType.DMA,
          pltpu.SemaphoreType.DMA,
      ],
  )
  def k(idx3_hbm, word_hbm, small_hbm, gb_hbm, out_hbm,
        idx0_v, idx1_v, rows0_v, rows1_v, gb_v, small_sh,
        isem0, isem1, gsem0, gsem1, psem0, psem1, wsem0, wsem1):
    wid = lax.axis_index("s") * NUM_CORES + lax.axis_index("c")
    base_w = wid * n_per_w
    blk_w = wid * n_chunks

    @pl.when(lax.axis_index("s") == 0)
    def _():
      pltpu.sync_copy(small_hbm, small_sh)

    pltpu.sync_copy(gb_hbm, gb_v)
    plsc.subcore_barrier()

    iota = lax.iota(jnp.int32, 16)
    perms = [jnp.bitwise_xor(iota, jnp.int32(1 << kk)) for kk in range(4)]
    gammas = [gb_v[pl.ds(j * LANES, LANES)] for j in range(NJ)]
    betas = [gb_v[pl.ds(HIDDEN + j * LANES, LANES)] for j in range(NJ)]

    def compute(rows_v, lo, hi):
      @plsc.parallel_loop(lo, hi)
      def _(r):
        if True:
          xs = [rows_v[r, pl.ds(j * LANES, LANES)] for j in range(NJ)]
          def tree(vs):
            while len(vs) > 1:
              vs = [a + b for a, b in zip(vs[0::2], vs[1::2])]
            return vs[0]

          sum_v = tree(list(xs))
          sumsq_v = tree([x * x for x in xs])
          for perm in perms:
            sum_v = sum_v + sum_v.at[perm].get(mode="promise_in_bounds")
            sumsq_v = sumsq_v + sumsq_v.at[perm].get(
                mode="promise_in_bounds")
          mean_v = sum_v * (1.0 / HIDDEN)
          var_v = sumsq_v * (1.0 / HIDDEN) - mean_v * mean_v
          v_v = var_v + EPS
          yi = jnp.int32(0x5F3759DF) - (plsc.bitcast(v_v, jnp.int32) >> 1)
          y = plsc.bitcast(yi, jnp.float32)
          half_v = v_v * 0.5
          for _ in range(2):
            y = y * (1.5 - half_v * y * y)
          for j in range(NJ):
            xh = (xs[j] - mean_v) * y
            rows_v[r, pl.ds(j * LANES, LANES)] = xh * gammas[j] + betas[j]

    def row_half(rows_v, h):
      return rows_v.at[pl.ds(h * IVEC, IVEC)]

    def start_word(idx_v, rows_v, gsem):
      for h in range(NSPLIT):
        pltpu.async_copy(word_hbm.at[idx_v.at[0, h]], row_half(rows_v, h),
                         gsem)

    def wait_word(idx_v, rows_v, gsem):
      for h in range(NSPLIT):
        pltpu.make_async_copy(word_hbm.at[idx_v.at[0, h]],
                              row_half(rows_v, h), gsem).wait()

    def start_addg(idx_v, rows_v, psem):
      for h in range(NSPLIT):
        pltpu.async_copy(small_sh.at[idx_v.at[1, h]], row_half(rows_v, h),
                         psem, add=True)
        pltpu.async_copy(small_sh.at[idx_v.at[2, h]], row_half(rows_v, h),
                         psem, add=True)

    def wait_addg(idx_v, rows_v, psem):
      for h in range(NSPLIT):
        pltpu.make_async_copy(small_sh.at[idx_v.at[1, h]],
                              row_half(rows_v, h), psem).wait()
        pltpu.make_async_copy(small_sh.at[idx_v.at[2, h]],
                              row_half(rows_v, h), psem).wait()

    def phase(ci, idx_cur, idx_nxt, rows_cur, rows_nxt, isem_cur, isem_nxt,
              gsem_nxt, psem_cur, psem_nxt, wsem_cur, wsem_nxt):
      base = base_w + ci * CHUNK

      wait_addg(idx_cur, rows_cur, psem_cur)

      @pl.when(ci < n_chunks - 2)
      def _():
        pltpu.async_copy(idx3_hbm.at[blk_w + ci + 2], idx_cur, isem_cur)

      @pl.when(ci > 0)
      def _():
        pltpu.make_async_copy(
            rows_nxt, out_hbm.at[pl.ds(base, CHUNK)], wsem_nxt).wait()

      @pl.when(ci < n_chunks - 1)
      def _():
        pltpu.make_async_copy(
            idx3_hbm.at[blk_w + ci + 1], idx_nxt, isem_nxt).wait()
        start_word(idx_nxt, rows_nxt, gsem_nxt)

      compute(rows_cur, 0, CHUNK // 2)

      @pl.when(ci < n_chunks - 1)
      def _():
        wait_word(idx_nxt, rows_nxt, gsem_nxt)
        start_addg(idx_nxt, rows_nxt, psem_nxt)

      compute(rows_cur, CHUNK // 2, CHUNK)
      pltpu.async_copy(rows_cur, out_hbm.at[pl.ds(base, CHUNK)], wsem_cur)

    pltpu.sync_copy(idx3_hbm.at[blk_w], idx0_v)
    pltpu.async_copy(idx3_hbm.at[blk_w + 1], idx1_v, isem1)
    start_word(idx0_v, rows0_v, gsem0)
    wait_word(idx0_v, rows0_v, gsem0)
    start_addg(idx0_v, rows0_v, psem0)

    def loop_body(i, c):
      ci = i * 2
      phase(ci, idx0_v, idx1_v, rows0_v, rows1_v,
            isem0, isem1, gsem1, psem0, psem1, wsem0, wsem1)
      phase(ci + 1, idx1_v, idx0_v, rows1_v, rows0_v,
            isem1, isem0, gsem0, psem1, psem0, wsem1, wsem0)
      return c

    lax.fori_loop(0, n_chunks // 2, loop_body, 0)
    last_base = base_w + (n_chunks - 1) * CHUNK
    pltpu.make_async_copy(
        rows1_v, out_hbm.at[pl.ds(last_base, CHUNK)], wsem1).wait()

  return k


def kernel(input_ids, position_ids, segment_ids, age_ids, word_table,
           pos_table, seg_table, age_table, ln_gamma, ln_beta):
  b, s = input_ids.shape
  n_tokens = b * s
  n_blocks = n_tokens // CHUNK
  pos_rows = pos_table.shape[0]
  age_rows = age_table.shape[0]
  age_aug = jnp.concatenate(
      [age_table + seg_table[0], age_table + seg_table[1]], axis=0)
  comb = (age_ids + age_rows * segment_ids + pos_rows)
  idx3 = jnp.stack([
      input_ids.reshape(n_blocks, NSPLIT, IVEC),
      position_ids.reshape(n_blocks, NSPLIT, IVEC),
      comb.reshape(n_blocks, NSPLIT, IVEC),
  ], axis=1).astype(jnp.int32)
  small = jnp.concatenate([pos_table, age_aug], axis=0)
  gb = jnp.concatenate([ln_gamma, ln_beta], axis=0)
  small_rows = pos_rows + 2 * age_rows
  k = _build(n_tokens, small_rows)
  out = k(idx3, word_table, small, gb)
  return out.reshape(b, s, HIDDEN)

# --- scband reference (transcript-rebuilt; emitter-appended) ---
"""Pipeline reference for scband-behrtembeddings-88776974008975 (READ-ONLY COPY).

The authoritative reference and input builder live on the scoring server;
editing this copy changes nothing except your own understanding.
"""

import jax, jax.numpy as jnp
import numpy as np

VOCAB = 100000
MAX_POS = 512
AGE_VOCAB = 120
HIDDEN = 128
B, S = 4096, 200


def setup_inputs(seed: int = 0) -> dict:
    key = jax.random.key(seed)
    ks = jax.random.split(key, 10)
    input_ids = jax.random.randint(ks[0], (B, S), 0, VOCAB, dtype=jnp.int64 if jax.config.jax_enable_x64 else jnp.int32)
    position_ids = jax.random.randint(ks[1], (B, S), 0, MAX_POS, dtype=input_ids.dtype)
    segment_ids = jax.random.randint(ks[2], (B, S), 0, 2, dtype=input_ids.dtype)
    age_ids = jax.random.randint(ks[3], (B, S), 0, AGE_VOCAB, dtype=input_ids.dtype)
    word_table = jax.random.normal(ks[4], (VOCAB, HIDDEN), dtype=jnp.float32) * 0.02
    pos_table = jax.random.normal(ks[5], (MAX_POS, HIDDEN), dtype=jnp.float32) * 0.02
    seg_table = jax.random.normal(ks[6], (2, HIDDEN), dtype=jnp.float32) * 0.02
    age_table = jax.random.normal(ks[7], (AGE_VOCAB, HIDDEN), dtype=jnp.float32) * 0.02
    ln_gamma = jnp.ones((HIDDEN,), dtype=jnp.float32)
    ln_beta = jnp.zeros((HIDDEN,), dtype=jnp.float32)
    return {
        'input_ids': input_ids,
        'position_ids': position_ids,
        'segment_ids': segment_ids,
        'age_ids': age_ids,
        'word_table': word_table,
        'pos_table': pos_table,
        'seg_table': seg_table,
        'age_table': age_table,
        'ln_gamma': ln_gamma,
        'ln_beta': ln_beta,
    }


def _layer_norm(x, gamma, beta, eps=1e-5):
    mean = jnp.mean(x, axis=-1, keepdims=True)
    var = jnp.var(x, axis=-1, keepdims=True)
    xhat = (x - mean) / jnp.sqrt(var + eps)
    return xhat * gamma + beta


def reference(input_ids, position_ids, segment_ids, age_ids, word_table, pos_table, seg_table, age_table, ln_gamma, ln_beta):
    word_embeds = jnp.take(word_table, input_ids, axis=0)
    position_embeds = jnp.take(pos_table, position_ids, axis=0)
    segment_embeds = jnp.take(seg_table, segment_ids, axis=0)
    age_embeds = jnp.take(age_table, age_ids, axis=0)
    embeddings = word_embeds + position_embeds + segment_embeds + age_embeds
    embeddings = _layer_norm(embeddings, ln_gamma, ln_beta)
    # dropout is identity in eval mode
    return embeddings

if __name__ == "__main__":
    import jax
    _d = setup_inputs()
    print(jax.jit(kernel)(*tuple(_d.values())))

</pallas_src>

<mosaic_0001>
#map = affine_map<(d0, d1) -> (0, 0, 0, 0)>
#map1 = affine_map<(d0, d1) -> (0, 0)>
#map2 = affine_map<(d0, d1) -> (0)>
module attributes {stable_mosaic.version = 14 : i64} {
  func.func @k(%arg0: i32, %arg1: i32, %arg2: memref<3200x3x2x128xi32, #tpu.memory_space<hbm>>, %arg3: memref<100000x128xf32, #tpu.memory_space<hbm>>, %arg4: memref<752x128xf32, #tpu.memory_space<hbm>>, %arg5: memref<256xf32, #tpu.memory_space<hbm>>, %arg6: memref<819200x128xf32, #tpu.memory_space<hbm>>, %arg7: memref<3x2x128xi32, #tpu.memory_space<vmem>>, %arg8: memref<3x2x128xi32, #tpu.memory_space<vmem>>, %arg9: memref<256x128xf32, #tpu.memory_space<vmem>>, %arg10: memref<256x128xf32, #tpu.memory_space<vmem>>, %arg11: memref<256xf32, #tpu.memory_space<vmem>>, %arg12: memref<752x128xf32, #tpu.memory_space<vmem_shared>>, %arg13: memref<!tpu.dma_semaphore, #tpu.memory_space<semaphore_mem>>, %arg14: memref<!tpu.dma_semaphore, #tpu.memory_space<semaphore_mem>>, %arg15: memref<!tpu.dma_semaphore, #tpu.memory_space<semaphore_mem>>, %arg16: memref<!tpu.dma_semaphore, #tpu.memory_space<semaphore_mem>>, %arg17: memref<!tpu.dma_semaphore, #tpu.memory_space<semaphore_mem>>, %arg18: memref<!tpu.dma_semaphore, #tpu.memory_space<semaphore_mem>>, %arg19: memref<!tpu.dma_semaphore, #tpu.memory_space<semaphore_mem>>, %arg20: memref<!tpu.dma_semaphore, #tpu.memory_space<semaphore_mem>>) attributes {dimension_semantics = [#tpu.dimension_semantics<core_parallel>, #tpu.dimension_semantics<subcore_parallel>], iteration_bounds = array<i64: 2, 16>, scalar_prefetch = 0 : i64, scratch_operands = 14 : i64, tpu.core_type = #tpu.core_type<sc_vector_subcore>, window_params = [{transform_indices = #map}, {transform_indices = #map1}, {transform_indices = #map1}, {transform_indices = #map2}, {transform_indices = #map1}]} {
    %mul3A = arith.constant 2 : i32
    %mul3A_0 = arith.muli %arg1, %mul3A : i32
    %add3A = arith.addi %mul3A_0, %arg0 : i32
    %mul3A_1 = arith.constant 25600 : i32
    %mul3A_2 = arith.muli %add3A, %mul3A_1 : i32
    %mul3A_3 = arith.constant 100 : i32
    %mul3A_4 = arith.muli %add3A, %mul3A_3 : i32
    %eq3A = arith.constant 0 : i32
    %eq3A_5 = arith.cmpi eq, %arg1, %eq3A : i32
    %convert_element_type3A = arith.extui %eq3A_5 : i1 to i32
    %cond3A = arith.constant 0 : i32
    %cond3A_6 = arith.cmpi ne, %convert_element_type3A, %cond3A : i32
    scf.if %cond3A_6 {
      "tpu.region"() ({
        %run_scoped3A = tpu.sem_alloc : memref<!tpu.dma_semaphore, #tpu.memory_space<semaphore_mem>>
        tpu.enqueue_dma source(%arg4 : memref<752x128xf32, #tpu.memory_space<hbm>>) target(%arg12 : memref<752x128xf32, #tpu.memory_space<vmem_shared>>) target_semaphore(%run_scoped3A : memref<!tpu.dma_semaphore, #tpu.memory_space<semaphore_mem>>)
        tpu.wait_dma2 semaphore(%run_scoped3A : memref<!tpu.dma_semaphore, #tpu.memory_space<semaphore_mem>>) src(%arg4 : memref<752x128xf32, #tpu.memory_space<hbm>>) dst(%arg12 : memref<752x128xf32, #tpu.memory_space<vmem_shared>>)
        tpu.yield
      }) : () -> ()
    } else {
    }
    "tpu.region"() ({
      %run_scoped3A = tpu.sem_alloc : memref<!tpu.dma_semaphore, #tpu.memory_space<semaphore_mem>>
      tpu.enqueue_dma source(%arg5 : memref<256xf32, #tpu.memory_space<hbm>>) target(%arg11 : memref<256xf32, #tpu.memory_space<vmem>>) target_semaphore(%run_scoped3A : memref<!tpu.dma_semaphore, #tpu.memory_space<semaphore_mem>>)
      tpu.wait_dma2 semaphore(%run_scoped3A : memref<!tpu.dma_semaphore, #tpu.memory_space<semaphore_mem>>) src(%arg5 : memref<256xf32, #tpu.memory_space<hbm>>) dst(%arg11 : memref<256xf32, #tpu.memory_space<vmem>>)
      tpu.yield
    }) : () -> ()
    %barrier3A = arith.constant 0 : index
    tpu.barrier barrier_id(%barrier3A)
    %iota3A = tpu.iota {dimensions = array<i32: 0>} : vector<16xi32>
    %xor3A = arith.constant 1 : i32
    %xor3A_7 = vector.broadcast %xor3A : i32 to vector<16xi32>
    %xor3A_8 = arith.xori %iota3A, %xor3A_7 : vector<16xi32>
    %xor3A_9 = arith.constant 2 : i32
    %xor3A_10 = vector.broadcast %xor3A_9 : i32 to vector<16xi32>
    %xor3A_11 = arith.xori %iota3A, %xor3A_10 : vector<16xi32>
    %xor3A_12 = arith.constant 4 : i32
    %xor3A_13 = vector.broadcast %xor3A_12 : i32 to vector<16xi32>
    %xor3A_14 = arith.xori %iota3A, %xor3A_13 : vector<16xi32>
    %xor3A_15 = arith.constant 8 : i32
    %xor3A_16 = vector.broadcast %xor3A_15 : i32 to vector<16xi32>
    %xor3A_17 = arith.xori %iota3A, %xor3A_16 : vector<16xi32>
    %get3A = arith.constant 0 : index
    %get3A_18 = tpu.vector_load %arg11[%get3A] {strides = array<i32>} : memref<256xf32, #tpu.memory_space<vmem>>, vector<16xf32>,
    %get3A_19 = arith.constant 16 : index
    %get3A_20 = tpu.vector_load %arg11[%get3A_19] {strides = array<i32>} : memref<256xf32, #tpu.memory_space<vmem>>, vector<16xf32>,
    %get3A_21 = arith.constant 32 : index
    %get3A_22 = tpu.vector_load %arg11[%get3A_21] {strides = array<i32>} : memref<256xf32, #tpu.memory_space<vmem>>, vector<16xf32>,
    %get3A_23 = arith.constant 48 : index
    %get3A_24 = tpu.vector_load %arg11[%get3A_23] {strides = array<i32>} : memref<256xf32, #tpu.memory_space<vmem>>, vector<16xf32>,
    %get3A_25 = arith.constant 64 : index
    %get3A_26 = tpu.vector_load %arg11[%get3A_25] {strides = array<i32>} : memref<256xf32, #tpu.memory_space<vmem>>, vector<16xf32>,
    %get3A_27 = arith.constant 80 : index
    %get3A_28 = tpu.vector_load %arg11[%get3A_27] {strides = array<i32>} : memref<256xf32, #tpu.memory_space<vmem>>, vector<16xf32>,
    %get3A_29 = arith.constant 96 : index
    %get3A_30 = tpu.vector_load %arg11[%get3A_29] {strides = array<i32>} : memref<256xf32, #tpu.memory_space<vmem>>, vector<16xf32>,
    %get3A_31 = arith.constant 112 : index
    %get3A_32 = tpu.vector_load %arg11[%get3A_31] {strides = array<i32>} : memref<256xf32, #tpu.memory_space<vmem>>, vector<16xf32>,
    %get3A_33 = arith.constant 128 : index
    %get3A_34 = tpu.vector_load %arg11[%get3A_33] {strides = array<i32>} : memref<256xf32, #tpu.memory_space<vmem>>, vector<16xf32>,
    %get3A_35 = arith.constant 144 : index
    %get3A_36 = tpu.vector_load %arg11[%get3A_35] {strides = array<i32>} : memref<256xf32, #tpu.memory_space<vmem>>, vector<16xf32>,
    %get3A_37 = arith.constant 160 : index
    %get3A_38 = tpu.vector_load %arg11[%get3A_37] {strides = array<i32>} : memref<256xf32, #tpu.memory_space<vmem>>, vector<16xf32>,
    %get3A_39 = arith.constant 176 : index
    %get3A_40 = tpu.vector_load %arg11[%get3A_39] {strides = array<i32>} : memref<256xf32, #tpu.memory_space<vmem>>, vector<16xf32>,
    %get3A_41 = arith.constant 192 : index
    %get3A_42 = tpu.vector_load %arg11[%get3A_41] {strides = array<i32>} : memref<256xf32, #tpu.memory_space<vmem>>, vector<16xf32>,
    %get3A_43 = arith.constant 208 : index
    %get3A_44 = tpu.vector_load %arg11[%get3A_43] {strides = array<i32>} : memref<256xf32, #tpu.memory_space<vmem>>, vector<16xf32>,
    %get3A_45 = arith.constant 224 : index
    %get3A_46 = tpu.vector_load %arg11[%get3A_45] {strides = array<i32>} : memref<256xf32, #tpu.memory_space<vmem>>, vector<16xf32>,
    %get3A_47 = arith.constant 240 : index
    %get3A_48 = tpu.vector_load %arg11[%get3A_47] {strides = array<i32>} : memref<256xf32, #tpu.memory_space<vmem>>, vector<16xf32>,
    "tpu.region"() ({
      %run_scoped3A = tpu.sem_alloc : memref<!tpu.dma_semaphore, #tpu.memory_space<semaphore_mem>>
      %dma_start3A_158 = arith.constant 0 : i32
      %dma_start3A_159 = arith.constant 0 : i32
      %dma_start3A_160 = arith.constant 0 : i32
      %dma_start3A_161 = tpu.memref_slice %arg2[%mul3A_4, %dma_start3A_158, %dma_start3A_159, %dma_start3A_160] : memref<3200x3x2x128xi32, #tpu.memory_space<hbm>> -> memref<1x3x2x128xi32, #tpu.memory_space<hbm>>
      %dma_start3A_162 = tpu.memref_squeeze %dma_start3A_161 : memref<1x3x2x128xi32, #tpu.memory_space<hbm>> -> memref<3x2x128xi32, #tpu.memory_space<hbm>>
      %dma_start3A_163 = arith.constant 0 : i32
      %dma_start3A_164 = arith.constant 0 : i32
      %dma_start3A_165 = arith.constant 0 : i32
      %dma_start3A_166 = tpu.memref_slice %arg2[%mul3A_4, %dma_start3A_163, %dma_start3A_164, %dma_start3A_165] : memref<3200x3x2x128xi32, #tpu.memory_space<hbm>> -> memref<1x3x2x128xi32, #tpu.memory_space<hbm>>
      %dma_start3A_167 = tpu.memref_squeeze %dma_start3A_166 : memref<1x3x2x128xi32, #tpu.memory_space<hbm>> -> memref<3x2x128xi32, #tpu.memory_space<hbm>>
      tpu.enqueue_dma source(%dma_start3A_167 : memref<3x2x128xi32, #tpu.memory_space<hbm>>) target(%arg7 : memref<3x2x128xi32, #tpu.memory_space<vmem>>) target_semaphore(%run_scoped3A : memref<!tpu.dma_semaphore, #tpu.memory_space<semaphore_mem>>)
      %dma_wait3A_168 = arith.constant 0 : i32
      %dma_wait3A_169 = arith.constant 0 : i32
      %dma_wait3A_170 = arith.constant 0 : i32
      %dma_wait3A_171 = tpu.memref_slice %arg2[%mul3A_4, %dma_wait3A_168, %dma_wait3A_169, %dma_wait3A_170] : memref<3200x3x2x128xi32, #tpu.memory_space<hbm>> -> memref<1x3x2x128xi32, #tpu.memory_space<hbm>>
      %dma_wait3A_172 = tpu.memref_squeeze %dma_wait3A_171 : memref<1x3x2x128xi32, #tpu.memory_space<hbm>> -> memref<3x2x128xi32, #tpu.memory_space<hbm>>
      %dma_wait3A_173 = arith.constant 0 : i32
      %dma_wait3A_174 = arith.constant 0 : i32
      %dma_wait3A_175 = arith.constant 0 : i32
      %dma_wait3A_176 = tpu.memref_slice %arg2[%mul3A_4, %dma_wait3A_173, %dma_wait3A_174, %dma_wait3A_175] : memref<3200x3x2x128xi32, #tpu.memory_space<hbm>> -> memref<1x3x2x128xi32, #tpu.memory_space<hbm>>
      %dma_wait3A_177 = tpu.memref_squeeze %dma_wait3A_176 : memref<1x3x2x128xi32, #tpu.memory_space<hbm>> -> memref<3x2x128xi32, #tpu.memory_space<hbm>>
      tpu.wait_dma2 semaphore(%run_scoped3A : memref<!tpu.dma_semaphore, #tpu.memory_space<semaphore_mem>>) src(%dma_wait3A_177 : memref<3x2x128xi32, #tpu.memory_space<hbm>>) dst(%arg7 : memref<3x2x128xi32, #tpu.memory_space<vmem>>)
      tpu.yield
    }) : () -> ()
    %add3A_49 = arith.constant 1 : i32
    %add3A_50 = arith.addi %mul3A_4, %add3A_49 : i32
    %dma_start3A = arith.constant 0 : i32
    %dma_start3A_51 = arith.constant 0 : i32
    %dma_start3A_52 = arith.constant 0 : i32
    %dma_start3A_53 = tpu.memref_slice %arg2[%add3A_50, %dma_start3A, %dma_start3A_51, %dma_start3A_52] : memref<3200x3x2x128xi32, #tpu.memory_space<hbm>> -> memref<1x3x2x128xi32, #tpu.memory_space<hbm>>
    %dma_start3A_54 = tpu.memref_squeeze %dma_start3A_53 : memref<1x3x2x128xi32, #tpu.memory_space<hbm>> -> memref<3x2x128xi32, #tpu.memory_space<hbm>>
    %dma_start3A_55 = arith.constant 0 : i32
    %dma_start3A_56 = arith.constant 0 : i32
    %dma_start3A_57 = arith.constant 0 : i32
    %dma_start3A_58 = tpu.memref_slice %arg2[%add3A_50, %dma_start3A_55, %dma_start3A_56, %dma_start3A_57] : memref<3200x3x2x128xi32, #tpu.memory_space<hbm>> -> memref<1x3x2x128xi32, #tpu.memory_space<hbm>>
    %dma_start3A_59 = tpu.memref_squeeze %dma_start3A_58 : memref<1x3x2x128xi32, #tpu.memory_space<hbm>> -> memref<3x2x128xi32, #tpu.memory_space<hbm>>
    tpu.enqueue_dma source(%dma_start3A_59 : memref<3x2x128xi32, #tpu.memory_space<hbm>>) target(%arg8 : memref<3x2x128xi32, #tpu.memory_space<vmem>>) target_semaphore(%arg14 : memref<!tpu.dma_semaphore, #tpu.memory_space<semaphore_mem>>)
    %dma_start3A_60 = arith.constant 0 : i32
    %dma_start3A_61 = arith.constant 0 : i32
    %dma_start3A_62 = arith.constant 0 : i32
    %dma_start3A_63 = arith.constant 0 : i32
    %dma_start3A_64 = tpu.memref_slice %arg9[%dma_start3A_62, %dma_start3A_63] : memref<256x128xf32, #tpu.memory_space<vmem>> -> memref<128x128xf32, #tpu.memory_space<vmem>>
    %dma_start3A_65 = arith.constant 0 : i32
    %dma_start3A_66 = tpu.memref_slice %arg7[%dma_start3A_60, %dma_start3A_61, %dma_start3A_65] : memref<3x2x128xi32, #tpu.memory_space<vmem>> -> memref<1x1x128xi32, #tpu.memory_space<vmem>>
    %dma_start3A_67 = tpu.memref_squeeze %dma_start3A_66 : memref<1x1x128xi32, #tpu.memory_space<vmem>> -> memref<128xi32, #tpu.memory_space<vmem>>
    %dma_start3A_68 = arith.constant 0 : i32
    %dma_start3A_69 = arith.constant 0 : i32
    %dma_start3A_70 = tpu.memref_slice %arg3[%dma_start3A_68, %dma_start3A_69] : memref<100000x128xf32, #tpu.memory_space<hbm>> -> memref<100000x128xf32, #tpu.memory_space<hbm>>
    tpu.enqueue_indirect_dma source(%dma_start3A_70 : memref<100000x128xf32, #tpu.memory_space<hbm>>) target(%dma_start3A_64 : memref<128x128xf32, #tpu.memory_space<vmem>>) offsets(%dma_start3A_67 : memref<128xi32, #tpu.memory_space<vmem>>) semaphore(%arg15 : memref<!tpu.dma_semaphore, #tpu.memory_space<semaphore_mem>>)
    %dma_start3A_71 = arith.constant 0 : i32
    %dma_start3A_72 = arith.constant 1 : i32
    %dma_start3A_73 = arith.constant 128 : i32
    %dma_start3A_74 = arith.constant 0 : i32
    %dma_start3A_75 = tpu.memref_slice %arg9[%dma_start3A_73, %dma_start3A_74] : memref<256x128xf32, #tpu.memory_space<vmem>> -> memref<128x128xf32, #tpu.memory_space<vmem>>
    %dma_start3A_76 = arith.constant 0 : i32
    %dma_start3A_77 = tpu.memref_slice %arg7[%dma_start3A_71, %dma_start3A_72, %dma_start3A_76] : memref<3x2x128xi32, #tpu.memory_space<vmem>> -> memref<1x1x128xi32, #tpu.memory_space<vmem>>
    %dma_start3A_78 = tpu.memref_squeeze %dma_start3A_77 : memref<1x1x128xi32, #tpu.memory_space<vmem>> -> memref<128xi32, #tpu.memory_space<vmem>>
    %dma_start3A_79 = arith.constant 0 : i32
    %dma_start3A_80 = arith.constant 0 : i32
    %dma_start3A_81 = tpu.memref_slice %arg3[%dma_start3A_79, %dma_start3A_80] : memref<100000x128xf32, #tpu.memory_space<hbm>> -> memref<100000x128xf32, #tpu.memory_space<hbm>>
    tpu.enqueue_indirect_dma source(%dma_start3A_81 : memref<100000x128xf32, #tpu.memory_space<hbm>>) target(%dma_start3A_75 : memref<128x128xf32, #tpu.memory_space<vmem>>) offsets(%dma_start3A_78 : memref<128xi32, #tpu.memory_space<vmem>>) semaphore(%arg15 : memref<!tpu.dma_semaphore, #tpu.memory_space<semaphore_mem>>)
    %dma_wait3A = arith.constant 0 : i32
    %dma_wait3A_82 = arith.constant 0 : i32
    %dma_wait3A_83 = arith.constant 0 : i32
    %dma_wait3A_84 = arith.constant 0 : i32
    %dma_wait3A_85 = tpu.memref_slice %arg9[%dma_wait3A_83, %dma_wait3A_84] : memref<256x128xf32, #tpu.memory_space<vmem>> -> memref<128x128xf32, #tpu.memory_space<vmem>>
    %dma_wait3A_86 = arith.constant 0 : i32
    %dma_wait3A_87 = tpu.memref_slice %arg7[%dma_wait3A, %dma_wait3A_82, %dma_wait3A_86] : memref<3x2x128xi32, #tpu.memory_space<vmem>> -> memref<1x1x128xi32, #tpu.memory_space<vmem>>
    %dma_wait3A_88 = tpu.memref_squeeze %dma_wait3A_87 : memref<1x1x128xi32, #tpu.memory_space<vmem>> -> memref<128xi32, #tpu.memory_space<vmem>>
    %dma_wait3A_89 = arith.constant 0 : i32
    %dma_wait3A_90 = arith.constant 0 : i32
    %dma_wait3A_91 = tpu.memref_slice %arg3[%dma_wait3A_89, %dma_wait3A_90] : memref<100000x128xf32, #tpu.memory_space<hbm>> -> memref<100000x128xf32, #tpu.memory_space<hbm>>
    tpu.wait_indirect_dma semaphore(%arg15 : memref<!tpu.dma_semaphore, #tpu.memory_space<semaphore_mem>>) src(%dma_wait3A_91 : memref<100000x128xf32, #tpu.memory_space<hbm>>) dst(%dma_wait3A_85 : memref<128x128xf32, #tpu.memory_space<vmem>>)
    %dma_wait3A_92 = arith.constant 0 : i32
    %dma_wait3A_93 = arith.constant 1 : i32
    %dma_wait3A_94 = arith.constant 128 : i32
    %dma_wait3A_95 = arith.constant 0 : i32
    %dma_wait3A_96 = tpu.memref_slice %arg9[%dma_wait3A_94, %dma_wait3A_95] : memref<256x128xf32, #tpu.memory_space<vmem>> -> memref<128x128xf32, #tpu.memory_space<vmem>>
    %dma_wait3A_97 = arith.constant 0 : i32
    %dma_wait3A_98 = tpu.memref_slice %arg7[%dma_wait3A_92, %dma_wait3A_93, %dma_wait3A_97] : memref<3x2x128xi32, #tpu.memory_space<vmem>> -> memref<1x1x128xi32, #tpu.memory_space<vmem>>
    %dma_wait3A_99 = tpu.memref_squeeze %dma_wait3A_98 : memref<1x1x128xi32, #tpu.memory_space<vmem>> -> memref<128xi32, #tpu.memory_space<vmem>>
    %dma_wait3A_100 = arith.constant 0 : i32
    %dma_wait3A_101 = arith.constant 0 : i32
    %dma_wait3A_102 = tpu.memref_slice %arg3[%dma_wait3A_100, %dma_wait3A_101] : memref<100000x128xf32, #tpu.memory_space<hbm>> -> memref<100000x128xf32, #tpu.memory_space<hbm>>
    tpu.wait_indirect_dma semaphore(%arg15 : memref<!tpu.dma_semaphore, #tpu.memory_space<semaphore_mem>>) src(%dma_wait3A_102 : memref<100000x128xf32, #tpu.memory_space<hbm>>) dst(%dma_wait3A_96 : memref<128x128xf32, #tpu.memory_space<vmem>>)
    %dma_start3A_103 = arith.constant 1 : i32
    %dma_start3A_104 = arith.constant 0 : i32
    %dma_start3A_105 = arith.constant 0 : i32
    %dma_start3A_106 = arith.constant 0 : i32
    %dma_start3A_107 = tpu.memref_slice %arg9[%dma_start3A_105, %dma_start3A_106] : memref<256x128xf32, #tpu.memory_space<vmem>> -> memref<128x128xf32, #tpu.memory_space<vmem>>
    %dma_start3A_108 = arith.constant 0 : i32
    %dma_start3A_109 = tpu.memref_slice %arg7[%dma_start3A_103, %dma_start3A_104, %dma_start3A_108] : memref<3x2x128xi32, #tpu.memory_space<vmem>> -> memref<1x1x128xi32, #tpu.memory_space<vmem>>
    %dma_start3A_110 = tpu.memref_squeeze %dma_start3A_109 : memref<1x1x128xi32, #tpu.memory_space<vmem>> -> memref<128xi32, #tpu.memory_space<vmem>>
    %dma_start3A_111 = arith.constant 0 : i32
    %dma_start3A_112 = arith.constant 0 : i32
    %dma_start3A_113 = tpu.memref_slice %arg12[%dma_start3A_111, %dma_start3A_112] : memref<752x128xf32, #tpu.memory_space<vmem_shared>> -> memref<752x128xf32, #tpu.memory_space<vmem_shared>>
    tpu.enqueue_indirect_dma source(%dma_start3A_113 : memref<752x128xf32, #tpu.memory_space<vmem_shared>>) target(%dma_start3A_107 : memref<128x128xf32, #tpu.memory_space<vmem>>) offsets(%dma_start3A_110 : memref<128xi32, #tpu.memory_space<vmem>>) semaphore(%arg17 : memref<!tpu.dma_semaphore, #tpu.memory_space<semaphore_mem>>) {add = true}
    %dma_start3A_114 = arith.constant 2 : i32
    %dma_start3A_115 = arith.constant 0 : i32
    %dma_start3A_116 = arith.constant 0 : i32
    %dma_start3A_117 = arith.constant 0 : i32
    %dma_start3A_118 = tpu.memref_slice %arg9[%dma_start3A_116, %dma_start3A_117] : memref<256x128xf32, #tpu.memory_space<vmem>> -> memref<128x128xf32, #tpu.memory_space<vmem>>
    %dma_start3A_119 = arith.constant 0 : i32
    %dma_start3A_120 = tpu.memref_slice %arg7[%dma_start3A_114, %dma_start3A_115, %dma_start3A_119] : memref<3x2x128xi32, #tpu.memory_space<vmem>> -> memref<1x1x128xi32, #tpu.memory_space<vmem>>
    %dma_start3A_121 = tpu.memref_squeeze %dma_start3A_120 : memref<1x1x128xi32, #tpu.memory_space<vmem>> -> memref<128xi32, #tpu.memory_space<vmem>>
    %dma_start3A_122 = arith.constant 0 : i32
    %dma_start3A_123 = arith.constant 0 : i32
    %dma_start3A_124 = tpu.memref_slice %arg12[%dma_start3A_122, %dma_start3A_123] : memref<752x128xf32, #tpu.memory_space<vmem_shared>> -> memref<752x128xf32, #tpu.memory_space<vmem_shared>>
    tpu.enqueue_indirect_dma source(%dma_start3A_124 : memref<752x128xf32, #tpu.memory_space<vmem_shared>>) target(%dma_start3A_118 : memref<128x128xf32, #tpu.memory_space<vmem>>) offsets(%dma_start3A_121 : memref<128xi32, #tpu.memory_space<vmem>>) semaphore(%arg17 : memref<!tpu.dma_semaphore, #tpu.memory_space<semaphore_mem>>) {add = true}
    %dma_start3A_125 = arith.constant 1 : i32
    %dma_start3A_126 = arith.constant 1 : i32
    %dma_start3A_127 = arith.constant 128 : i32
    %dma_start3A_128 = arith.constant 0 : i32
    %dma_start3A_129 = tpu.memref_slice %arg9[%dma_start3A_127, %dma_start3A_128] : memref<256x128xf32, #tpu.memory_space<vmem>> -> memref<128x128xf32, #tpu.memory_space<vmem>>
    %dma_start3A_130 = arith.constant 0 : i32
    %dma_start3A_131 = tpu.memref_slice %arg7[%dma_start3A_125, %dma_start3A_126, %dma_start3A_130] : memref<3x2x128xi32, #tpu.memory_space<vmem>> -> memref<1x1x128xi32, #tpu.memory_space<vmem>>
    %dma_start3A_132 = tpu.memref_squeeze %dma_start3A_131 : memref<1x1x128xi32, #tpu.memory_space<vmem>> -> memref<128xi32, #tpu.memory_space<vmem>>
    %dma_start3A_133 = arith.constant 0 : i32
    %dma_start3A_134 = arith.constant 0 : i32
    %dma_start3A_135 = tpu.memref_slice %arg12[%dma_start3A_133, %dma_start3A_134] : memref<752x128xf32, #tpu.memory_space<vmem_shared>> -> memref<752x128xf32, #tpu.memory_space<vmem_shared>>
    tpu.enqueue_indirect_dma source(%dma_start3A_135 : memref<752x128xf32, #tpu.memory_space<vmem_shared>>) target(%dma_start3A_129 : memref<128x128xf32, #tpu.memory_space<vmem>>) offsets(%dma_start3A_132 : memref<128xi32, #tpu.memory_space<vmem>>) semaphore(%arg17 : memref<!tpu.dma_semaphore, #tpu.memory_space<semaphore_mem>>) {add = true}
    %dma_start3A_136 = arith.constant 2 : i32
    %dma_start3A_137 = arith.constant 1 : i32
    %dma_start3A_138 = arith.constant 128 : i32
    %dma_start3A_139 = arith.constant 0 : i32
    %dma_start3A_140 = tpu.memref_slice %arg9[%dma_start3A_138, %dma_start3A_139] : memref<256x128xf32, #tpu.memory_space<vmem>> -> memref<128x128xf32, #tpu.memory_space<vmem>>
    %dma_start3A_141 = arith.constant 0 : i32
    %dma_start3A_142 = tpu.memref_slice %arg7[%dma_start3A_136, %dma_start3A_137, %dma_start3A_141] : memref<3x2x128xi32, #tpu.memory_space<vmem>> -> memref<1x1x128xi32, #tpu.memory_space<vmem>>
    %dma_start3A_143 = tpu.memref_squeeze %dma_start3A_142 : memref<1x1x128xi32, #tpu.memory_space<vmem>> -> memref<128xi32, #tpu.memory_space<vmem>>
    %dma_start3A_144 = arith.constant 0 : i32
    %dma_start3A_145 = arith.constant 0 : i32
    %dma_start3A_146 = tpu.memref_slice %arg12[%dma_start3A_144, %dma_start3A_145] : memref<752x128xf32, #tpu.memory_space<vmem_shared>> -> memref<752x128xf32, #tpu.memory_space<vmem_shared>>
    tpu.enqueue_indirect_dma source(%dma_start3A_146 : memref<752x128xf32, #tpu.memory_space<vmem_shared>>) target(%dma_start3A_140 : memref<128x128xf32, #tpu.memory_space<vmem>>) offsets(%dma_start3A_143 : memref<128xi32, #tpu.memory_space<vmem>>) semaphore(%arg17 : memref<!tpu.dma_semaphore, #tpu.memory_space<semaphore_mem>>) {add = true}
    %scan3A = arith.constant 0 : i32
    %scan3A_147 = arith.constant 0 : i32
    %scan3A_148 = arith.constant 50 : i32
    %scan3A_149 = arith.addi %scan3A_147, %scan3A_148 : i32
    %scan3A_150 = arith.constant 1 : i32
    scf.for %scan3A_158 = %scan3A_147 to %scan3A_149 step %scan3A_150  : i32 {
      %mul3A_159 = arith.constant 2 : i32
      %mul3A_160 = arith.muli %scan3A_158, %mul3A_159 : i32
      %mul3A_161 = arith.constant 256 : i32
      %mul3A_162 = arith.muli %mul3A_160, %mul3A_161 : i32
      %add3A_163 = arith.addi %mul3A_2, %mul3A_162 : i32
      %dma_wait3A_164 = arith.constant 1 : i32
      %dma_wait3A_165 = arith.constant 0 : i32
      %dma_wait3A_166 = arith.constant 0 : i32
      %dma_wait3A_167 = arith.constant 0 : i32
      %dma_wait3A_168 = tpu.memref_slice %arg9[%dma_wait3A_166, %dma_wait3A_167] : memref<256x128xf32, #tpu.memory_space<vmem>> -> memref<128x128xf32, #tpu.memory_space<vmem>>
      %dma_wait3A_169 = arith.constant 0 : i32
      %dma_wait3A_170 = tpu.memref_slice %arg7[%dma_wait3A_164, %dma_wait3A_165, %dma_wait3A_169] : memref<3x2x128xi32, #tpu.memory_space<vmem>> -> memref<1x1x128xi32, #tpu.memory_space<vmem>>
      %dma_wait3A_171 = tpu.memref_squeeze %dma_wait3A_170 : memref<1x1x128xi32, #tpu.memory_space<vmem>> -> memref<128xi32, #tpu.memory_space<vmem>>
      %dma_wait3A_172 = arith.constant 0 : i32
      %dma_wait3A_173 = arith.constant 0 : i32
      %dma_wait3A_174 = tpu.memref_slice %arg12[%dma_wait3A_172, %dma_wait3A_173] : memref<752x128xf32, #tpu.memory_space<vmem_shared>> -> memref<752x128xf32, #tpu.memory_space<vmem_shared>>
      tpu.wait_indirect_dma semaphore(%arg17 : memref<!tpu.dma_semaphore, #tpu.memory_space<semaphore_mem>>) src(%dma_wait3A_174 : memref<752x128xf32, #tpu.memory_space<vmem_shared>>) dst(%dma_wait3A_168 : memref<128x128xf32, #tpu.memory_space<vmem>>)
      %dma_wait3A_175 = arith.constant 2 : i32
      %dma_wait3A_176 = arith.constant 0 : i32
      %dma_wait3A_177 = arith.constant 0 : i32
      %dma_wait3A_178 = arith.constant 0 : i32
      %dma_wait3A_179 = tpu.memref_slice %arg9[%dma_wait3A_177, %dma_wait3A_178] : memref<256x128xf32, #tpu.memory_space<vmem>> -> memref<128x128xf32, #tpu.memory_space<vmem>>
      %dma_wait3A_180 = arith.constant 0 : i32
      %dma_wait3A_181 = tpu.memref_slice %arg7[%dma_wait3A_175, %dma_wait3A_176, %dma_wait3A_180] : memref<3x2x128xi32, #tpu.memory_space<vmem>> -> memref<1x1x128xi32, #tpu.memory_space<vmem>>
      %dma_wait3A_182 = tpu.memref_squeeze %dma_wait3A_181 : memref<1x1x128xi32, #tpu.memory_space<vmem>> -> memref<128xi32, #tpu.memory_space<vmem>>
      %dma_wait3A_183 = arith.constant 0 : i32
      %dma_wait3A_184 = arith.constant 0 : i32
      %dma_wait3A_185 = tpu.memref_slice %arg12[%dma_wait3A_183, %dma_wait3A_184] : memref<752x128xf32, #tpu.memory_space<vmem_shared>> -> memref<752x128xf32, #tpu.memory_space<vmem_shared>>
      tpu.wait_indirect_dma semaphore(%arg17 : memref<!tpu.dma_semaphore, #tpu.memory_space<semaphore_mem>>) src(%dma_wait3A_185 : memref<752x128xf32, #tpu.memory_space<vmem_shared>>) dst(%dma_wait3A_179 : memref<128x128xf32, #tpu.memory_space<vmem>>)
      %dma_wait3A_186 = arith.constant 1 : i32
      %dma_wait3A_187 = arith.constant 1 : i32
      %dma_wait3A_188 = arith.constant 128 : i32
      %dma_wait3A_189 = arith.constant 0 : i32
      %dma_wait3A_190 = tpu.memref_slice %arg9[%dma_wait3A_188, %dma_wait3A_189] : memref<256x128xf32, #tpu.memory_space<vmem>> -> memref<128x128xf32, #tpu.memory_space<vmem>>
      %dma_wait3A_191 = arith.constant 0 : i32
      %dma_wait3A_192 = tpu.memref_slice %arg7[%dma_wait3A_186, %dma_wait3A_187, %dma_wait3A_191] : memref<3x2x128xi32, #tpu.memory_space<vmem>> -> memref<1x1x128xi32, #tpu.memory_space<vmem>>
      %dma_wait3A_193 = tpu.memref_squeeze %dma_wait3A_192 : memref<1x1x128xi32, #tpu.memory_space<vmem>> -> memref<128xi32, #tpu.memory_space<vmem>>
      %dma_wait3A_194 = arith.constant 0 : i32
      %dma_wait3A_195 = arith.constant 0 : i32
      %dma_wait3A_196 = tpu.memref_slice %arg12[%dma_wait3A_194, %dma_wait3A_195] : memref<752x128xf32, #tpu.memory_space<vmem_shared>> -> memref<752x128xf32, #tpu.memory_space<vmem_shared>>
      tpu.wait_indirect_dma semaphore(%arg17 : memref<!tpu.dma_semaphore, #tpu.memory_space<semaphore_mem>>) src(%dma_wait3A_196 : memref<752x128xf32, #tpu.memory_space<vmem_shared>>) dst(%dma_wait3A_190 : memref<128x128xf32, #tpu.memory_space<vmem>>)
      %dma_wait3A_197 = arith.constant 2 : i32
      %dma_wait3A_198 = arith.constant 1 : i32
      %dma_wait3A_199 = arith.constant 128 : i32
      %dma_wait3A_200 = arith.constant 0 : i32
      %dma_wait3A_201 = tpu.memref_slice %arg9[%dma_wait3A_199, %dma_wait3A_200] : memref<256x128xf32, #tpu.memory_space<vmem>> -> memref<128x128xf32, #tpu.memory_space<vmem>>
      %dma_wait3A_202 = arith.constant 0 : i32
      %dma_wait3A_203 = tpu.memref_slice %arg7[%dma_wait3A_197, %dma_wait3A_198, %dma_wait3A_202] : memref<3x2x128xi32, #tpu.memory_space<vmem>> -> memref<1x1x128xi32, #tpu.memory_space<vmem>>
      %dma_wait3A_204 = tpu.memref_squeeze %dma_wait3A_203 : memref<1x1x128xi32, #tpu.memory_space<vmem>> -> memref<128xi32, #tpu.memory_space<vmem>>
      %dma_wait3A_205 = arith.constant 0 : i32
      %dma_wait3A_206 = arith.constant 0 : i32
      %dma_wait3A_207 = tpu.memref_slice %arg12[%dma_wait3A_205, %dma_wait3A_206] : memref<752x128xf32, #tpu.memory_space<vmem_shared>> -> memref<752x128xf32, #tpu.memory_space<vmem_shared>>
      tpu.wait_indirect_dma semaphore(%arg17 : memref<!tpu.dma_semaphore, #tpu.memory_space<semaphore_mem>>) src(%dma_wait3A_207 : memref<752x128xf32, #tpu.memory_space<vmem_shared>>) dst(%dma_wait3A_201 : memref<128x128xf32, #tpu.memory_space<vmem>>)
      %lt3A = arith.constant 98 : i32
      %lt3A_208 = arith.cmpi slt, %mul3A_160, %lt3A : i32
      %convert_element_type3A_209 = arith.extui %lt3A_208 : i1 to i32
      %cond3A_210 = arith.constant 0 : i32
      %cond3A_211 = arith.cmpi ne, %convert_element_type3A_209, %cond3A_210 : i32
      scf.if %cond3A_211 {
        %add3A_314 = arith.addi %mul3A_4, %mul3A_160 : i32
        %add3A_315 = arith.constant 2 : i32
        %add3A_316 = arith.addi %add3A_314, %add3A_315 : i32
        %dma_start3A_317 = arith.constant 0 : i32
        %dma_start3A_318 = arith.constant 0 : i32
        %dma_start3A_319 = arith.constant 0 : i32
        %dma_start3A_320 = tpu.memref_slice %arg2[%add3A_316, %dma_start3A_317, %dma_start3A_318, %dma_start3A_319] : memref<3200x3x2x128xi32, #tpu.memory_space<hbm>> -> memref<1x3x2x128xi32, #tpu.memory_space<hbm>>
        %dma_start3A_321 = tpu.memref_squeeze %dma_start3A_320 : memref<1x3x2x128xi32, #tpu.memory_space<hbm>> -> memref<3x2x128xi32, #tpu.memory_space<hbm>>
        %dma_start3A_322 = arith.constant 0 : i32
        %dma_start3A_323 = arith.constant 0 : i32
        %dma_start3A_324 = arith.constant 0 : i32
        %dma_start3A_325 = tpu.memref_slice %arg2[%add3A_316, %dma_start3A_322, %dma_start3A_323, %dma_start3A_324] : memref<3200x3x2x128xi32, #tpu.memory_space<hbm>> -> memref<1x3x2x128xi32, #tpu.memory_space<hbm>>
        %dma_start3A_326 = tpu.memref_squeeze %dma_start3A_325 : memref<1x3x2x128xi32, #tpu.memory_space<hbm>> -> memref<3x2x128xi32, #tpu.memory_space<hbm>>
        tpu.enqueue_dma source(%dma_start3A_326 : memref<3x2x128xi32, #tpu.memory_space<hbm>>) target(%arg7 : memref<3x2x128xi32, #tpu.memory_space<vmem>>) target_semaphore(%arg13 : memref<!tpu.dma_semaphore, #tpu.memory_space<semaphore_mem>>)
      } else {
      }
      %gt3A = arith.constant 0 : i32
      %gt3A_212 = arith.cmpi sgt, %mul3A_160, %gt3A : i32
      %convert_element_type3A_213 = arith.extui %gt3A_212 : i1 to i32
      %cond3A_214 = arith.constant 0 : i32
      %cond3A_215 = arith.cmpi ne, %convert_element_type3A_213, %cond3A_214 : i32
      scf.if %cond3A_215 {
        %dma_wait3A_314 = arith.constant 0 : i32
        %dma_wait3A_315 = tpu.memref_slice %arg6[%add3A_163, %dma_wait3A_314] : memref<819200x128xf32, #tpu.memory_space<hbm>> -> memref<256x128xf32, #tpu.memory_space<hbm>>
        %dma_wait3A_316 = arith.constant 0 : i32
        %dma_wait3A_317 = tpu.memref_slice %arg6[%add3A_163, %dma_wait3A_316] : memref<819200x128xf32, #tpu.memory_space<hbm>> -> memref<256x128xf32, #tpu.memory_space<hbm>>
        tpu.wait_dma2 semaphore(%arg20 : memref<!tpu.dma_semaphore, #tpu.memory_space<semaphore_mem>>) src(%arg10 : memref<256x128xf32, #tpu.memory_space<vmem>>) dst(%dma_wait3A_317 : memref<256x128xf32, #tpu.memory_space<hbm>>)
      } else {
      }
      %lt3A_216 = arith.constant 99 : i32
      %lt3A_217 = arith.cmpi slt, %mul3A_160, %lt3A_216 : i32
      %convert_element_type3A_218 = arith.extui %lt3A_217 : i1 to i32
      %cond3A_219 = arith.constant 0 : i32
      %cond3A_220 = arith.cmpi ne, %convert_element_type3A_218, %cond3A_219 : i32
      scf.if %cond3A_220 {
        %add3A_314 = arith.addi %mul3A_4, %mul3A_160 : i32
        %add3A_315 = arith.constant 1 : i32
        %add3A_316 = arith.addi %add3A_314, %add3A_315 : i32
        %dma_wait3A_317 = arith.constant 0 : i32
        %dma_wait3A_318 = arith.constant 0 : i32
        %dma_wait3A_319 = arith.constant 0 : i32
        %dma_wait3A_320 = tpu.memref_slice %arg2[%add3A_316, %dma_wait3A_317, %dma_wait3A_318, %dma_wait3A_319] : memref<3200x3x2x128xi32, #tpu.memory_space<hbm>> -> memref<1x3x2x128xi32, #tpu.memory_space<hbm>>
        %dma_wait3A_321 = tpu.memref_squeeze %dma_wait3A_320 : memref<1x3x2x128xi32, #tpu.memory_space<hbm>> -> memref<3x2x128xi32, #tpu.memory_space<hbm>>
        %dma_wait3A_322 = arith.constant 0 : i32
        %dma_wait3A_323 = arith.constant 0 : i32
        %dma_wait3A_324 = arith.constant 0 : i32
        %dma_wait3A_325 = tpu.memref_slice %arg2[%add3A_316, %dma_wait3A_322, %dma_wait3A_323, %dma_wait3A_324] : memref<3200x3x2x128xi32, #tpu.memory_space<hbm>> -> memref<1x3x2x128xi32, #tpu.memory_space<hbm>>
        %dma_wait3A_326 = tpu.memref_squeeze %dma_wait3A_325 : memref<1x3x2x128xi32, #tpu.memory_space<hbm>> -> memref<3x2x128xi32, #tpu.memory_space<hbm>>
        tpu.wait_dma2 semaphore(%arg14 : memref<!tpu.dma_semaphore, #tpu.memory_space<semaphore_mem>>) src(%dma_wait3A_326 : memref<3x2x128xi32, #tpu.memory_space<hbm>>) dst(%arg8 : memref<3x2x128xi32, #tpu.memory_space<vmem>>)
        %dma_start3A_327 = arith.constant 0 : i32
        %dma_start3A_328 = arith.constant 0 : i32
        %dma_start3A_329 = arith.constant 0 : i32
        %dma_start3A_330 = arith.constant 0 : i32
        %dma_start3A_331 = tpu.memref_slice %arg10[%dma_start3A_329, %dma_start3A_330] : memref<256x128xf32, #tpu.memory_space<vmem>> -> memref<128x128xf32, #tpu.memory_space<vmem>>
        %dma_start3A_332 = arith.constant 0 : i32
        %dma_start3A_333 = tpu.memref_slice %arg8[%dma_start3A_327, %dma_start3A_328, %dma_start3A_332] : memref<3x2x128xi32, #tpu.memory_space<vmem>> -> memref<1x1x128xi32, #tpu.memory_space<vmem>>
        %dma_start3A_334 = tpu.memref_squeeze %dma_start3A_333 : memref<1x1x128xi32, #tpu.memory_space<vmem>> -> memref<128xi32, #tpu.memory_space<vmem>>
        %dma_start3A_335 = arith.constant 0 : i32
        %dma_start3A_336 = arith.constant 0 : i32
        %dma_start3A_337 = tpu.memref_slice %arg3[%dma_start3A_335, %dma_start3A_336] : memref<100000x128xf32, #tpu.memory_space<hbm>> -> memref<100000x128xf32, #tpu.memory_space<hbm>>
        tpu.enqueue_indirect_dma source(%dma_start3A_337 : memref<100000x128xf32, #tpu.memory_space<hbm>>) target(%dma_start3A_331 : memref<128x128xf32, #tpu.memory_space<vmem>>) offsets(%dma_start3A_334 : memref<128xi32, #tpu.memory_space<vmem>>) semaphore(%arg16 : memref<!tpu.dma_semaphore, #tpu.memory_space<semaphore_mem>>)
        %dma_start3A_338 = arith.constant 0 : i32
        %dma_start3A_339 = arith.constant 1 : i32
        %dma_start3A_340 = arith.constant 128 : i32
        %dma_start3A_341 = arith.constant 0 : i32
        %dma_start3A_342 = tpu.memref_slice %arg10[%dma_start3A_340, %dma_start3A_341] : memref<256x128xf32, #tpu.memory_space<vmem>> -> memref<128x128xf32, #tpu.memory_space<vmem>>
        %dma_start3A_343 = arith.constant 0 : i32
        %dma_start3A_344 = tpu.memref_slice %arg8[%dma_start3A_338, %dma_start3A_339, %dma_start3A_343] : memref<3x2x128xi32, #tpu.memory_space<vmem>> -> memref<1x1x128xi32, #tpu.memory_space<vmem>>
        %dma_start3A_345 = tpu.memref_squeeze %dma_start3A_344 : memref<1x1x128xi32, #tpu.memory_space<vmem>> -> memref<128xi32, #tpu.memory_space<vmem>>
        %dma_start3A_346 = arith.constant 0 : i32
        %dma_start3A_347 = arith.constant 0 : i32
        %dma_start3A_348 = tpu.memref_slice %arg3[%dma_start3A_346, %dma_start3A_347] : memref<100000x128xf32, #tpu.memory_space<hbm>> -> memref<100000x128xf32, #tpu.memory_space<hbm>>
        tpu.enqueue_indirect_dma source(%dma_start3A_348 : memref<100000x128xf32, #tpu.memory_space<hbm>>) target(%dma_start3A_342 : memref<128x128xf32, #tpu.memory_space<vmem>>) offsets(%dma_start3A_345 : memref<128xi32, #tpu.memory_space<vmem>>) semaphore(%arg16 : memref<!tpu.dma_semaphore, #tpu.memory_space<semaphore_mem>>)
      } else {
      }
      %parallel_loop3A = arith.constant 0 : i32
      %parallel_loop3A_221 = arith.constant 128 : i32
      %parallel_loop3A_222 = arith.constant 1 : i32
      scf.for %parallel_loop3A_314 = %parallel_loop3A to %parallel_loop3A_221 step %parallel_loop3A_222  : i32 {
        %parallel_loop3A_315 = arith.index_cast %parallel_loop3A_314 : i32 to index
        %parallel_loop3A_316 = arith.constant 0 : index
        %parallel_loop3A_317 = tpu.vector_load %arg9[%parallel_loop3A_315, %parallel_loop3A_316] {strides = array<i32>} : memref<256x128xf32, #tpu.memory_space<vmem>>, vector<16xf32>,
        %parallel_loop3A_318 = arith.index_cast %parallel_loop3A_314 : i32 to index
        %parallel_loop3A_319 = arith.constant 16 : index
        %parallel_loop3A_320 = tpu.vector_load %arg9[%parallel_loop3A_318, %parallel_loop3A_319] {strides = array<i32>} : memref<256x128xf32, #tpu.memory_space<vmem>>, vector<16xf32>,
        %parallel_loop3A_321 = arith.index_cast %parallel_loop3A_314 : i32 to index
        %parallel_loop3A_322 = arith.constant 32 : index
        %parallel_loop3A_323 = tpu.vector_load %arg9[%parallel_loop3A_321, %parallel_loop3A_322] {strides = array<i32>} : memref<256x128xf32, #tpu.memory_space<vmem>>, vector<16xf32>,
        %parallel_loop3A_324 = arith.index_cast %parallel_loop3A_314 : i32 to index
        %parallel_loop3A_325 = arith.constant 48 : index
        %parallel_loop3A_326 = tpu.vector_load %arg9[%parallel_loop3A_324, %parallel_loop3A_325] {strides = array<i32>} : memref<256x128xf32, #tpu.memory_space<vmem>>, vector<16xf32>,
        %parallel_loop3A_327 = arith.index_cast %parallel_loop3A_314 : i32 to index
        %parallel_loop3A_328 = arith.constant 64 : index
        %parallel_loop3A_329 = tpu.vector_load %arg9[%parallel_loop3A_327, %parallel_loop3A_328] {strides = array<i32>} : memref<256x128xf32, #tpu.memory_space<vmem>>, vector<16xf32>,
        %parallel_loop3A_330 = arith.index_cast %parallel_loop3A_314 : i32 to index
        %parallel_loop3A_331 = arith.constant 80 : index
        %parallel_loop3A_332 = tpu.vector_load %arg9[%parallel_loop3A_330, %parallel_loop3A_331] {strides = array<i32>} : memref<256x128xf32, #tpu.memory_space<vmem>>, vector<16xf32>,
        %parallel_loop3A_333 = arith.index_cast %parallel_loop3A_314 : i32 to index
        %parallel_loop3A_334 = arith.constant 96 : index
        %parallel_loop3A_335 = tpu.vector_load %arg9[%parallel_loop3A_333, %parallel_loop3A_334] {strides = array<i32>} : memref<256x128xf32, #tpu.memory_space<vmem>>, vector<16xf32>,
        %parallel_loop3A_336 = arith.index_cast %parallel_loop3A_314 : i32 to index
        %parallel_loop3A_337 = arith.constant 112 : index
        %parallel_loop3A_338 = tpu.vector_load %arg9[%parallel_loop3A_336, %parallel_loop3A_337] {strides = array<i32>} : memref<256x128xf32, #tpu.memory_space<vmem>>, vector<16xf32>,
        %parallel_loop3A_339 = arith.addf %parallel_loop3A_317, %parallel_loop3A_320 : vector<16xf32>
        %parallel_loop3A_340 = arith.addf %parallel_loop3A_323, %parallel_loop3A_326 : vector<16xf32>
        %parallel_loop3A_341 = arith.addf %parallel_loop3A_329, %parallel_loop3A_332 : vector<16xf32>
        %parallel_loop3A_342 = arith.addf %parallel_loop3A_335, %parallel_loop3A_338 : vector<16xf32>
        %parallel_loop3A_343 = arith.addf %parallel_loop3A_339, %parallel_loop3A_340 : vector<16xf32>
        %parallel_loop3A_344 = arith.addf %parallel_loop3A_341, %parallel_loop3A_342 : vector<16xf32>
        %parallel_loop3A_345 = arith.addf %parallel_loop3A_343, %parallel_loop3A_344 : vector<16xf32>
        %parallel_loop3A_346 = arith.mulf %parallel_loop3A_317, %parallel_loop3A_317 : vector<16xf32>
        %parallel_loop3A_347 = arith.mulf %parallel_loop3A_320, %parallel_loop3A_320 : vector<16xf32>
        %parallel_loop3A_348 = arith.mulf %parallel_loop3A_323, %parallel_loop3A_323 : vector<16xf32>
        %parallel_loop3A_349 = arith.mulf %parallel_loop3A_326, %parallel_loop3A_326 : vector<16xf32>
        %parallel_loop3A_350 = arith.mulf %parallel_loop3A_329, %parallel_loop3A_329 : vector<16xf32>
        %parallel_loop3A_351 = arith.mulf %parallel_loop3A_332, %parallel_loop3A_332 : vector<16xf32>
        %parallel_loop3A_352 = arith.mulf %parallel_loop3A_335, %parallel_loop3A_335 : vector<16xf32>
        %parallel_loop3A_353 = arith.mulf %parallel_loop3A_338, %parallel_loop3A_338 : vector<16xf32>
        %parallel_loop3A_354 = arith.addf %parallel_loop3A_346, %parallel_loop3A_347 : vector<16xf32>
        %parallel_loop3A_355 = arith.addf %parallel_loop3A_348, %parallel_loop3A_349 : vector<16xf32>
        %parallel_loop3A_356 = arith.addf %parallel_loop3A_350, %parallel_loop3A_351 : vector<16xf32>
        %parallel_loop3A_357 = arith.addf %parallel_loop3A_352, %parallel_loop3A_353 : vector<16xf32>
        %parallel_loop3A_358 = arith.addf %parallel_loop3A_354, %parallel_loop3A_355 : vector<16xf32>
        %parallel_loop3A_359 = arith.addf %parallel_loop3A_356, %parallel_loop3A_357 : vector<16xf32>
        %parallel_loop3A_360 = arith.addf %parallel_loop3A_358, %parallel_loop3A_359 : vector<16xf32>
        %parallel_loop3A_361 = arith.constant 0 : i32
        %parallel_loop3A_362 = vector.broadcast %parallel_loop3A_361 : i32 to vector<16xi32>
        %parallel_loop3A_363 = arith.cmpi slt, %xor3A_8, %parallel_loop3A_362 : vector<16xi32>
        %parallel_loop3A_364 = arith.constant 16 : i32
        %parallel_loop3A_365 = vector.broadcast %parallel_loop3A_364 : i32 to vector<16xi32>
        %parallel_loop3A_366 = arith.addi %xor3A_8, %parallel_loop3A_365 : vector<16xi32>
        %parallel_loop3A_367 = arith.select %parallel_loop3A_363, %parallel_loop3A_366, %xor3A_8 : vector<16xi1>, vector<16xi32>
        %parallel_loop3A_368 = vector.shape_cast %parallel_loop3A_367 : vector<16xi32> to vector<16x1xi32>
        %parallel_loop3A_369 = vector.shape_cast %parallel_loop3A_368 : vector<16x1xi32> to vector<16xi32>
        %parallel_loop3A_370 = tpu.dynamic_gather %parallel_loop3A_345[%parallel_loop3A_369] in [0] : vector<16xf32>, vector<16xi32> -> vector<16xf32>
        %parallel_loop3A_371 = arith.addf %parallel_loop3A_345, %parallel_loop3A_370 : vector<16xf32>
        %parallel_loop3A_372 = arith.constant 0 : i32
        %parallel_loop3A_373 = vector.broadcast %parallel_loop3A_372 : i32 to vector<16xi32>
        %parallel_loop3A_374 = arith.cmpi slt, %xor3A_8, %parallel_loop3A_373 : vector<16xi32>
        %parallel_loop3A_375 = arith.constant 16 : i32
        %parallel_loop3A_376 = vector.broadcast %parallel_loop3A_375 : i32 to vector<16xi32>
        %parallel_loop3A_377 = arith.addi %xor3A_8, %parallel_loop3A_376 : vector<16xi32>
        %parallel_loop3A_378 = arith.select %parallel_loop3A_374, %parallel_loop3A_377, %xor3A_8 : vector<16xi1>, vector<16xi32>
        %parallel_loop3A_379 = vector.shape_cast %parallel_loop3A_378 : vector<16xi32> to vector<16x1xi32>
        %parallel_loop3A_380 = vector.shape_cast %parallel_loop3A_379 : vector<16x1xi32> to vector<16xi32>
        %parallel_loop3A_381 = tpu.dynamic_gather %parallel_loop3A_360[%parallel_loop3A_380] in [0] : vector<16xf32>, vector<16xi32> -> vector<16xf32>
        %parallel_loop3A_382 = arith.addf %parallel_loop3A_360, %parallel_loop3A_381 : vector<16xf32>
        %parallel_loop3A_383 = arith.constant 0 : i32
        %parallel_loop3A_384 = vector.broadcast %parallel_loop3A_383 : i32 to vector<16xi32>
        %parallel_loop3A_385 = arith.cmpi slt, %xor3A_11, %parallel_loop3A_384 : vector<16xi32>
        %parallel_loop3A_386 = arith.constant 16 : i32
        %parallel_loop3A_387 = vector.broadcast %parallel_loop3A_386 : i32 to vector<16xi32>
        %parallel_loop3A_388 = arith.addi %xor3A_11, %parallel_loop3A_387 : vector<16xi32>
        %parallel_loop3A_389 = arith.select %parallel_loop3A_385, %parallel_loop3A_388, %xor3A_11 : vector<16xi1>, vector<16xi32>
        %parallel_loop3A_390 = vector.shape_cast %parallel_loop3A_389 : vector<16xi32> to vector<16x1xi32>
        %parallel_loop3A_391 = vector.shape_cast %parallel_loop3A_390 : vector<16x1xi32> to vector<16xi32>
        %parallel_loop3A_392 = tpu.dynamic_gather %parallel_loop3A_371[%parallel_loop3A_391] in [0] : vector<16xf32>, vector<16xi32> -> vector<16xf32>
        %parallel_loop3A_393 = arith.addf %parallel_loop3A_371, %parallel_loop3A_392 : vector<16xf32>
        %parallel_loop3A_394 = arith.constant 0 : i32
        %parallel_loop3A_395 = vector.broadcast %parallel_loop3A_394 : i32 to vector<16xi32>
        %parallel_loop3A_396 = arith.cmpi slt, %xor3A_11, %parallel_loop3A_395 : vector<16xi32>
        %parallel_loop3A_397 = arith.constant 16 : i32
        %parallel_loop3A_398 = vector.broadcast %parallel_loop3A_397 : i32 to vector<16xi32>
        %parallel_loop3A_399 = arith.addi %xor3A_11, %parallel_loop3A_398 : vector<16xi32>
        %parallel_loop3A_400 = arith.select %parallel_loop3A_396, %parallel_loop3A_399, %xor3A_11 : vector<16xi1>, vector<16xi32>
        %parallel_loop3A_401 = vector.shape_cast %parallel_loop3A_400 : vector<16xi32> to vector<16x1xi32>
        %parallel_loop3A_402 = vector.shape_cast %parallel_loop3A_401 : vector<16x1xi32> to vector<16xi32>
        %parallel_loop3A_403 = tpu.dynamic_gather %parallel_loop3A_382[%parallel_loop3A_402] in [0] : vector<16xf32>, vector<16xi32> -> vector<16xf32>
        %parallel_loop3A_404 = arith.addf %parallel_loop3A_382, %parallel_loop3A_403 : vector<16xf32>
        %parallel_loop3A_405 = arith.constant 0 : i32
        %parallel_loop3A_406 = vector.broadcast %parallel_loop3A_405 : i32 to vector<16xi32>
        %parallel_loop3A_407 = arith.cmpi slt, %xor3A_14, %parallel_loop3A_406 : vector<16xi32>
        %parallel_loop3A_408 = arith.constant 16 : i32
        %parallel_loop3A_409 = vector.broadcast %parallel_loop3A_408 : i32 to vector<16xi32>
        %parallel_loop3A_410 = arith.addi %xor3A_14, %parallel_loop3A_409 : vector<16xi32>
        %parallel_loop3A_411 = arith.select %parallel_loop3A_407, %parallel_loop3A_410, %xor3A_14 : vector<16xi1>, vector<16xi32>
        %parallel_loop3A_412 = vector.shape_cast %parallel_loop3A_411 : vector<16xi32> to vector<16x1xi32>
        %parallel_loop3A_413 = vector.shape_cast %parallel_loop3A_412 : vector<16x1xi32> to vector<16xi32>
        %parallel_loop3A_414 = tpu.dynamic_gather %parallel_loop3A_393[%parallel_loop3A_413] in [0] : vector<16xf32>, vector<16xi32> -> vector<16xf32>
        %parallel_loop3A_415 = arith.addf %parallel_loop3A_393, %parallel_loop3A_414 : vector<16xf32>
        %parallel_loop3A_416 = arith.constant 0 : i32
        %parallel_loop3A_417 = vector.broadcast %parallel_loop3A_416 : i32 to vector<16xi32>
        %parallel_loop3A_418 = arith.cmpi slt, %xor3A_14, %parallel_loop3A_417 : vector<16xi32>
        %parallel_loop3A_419 = arith.constant 16 : i32
        %parallel_loop3A_420 = vector.broadcast %parallel_loop3A_419 : i32 to vector<16xi32>
        %parallel_loop3A_421 = arith.addi %xor3A_14, %parallel_loop3A_420 : vector<16xi32>
        %parallel_loop3A_422 = arith.select %parallel_loop3A_418, %parallel_loop3A_421, %xor3A_14 : vector<16xi1>, vector<16xi32>
        %parallel_loop3A_423 = vector.shape_cast %parallel_loop3A_422 : vector<16xi32> to vector<16x1xi32>
        %parallel_loop3A_424 = vector.shape_cast %parallel_loop3A_423 : vector<16x1xi32> to vector<16xi32>
        %parallel_loop3A_425 = tpu.dynamic_gather %parallel_loop3A_404[%parallel_loop3A_424] in [0] : vector<16xf32>, vector<16xi32> -> vector<16xf32>
        %parallel_loop3A_426 = arith.addf %parallel_loop3A_404, %parallel_loop3A_425 : vector<16xf32>
        %parallel_loop3A_427 = arith.constant 0 : i32
        %parallel_loop3A_428 = vector.broadcast %parallel_loop3A_427 : i32 to vector<16xi32>
        %parallel_loop3A_429 = arith.cmpi slt, %xor3A_17, %parallel_loop3A_428 : vector<16xi32>
        %parallel_loop3A_430 = arith.constant 16 : i32
        %parallel_loop3A_431 = vector.broadcast %parallel_loop3A_430 : i32 to vector<16xi32>
        %parallel_loop3A_432 = arith.addi %xor3A_17, %parallel_loop3A_431 : vector<16xi32>
        %parallel_loop3A_433 = arith.select %parallel_loop3A_429, %parallel_loop3A_432, %xor3A_17 : vector<16xi1>, vector<16xi32>
        %parallel_loop3A_434 = vector.shape_cast %parallel_loop3A_433 : vector<16xi32> to vector<16x1xi32>
        %parallel_loop3A_435 = vector.shape_cast %parallel_loop3A_434 : vector<16x1xi32> to vector<16xi32>
        %parallel_loop3A_436 = tpu.dynamic_gather %parallel_loop3A_415[%parallel_loop3A_435] in [0] : vector<16xf32>, vector<16xi32> -> vector<16xf32>
        %parallel_loop3A_437 = arith.addf %parallel_loop3A_415, %parallel_loop3A_436 : vector<16xf32>
        %parallel_loop3A_438 = arith.constant 0 : i32
        %parallel_loop3A_439 = vector.broadcast %parallel_loop3A_438 : i32 to vector<16xi32>
        %parallel_loop3A_440 = arith.cmpi slt, %xor3A_17, %parallel_loop3A_439 : vector<16xi32>
        %parallel_loop3A_441 = arith.constant 16 : i32
        %parallel_loop3A_442 = vector.broadcast %parallel_loop3A_441 : i32 to vector<16xi32>
        %parallel_loop3A_443 = arith.addi %xor3A_17, %parallel_loop3A_442 : vector<16xi32>
        %parallel_loop3A_444 = arith.select %parallel_loop3A_440, %parallel_loop3A_443, %xor3A_17 : vector<16xi1>, vector<16xi32>
        %parallel_loop3A_445 = vector.shape_cast %parallel_loop3A_444 : vector<16xi32> to vector<16x1xi32>
        %parallel_loop3A_446 = vector.shape_cast %parallel_loop3A_445 : vector<16x1xi32> to vector<16xi32>
        %parallel_loop3A_447 = tpu.dynamic_gather %parallel_loop3A_426[%parallel_loop3A_446] in [0] : vector<16xf32>, vector<16xi32> -> vector<16xf32>
        %parallel_loop3A_448 = arith.addf %parallel_loop3A_426, %parallel_loop3A_447 : vector<16xf32>
        %parallel_loop3A_449 = arith.constant 7.812500e-03 : f32
        %parallel_loop3A_450 = vector.broadcast %parallel_loop3A_449 : f32 to vector<16xf32>
        %parallel_loop3A_451 = arith.mulf %parallel_loop3A_437, %parallel_loop3A_450 : vector<16xf32>
        %parallel_loop3A_452 = arith.constant 7.812500e-03 : f32
        %parallel_loop3A_453 = vector.broadcast %parallel_loop3A_452 : f32 to vector<16xf32>
        %parallel_loop3A_454 = arith.mulf %parallel_loop3A_448, %parallel_loop3A_453 : vector<16xf32>
        %parallel_loop3A_455 = arith.mulf %parallel_loop3A_451, %parallel_loop3A_451 : vector<16xf32>
        %parallel_loop3A_456 = arith.subf %parallel_loop3A_454, %parallel_loop3A_455 : vector<16xf32>
        %parallel_loop3A_457 = arith.constant 9.99999974E-6 : f32
        %parallel_loop3A_458 = vector.broadcast %parallel_loop3A_457 : f32 to vector<16xf32>
        %parallel_loop3A_459 = arith.addf %parallel_loop3A_456, %parallel_loop3A_458 : vector<16xf32>
        %parallel_loop3A_460 = vector.bitcast %parallel_loop3A_459 : vector<16xf32> to vector<16xi32>
        %parallel_loop3A_461 = arith.constant 1 : i32
        %parallel_loop3A_462 = vector.broadcast %parallel_loop3A_461 : i32 to vector<16xi32>
        %parallel_loop3A_463 = arith.shrsi %parallel_loop3A_460, %parallel_loop3A_462 : vector<16xi32>
        %parallel_loop3A_464 = arith.constant 1597463007 : i32
        %parallel_loop3A_465 = vector.broadcast %parallel_loop3A_464 : i32 to vector<16xi32>
        %parallel_loop3A_466 = arith.subi %parallel_loop3A_465, %parallel_loop3A_463 : vector<16xi32>
        %parallel_loop3A_467 = vector.bitcast %parallel_loop3A_466 : vector<16xi32> to vector<16xf32>
        %parallel_loop3A_468 = arith.constant 5.000000e-01 : f32
        %parallel_loop3A_469 = vector.broadcast %parallel_loop3A_468 : f32 to vector<16xf32>
        %parallel_loop3A_470 = arith.mulf %parallel_loop3A_459, %parallel_loop3A_469 : vector<16xf32>
        %parallel_loop3A_471 = arith.mulf %parallel_loop3A_470, %parallel_loop3A_467 : vector<16xf32>
        %parallel_loop3A_472 = arith.mulf %parallel_loop3A_471, %parallel_loop3A_467 : vector<16xf32>
        %parallel_loop3A_473 = arith.constant 1.500000e+00 : f32
        %parallel_loop3A_474 = vector.broadcast %parallel_loop3A_473 : f32 to vector<16xf32>
        %parallel_loop3A_475 = arith.subf %parallel_loop3A_474, %parallel_loop3A_472 : vector<16xf32>
        %parallel_loop3A_476 = arith.mulf %parallel_loop3A_467, %parallel_loop3A_475 : vector<16xf32>
        %parallel_loop3A_477 = arith.mulf %parallel_loop3A_470, %parallel_loop3A_476 : vector<16xf32>
        %parallel_loop3A_478 = arith.mulf %parallel_loop3A_477, %parallel_loop3A_476 : vector<16xf32>
        %parallel_loop3A_479 = arith.constant 1.500000e+00 : f32
        %parallel_loop3A_480 = vector.broadcast %parallel_loop3A_479 : f32 to vector<16xf32>
        %parallel_loop3A_481 = arith.subf %parallel_loop3A_480, %parallel_loop3A_478 : vector<16xf32>
        %parallel_loop3A_482 = arith.mulf %parallel_loop3A_476, %parallel_loop3A_481 : vector<16xf32>
        %parallel_loop3A_483 = arith.subf %parallel_loop3A_317, %parallel_loop3A_451 : vector<16xf32>
        %parallel_loop3A_484 = arith.mulf %parallel_loop3A_483, %parallel_loop3A_482 : vector<16xf32>
        %parallel_loop3A_485 = arith.mulf %parallel_loop3A_484, %get3A_18 : vector<16xf32>
        %parallel_loop3A_486 = arith.addf %parallel_loop3A_485, %get3A_34 : vector<16xf32>
        %parallel_loop3A_487 = arith.index_cast %parallel_loop3A_314 : i32 to index
        %parallel_loop3A_488 = arith.constant 0 : index
        %parallel_loop3A_489 = tpu.vector_load %arg9[%parallel_loop3A_487, %parallel_loop3A_488] {strides = array<i32>} : memref<256x128xf32, #tpu.memory_space<vmem>>, vector<16xf32>,
        tpu.vector_store %arg9[%parallel_loop3A_487, %parallel_loop3A_488], %parallel_loop3A_486 {strides = array<i32>} : memref<256x128xf32, #tpu.memory_space<vmem>>, vector<16xf32>,
        %parallel_loop3A_490 = arith.subf %parallel_loop3A_320, %parallel_loop3A_451 : vector<16xf32>
        %parallel_loop3A_491 = arith.mulf %parallel_loop3A_490, %parallel_loop3A_482 : vector<16xf32>
        %parallel_loop3A_492 = arith.mulf %parallel_loop3A_491, %get3A_20 : vector<16xf32>
        %parallel_loop3A_493 = arith.addf %parallel_loop3A_492, %get3A_36 : vector<16xf32>
        %parallel_loop3A_494 = arith.index_cast %parallel_loop3A_314 : i32 to index
        %parallel_loop3A_495 = arith.constant 16 : index
        %parallel_loop3A_496 = tpu.vector_load %arg9[%parallel_loop3A_494, %parallel_loop3A_495] {strides = array<i32>} : memref<256x128xf32, #tpu.memory_space<vmem>>, vector<16xf32>,
        tpu.vector_store %arg9[%parallel_loop3A_494, %parallel_loop3A_495], %parallel_loop3A_493 {strides = array<i32>} : memref<256x128xf32, #tpu.memory_space<vmem>>, vector<16xf32>,
        %parallel_loop3A_497 = arith.subf %parallel_loop3A_323, %parallel_loop3A_451 : vector<16xf32>
        %parallel_loop3A_498 = arith.mulf %parallel_loop3A_497, %parallel_loop3A_482 : vector<16xf32>
        %parallel_loop3A_499 = arith.mulf %parallel_loop3A_498, %get3A_22 : vector<16xf32>
        %parallel_loop3A_500 = arith.addf %parallel_loop3A_499, %get3A_38 : vector<16xf32>
        %parallel_loop3A_501 = arith.index_cast %parallel_loop3A_314 : i32 to index
        %parallel_loop3A_502 = arith.constant 32 : index
        %parallel_loop3A_503 = tpu.vector_load %arg9[%parallel_loop3A_501, %parallel_loop3A_502] {strides = array<i32>} : memref<256x128xf32, #tpu.memory_space<vmem>>, vector<16xf32>,
        tpu.vector_store %arg9[%parallel_loop3A_501, %parallel_loop3A_502], %parallel_loop3A_500 {strides = array<i32>} : memref<256x128xf32, #tpu.memory_space<vmem>>, vector<16xf32>,
        %parallel_loop3A_504 = arith.subf %parallel_loop3A_326, %parallel_loop3A_451 : vector<16xf32>
        %parallel_loop3A_505 = arith.mulf %parallel_loop3A_504, %parallel_loop3A_482 : vector<16xf32>
        %parallel_loop3A_506 = arith.mulf %parallel_loop3A_505, %get3A_24 : vector<16xf32>
        %parallel_loop3A_507 = arith.addf %parallel_loop3A_506, %get3A_40 : vector<16xf32>
        %parallel_loop3A_508 = arith.index_cast %parallel_loop3A_314 : i32 to index
        %parallel_loop3A_509 = arith.constant 48 : index
        %parallel_loop3A_510 = tpu.vector_load %arg9[%parallel_loop3A_508, %parallel_loop3A_509] {strides = array<i32>} : memref<256x128xf32, #tpu.memory_space<vmem>>, vector<16xf32>,
        tpu.vector_store %arg9[%parallel_loop3A_508, %parallel_loop3A_509], %parallel_loop3A_507 {strides = array<i32>} : memref<256x128xf32, #tpu.memory_space<vmem>>, vector<16xf32>,
        %parallel_loop3A_511 = arith.subf %parallel_loop3A_329, %parallel_loop3A_451 : vector<16xf32>
        %parallel_loop3A_512 = arith.mulf %parallel_loop3A_511, %parallel_loop3A_482 : vector<16xf32>
        %parallel_loop3A_513 = arith.mulf %parallel_loop3A_512, %get3A_26 : vector<16xf32>
        %parallel_loop3A_514 = arith.addf %parallel_loop3A_513, %get3A_42 : vector<16xf32>
        %parallel_loop3A_515 = arith.index_cast %parallel_loop3A_314 : i32 to index
        %parallel_loop3A_516 = arith.constant 64 : index
        %parallel_loop3A_517 = tpu.vector_load %arg9[%parallel_loop3A_515, %parallel_loop3A_516] {strides = array<i32>} : memref<256x128xf32, #tpu.memory_space<vmem>>, vector<16xf32>,
        tpu.vector_store %arg9[%parallel_loop3A_515, %parallel_loop3A_516], %parallel_loop3A_514 {strides = array<i32>} : memref<256x128xf32, #tpu.memory_space<vmem>>, vector<16xf32>,
        %parallel_loop3A_518 = arith.subf %parallel_loop3A_332, %parallel_loop3A_451 : vector<16xf32>
        %parallel_loop3A_519 = arith.mulf %parallel_loop3A_518, %parallel_loop3A_482 : vector<16xf32>
        %parallel_loop3A_520 = arith.mulf %parallel_loop3A_519, %get3A_28 : vector<16xf32>
        %parallel_loop3A_521 = arith.addf %parallel_loop3A_520, %get3A_44 : vector<16xf32>
        %parallel_loop3A_522 = arith.index_cast %parallel_loop3A_314 : i32 to index
        %parallel_loop3A_523 = arith.constant 80 : index
        %parallel_loop3A_524 = tpu.vector_load %arg9[%parallel_loop3A_522, %parallel_loop3A_523] {strides = array<i32>} : memref<256x128xf32, #tpu.memory_space<vmem>>, vector<16xf32>,
        tpu.vector_store %arg9[%parallel_loop3A_522, %parallel_loop3A_523], %parallel_loop3A_521 {strides = array<i32>} : memref<256x128xf32, #tpu.memory_space<vmem>>, vector<16xf32>,
        %parallel_loop3A_525 = arith.subf %parallel_loop3A_335, %parallel_loop3A_451 : vector<16xf32>
        %parallel_loop3A_526 = arith.mulf %parallel_loop3A_525, %parallel_loop3A_482 : vector<16xf32>
        %parallel_loop3A_527 = arith.mulf %parallel_loop3A_526, %get3A_30 : vector<16xf32>
        %parallel_loop3A_528 = arith.addf %parallel_loop3A_527, %get3A_46 : vector<16xf32>
        %parallel_loop3A_529 = arith.index_cast %parallel_loop3A_314 : i32 to index
        %parallel_loop3A_530 = arith.constant 96 : index
        %parallel_loop3A_531 = tpu.vector_load %arg9[%parallel_loop3A_529, %parallel_loop3A_530] {strides = array<i32>} : memref<256x128xf32, #tpu.memory_space<vmem>>, vector<16xf32>,
        tpu.vector_store %arg9[%parallel_loop3A_529, %parallel_loop3A_530], %parallel_loop3A_528 {strides = array<i32>} : memref<256x128xf32, #tpu.memory_space<vmem>>, vector<16xf32>,
        %parallel_loop3A_532 = arith.subf %parallel_loop3A_338, %parallel_loop3A_451 : vector<16xf32>
        %parallel_loop3A_533 = arith.mulf %parallel_loop3A_532, %parallel_loop3A_482 : vector<16xf32>
        %parallel_loop3A_534 = arith.mulf %parallel_loop3A_533, %get3A_32 : vector<16xf32>
        %parallel_loop3A_535 = arith.addf %parallel_loop3A_534, %get3A_48 : vector<16xf32>
        %parallel_loop3A_536 = arith.index_cast %parallel_loop3A_314 : i32 to index
        %parallel_loop3A_537 = arith.constant 112 : index
        %parallel_loop3A_538 = tpu.vector_load %arg9[%parallel_loop3A_536, %parallel_loop3A_537] {strides = array<i32>} : memref<256x128xf32, #tpu.memory_space<vmem>>, vector<16xf32>,
        tpu.vector_store %arg9[%parallel_loop3A_536, %parallel_loop3A_537], %parallel_loop3A_535 {strides = array<i32>} : memref<256x128xf32, #tpu.memory_space<vmem>>, vector<16xf32>,
      } {sc.loop_unroll_factor = 1 : i64, sc.parallel_access}
      %lt3A_223 = arith.constant 99 : i32
      %lt3A_224 = arith.cmpi slt, %mul3A_160, %lt3A_223 : i32
      %convert_element_type3A_225 = arith.extui %lt3A_224 : i1 to i32
      %cond3A_226 = arith.constant 0 : i32
      %cond3A_227 = arith.cmpi ne, %convert_element_type3A_225, %cond3A_226 : i32
      scf.if %cond3A_227 {
        %dma_wait3A_314 = arith.constant 0 : i32
        %dma_wait3A_315 = arith.constant 0 : i32
        %dma_wait3A_316 = arith.constant 0 : i32
        %dma_wait3A_317 = arith.constant 0 : i32
        %dma_wait3A_318 = tpu.memref_slice %arg10[%dma_wait3A_316, %dma_wait3A_317] : memref<256x128xf32, #tpu.memory_space<vmem>> -> memref<128x128xf32, #tpu.memory_space<vmem>>
        %dma_wait3A_319 = arith.constant 0 : i32
        %dma_wait3A_320 = tpu.memref_slice %arg8[%dma_wait3A_314, %dma_wait3A_315, %dma_wait3A_319] : memref<3x2x128xi32, #tpu.memory_space<vmem>> -> memref<1x1x128xi32, #tpu.memory_space<vmem>>
        %dma_wait3A_321 = tpu.memref_squeeze %dma_wait3A_320 : memref<1x1x128xi32, #tpu.memory_space<vmem>> -> memref<128xi32, #tpu.memory_space<vmem>>
        %dma_wait3A_322 = arith.constant 0 : i32
        %dma_wait3A_323 = arith.constant 0 : i32
        %dma_wait3A_324 = tpu.memref_slice %arg3[%dma_wait3A_322, %dma_wait3A_323] : memref<100000x128xf32, #tpu.memory_space<hbm>> -> memref<100000x128xf32, #tpu.memory_space<hbm>>
        tpu.wait_indirect_dma semaphore(%arg16 : memref<!tpu.dma_semaphore, #tpu.memory_space<semaphore_mem>>) src(%dma_wait3A_324 : memref<100000x128xf32, #tpu.memory_space<hbm>>) dst(%dma_wait3A_318 : memref<128x128xf32, #tpu.memory_space<vmem>>)
        %dma_wait3A_325 = arith.constant 0 : i32
        %dma_wait3A_326 = arith.constant 1 : i32
        %dma_wait3A_327 = arith.constant 128 : i32
        %dma_wait3A_328 = arith.constant 0 : i32
        %dma_wait3A_329 = tpu.memref_slice %arg10[%dma_wait3A_327, %dma_wait3A_328] : memref<256x128xf32, #tpu.memory_space<vmem>> -> memref<128x128xf32, #tpu.memory_space<vmem>>
        %dma_wait3A_330 = arith.constant 0 : i32
        %dma_wait3A_331 = tpu.memref_slice %arg8[%dma_wait3A_325, %dma_wait3A_326, %dma_wait3A_330] : memref<3x2x128xi32, #tpu.memory_space<vmem>> -> memref<1x1x128xi32, #tpu.memory_space<vmem>>
        %dma_wait3A_332 = tpu.memref_squeeze %dma_wait3A_331 : memref<1x1x128xi32, #tpu.memory_space<vmem>> -> memref<128xi32, #tpu.memory_space<vmem>>
        %dma_wait3A_333 = arith.constant 0 : i32
        %dma_wait3A_334 = arith.constant 0 : i32
        %dma_wait3A_335 = tpu.memref_slice %arg3[%dma_wait3A_333, %dma_wait3A_334] : memref<100000x128xf32, #tpu.memory_space<hbm>> -> memref<100000x128xf32, #tpu.memory_space<hbm>>
        tpu.wait_indirect_dma semaphore(%arg16 : memref<!tpu.dma_semaphore, #tpu.memory_space<semaphore_mem>>) src(%dma_wait3A_335 : memref<100000x128xf32, #tpu.memory_space<hbm>>) dst(%dma_wait3A_329 : memref<128x128xf32, #tpu.memory_space<vmem>>)
        %dma_start3A_336 = arith.constant 1 : i32
        %dma_start3A_337 = arith.constant 0 : i32
        %dma_start3A_338 = arith.constant 0 : i32
        %dma_start3A_339 = arith.constant 0 : i32
        %dma_start3A_340 = tpu.memref_slice %arg10[%dma_start3A_338, %dma_start3A_339] : memref<256x128xf32, #tpu.memory_space<vmem>> -> memref<128x128xf32, #tpu.memory_space<vmem>>
        %dma_start3A_341 = arith.constant 0 : i32
        %dma_start3A_342 = tpu.memref_slice %arg8[%dma_start3A_336, %dma_start3A_337, %dma_start3A_341] : memref<3x2x128xi32, #tpu.memory_space<vmem>> -> memref<1x1x128xi32, #tpu.memory_space<vmem>>
        %dma_start3A_343 = tpu.memref_squeeze %dma_start3A_342 : memref<1x1x128xi32, #tpu.memory_space<vmem>> -> memref<128xi32, #tpu.memory_space<vmem>>
        %dma_start3A_344 = arith.constant 0 : i32
        %dma_start3A_345 = arith.constant 0 : i32
        %dma_start3A_346 = tpu.memref_slice %arg12[%dma_start3A_344, %dma_start3A_345] : memref<752x128xf32, #tpu.memory_space<vmem_shared>> -> memref<752x128xf32, #tpu.memory_space<vmem_shared>>
        tpu.enqueue_indirect_dma source(%dma_start3A_346 : memref<752x128xf32, #tpu.memory_space<vmem_shared>>) target(%dma_start3A_340 : memref<128x128xf32, #tpu.memory_space<vmem>>) offsets(%dma_start3A_343 : memref<128xi32, #tpu.memory_space<vmem>>) semaphore(%arg18 : memref<!tpu.dma_semaphore, #tpu.memory_space<semaphore_mem>>) {add = true}
        %dma_start3A_347 = arith.constant 2 : i32
        %dma_start3A_348 = arith.constant 0 : i32
        %dma_start3A_349 = arith.constant 0 : i32
        %dma_start3A_350 = arith.constant 0 : i32
        %dma_start3A_351 = tpu.memref_slice %arg10[%dma_start3A_349, %dma_start3A_350] : memref<256x128xf32, #tpu.memory_space<vmem>> -> memref<128x128xf32, #tpu.memory_space<vmem>>
        %dma_start3A_352 = arith.constant 0 : i32
        %dma_start3A_353 = tpu.memref_slice %arg8[%dma_start3A_347, %dma_start3A_348, %dma_start3A_352] : memref<3x2x128xi32, #tpu.memory_space<vmem>> -> memref<1x1x128xi32, #tpu.memory_space<vmem>>
        %dma_start3A_354 = tpu.memref_squeeze %dma_start3A_353 : memref<1x1x128xi32, #tpu.memory_space<vmem>> -> memref<128xi32, #tpu.memory_space<vmem>>
        %dma_start3A_355 = arith.constant 0 : i32
        %dma_start3A_356 = arith.constant 0 : i32
        %dma_start3A_357 = tpu.memref_slice %arg12[%dma_start3A_355, %dma_start3A_356] : memref<752x128xf32, #tpu.memory_space<vmem_shared>> -> memref<752x128xf32, #tpu.memory_space<vmem_shared>>
        tpu.enqueue_indirect_dma source(%dma_start3A_357 : memref<752x128xf32, #tpu.memory_space<vmem_shared>>) target(%dma_start3A_351 : memref<128x128xf32, #tpu.memory_space<vmem>>) offsets(%dma_start3A_354 : memref<128xi32, #tpu.memory_space<vmem>>) semaphore(%arg18 : memref<!tpu.dma_semaphore, #tpu.memory_space<semaphore_mem>>) {add = true}
        %dma_start3A_358 = arith.constant 1 : i32
        %dma_start3A_359 = arith.constant 1 : i32
        %dma_start3A_360 = arith.constant 128 : i32
        %dma_start3A_361 = arith.constant 0 : i32
        %dma_start3A_362 = tpu.memref_slice %arg10[%dma_start3A_360, %dma_start3A_361] : memref<256x128xf32, #tpu.memory_space<vmem>> -> memref<128x128xf32, #tpu.memory_space<vmem>>
        %dma_start3A_363 = arith.constant 0 : i32
        %dma_start3A_364 = tpu.memref_slice %arg8[%dma_start3A_358, %dma_start3A_359, %dma_start3A_363] : memref<3x2x128xi32, #tpu.memory_space<vmem>> -> memref<1x1x128xi32, #tpu.memory_space<vmem>>
        %dma_start3A_365 = tpu.memref_squeeze %dma_start3A_364 : memref<1x1x128xi32, #tpu.memory_space<vmem>> -> memref<128xi32, #tpu.memory_space<vmem>>
        %dma_start3A_366 = arith.constant 0 : i32
        %dma_start3A_367 = arith.constant 0 : i32
        %dma_start3A_368 = tpu.memref_slice %arg12[%dma_start3A_366, %dma_start3A_367] : memref<752x128xf32, #tpu.memory_space<vmem_shared>> -> memref<752x128xf32, #tpu.memory_space<vmem_shared>>
        tpu.enqueue_indirect_dma source(%dma_start3A_368 : memref<752x128xf32, #tpu.memory_space<vmem_shared>>) target(%dma_start3A_362 : memref<128x128xf32, #tpu.memory_space<vmem>>) offsets(%dma_start3A_365 : memref<128xi32, #tpu.memory_space<vmem>>) semaphore(%arg18 : memref<!tpu.dma_semaphore, #tpu.memory_space<semaphore_mem>>) {add = true}
        %dma_start3A_369 = arith.constant 2 : i32
        %dma_start3A_370 = arith.constant 1 : i32
        %dma_start3A_371 = arith.constant 128 : i32
        %dma_start3A_372 = arith.constant 0 : i32
        %dma_start3A_373 = tpu.memref_slice %arg10[%dma_start3A_371, %dma_start3A_372] : memref<256x128xf32, #tpu.memory_space<vmem>> -> memref<128x128xf32, #tpu.memory_space<vmem>>
        %dma_start3A_374 = arith.constant 0 : i32
        %dma_start3A_375 = tpu.memref_slice %arg8[%dma_start3A_369, %dma_start3A_370, %dma_start3A_374] : memref<3x2x128xi32, #tpu.memory_space<vmem>> -> memref<1x1x128xi32, #tpu.memory_space<vmem>>
        %dma_start3A_376 = tpu.memref_squeeze %dma_start3A_375 : memref<1x1x128xi32, #tpu.memory_space<vmem>> -> memref<128xi32, #tpu.memory_space<vmem>>
        %dma_start3A_377 = arith.constant 0 : i32
        %dma_start3A_378 = arith.constant 0 : i32
        %dma_start3A_379 = tpu.memref_slice %arg12[%dma_start3A_377, %dma_start3A_378] : memref<752x128xf32, #tpu.memory_space<vmem_shared>> -> memref<752x128xf32, #tpu.memory_space<vmem_shared>>
        tpu.enqueue_indirect_dma source(%dma_start3A_379 : memref<752x128xf32, #tpu.memory_space<vmem_shared>>) target(%dma_start3A_373 : memref<128x128xf32, #tpu.memory_space<vmem>>) offsets(%dma_start3A_376 : memref<128xi32, #tpu.memory_space<vmem>>) semaphore(%arg18 : memref<!tpu.dma_semaphore, #tpu.memory_space<semaphore_mem>>) {add = true}
      } else {
      }
      %parallel_loop3A_228 = arith.constant 128 : i32
      %parallel_loop3A_229 = arith.constant 256 : i32
      %parallel_loop3A_230 = arith.constant 1 : i32
      scf.for %parallel_loop3A_314 = %parallel_loop3A_228 to %parallel_loop3A_229 step %parallel_loop3A_230  : i32 {
        %parallel_loop3A_315 = arith.index_cast %parallel_loop3A_314 : i32 to index
        %parallel_loop3A_316 = arith.constant 0 : index
        %parallel_loop3A_317 = tpu.vector_load %arg9[%parallel_loop3A_315, %parallel_loop3A_316] {strides = array<i32>} : memref<256x128xf32, #tpu.memory_space<vmem>>, vector<16xf32>,
        %parallel_loop3A_318 = arith.index_cast %parallel_loop3A_314 : i32 to index
        %parallel_loop3A_319 = arith.constant 16 : index
        %parallel_loop3A_320 = tpu.vector_load %arg9[%parallel_loop3A_318, %parallel_loop3A_319] {strides = array<i32>} : memref<256x128xf32, #tpu.memory_space<vmem>>, vector<16xf32>,
        %parallel_loop3A_321 = arith.index_cast %parallel_loop3A_314 : i32 to index
        %parallel_loop3A_322 = arith.constant 32 : index
        %parallel_loop3A_323 = tpu.vector_load %arg9[%parallel_loop3A_321, %parallel_loop3A_322] {strides = array<i32>} : memref<256x128xf32, #tpu.memory_space<vmem>>, vector<16xf32>,
        %parallel_loop3A_324 = arith.index_cast %parallel_loop3A_314 : i32 to index
        %parallel_loop3A_325 = arith.constant 48 : index
        %parallel_loop3A_326 = tpu.vector_load %arg9[%parallel_loop3A_324, %parallel_loop3A_325] {strides = array<i32>} : memref<256x128xf32, #tpu.memory_space<vmem>>, vector<16xf32>,
        %parallel_loop3A_327 = arith.index_cast %parallel_loop3A_314 : i32 to index
        %parallel_loop3A_328 = arith.constant 64 : index
        %parallel_loop3A_329 = tpu.vector_load %arg9[%parallel_loop3A_327, %parallel_loop3A_328] {strides = array<i32>} : memref<256x128xf32, #tpu.memory_space<vmem>>, vector<16xf32>,
        %parallel_loop3A_330 = arith.index_cast %parallel_loop3A_314 : i32 to index
        %parallel_loop3A_331 = arith.constant 80 : index
        %parallel_loop3A_332 = tpu.vector_load %arg9[%parallel_loop3A_330, %parallel_loop3A_331] {strides = array<i32>} : memref<256x128xf32, #tpu.memory_space<vmem>>, vector<16xf32>,
        %parallel_loop3A_333 = arith.index_cast %parallel_loop3A_314 : i32 to index
        %parallel_loop3A_334 = arith.constant 96 : index
        %parallel_loop3A_335 = tpu.vector_load %arg9[%parallel_loop3A_333, %parallel_loop3A_334] {strides = array<i32>} : memref<256x128xf32, #tpu.memory_space<vmem>>, vector<16xf32>,
        %parallel_loop3A_336 = arith.index_cast %parallel_loop3A_314 : i32 to index
        %parallel_loop3A_337 = arith.constant 112 : index
        %parallel_loop3A_338 = tpu.vector_load %arg9[%parallel_loop3A_336, %parallel_loop3A_337] {strides = array<i32>} : memref<256x128xf32, #tpu.memory_space<vmem>>, vector<16xf32>,
        %parallel_loop3A_339 = arith.addf %parallel_loop3A_317, %parallel_loop3A_320 : vector<16xf32>
        %parallel_loop3A_340 = arith.addf %parallel_loop3A_323, %parallel_loop3A_326 : vector<16xf32>
        %parallel_loop3A_341 = arith.addf %parallel_loop3A_329, %parallel_loop3A_332 : vector<16xf32>
        %parallel_loop3A_342 = arith.addf %parallel_loop3A_335, %parallel_loop3A_338 : vector<16xf32>
        %parallel_loop3A_343 = arith.addf %parallel_loop3A_339, %parallel_loop3A_340 : vector<16xf32>
        %parallel_loop3A_344 = arith.addf %parallel_loop3A_341, %parallel_loop3A_342 : vector<16xf32>
        %parallel_loop3A_345 = arith.addf %parallel_loop3A_343, %parallel_loop3A_344 : vector<16xf32>
        %parallel_loop3A_346 = arith.mulf %parallel_loop3A_317, %parallel_loop3A_317 : vector<16xf32>
        %parallel_loop3A_347 = arith.mulf %parallel_loop3A_320, %parallel_loop3A_320 : vector<16xf32>
        %parallel_loop3A_348 = arith.mulf %parallel_loop3A_323, %parallel_loop3A_323 : vector<16xf32>
        %parallel_loop3A_349 = arith.mulf %parallel_loop3A_326, %parallel_loop3A_326 : vector<16xf32>
        %parallel_loop3A_350 = arith.mulf %parallel_loop3A_329, %parallel_loop3A_329 : vector<16xf32>
        %parallel_loop3A_351 = arith.mulf %parallel_loop3A_332, %parallel_loop3A_332 : vector<16xf32>
        %parallel_loop3A_352 = arith.mulf %parallel_loop3A_335, %parallel_loop3A_335 : vector<16xf32>
        %parallel_loop3A_353 = arith.mulf %parallel_loop3A_338, %parallel_loop3A_338 : vector<16xf32>
        %parallel_loop3A_354 = arith.addf %parallel_loop3A_346, %parallel_loop3A_347 : vector<16xf32>
        %parallel_loop3A_355 = arith.addf %parallel_loop3A_348, %parallel_loop3A_349 : vector<16xf32>
        %parallel_loop3A_356 = arith.addf %parallel_loop3A_350, %parallel_loop3A_351 : vector<16xf32>
        %parallel_loop3A_357 = arith.addf %parallel_loop3A_352, %parallel_loop3A_353 : vector<16xf32>
        %parallel_loop3A_358 = arith.addf %parallel_loop3A_354, %parallel_loop3A_355 : vector<16xf32>
        %parallel_loop3A_359 = arith.addf %parallel_loop3A_356, %parallel_loop3A_357 : vector<16xf32>
        %parallel_loop3A_360 = arith.addf %parallel_loop3A_358, %parallel_loop3A_359 : vector<16xf32>
        %parallel_loop3A_361 = arith.constant 0 : i32
        %parallel_loop3A_362 = vector.broadcast %parallel_loop3A_361 : i32 to vector<16xi32>
        %parallel_loop3A_363 = arith.cmpi slt, %xor3A_8, %parallel_loop3A_362 : vector<16xi32>
        %parallel_loop3A_364 = arith.constant 16 : i32
        %parallel_loop3A_365 = vector.broadcast %parallel_loop3A_364 : i32 to vector<16xi32>
        %parallel_loop3A_366 = arith.addi %xor3A_8, %parallel_loop3A_365 : vector<16xi32>
        %parallel_loop3A_367 = arith.select %parallel_loop3A_363, %parallel_loop3A_366, %xor3A_8 : vector<16xi1>, vector<16xi32>
        %parallel_loop3A_368 = vector.shape_cast %parallel_loop3A_367 : vector<16xi32> to vector<16x1xi32>
        %parallel_loop3A_369 = vector.shape_cast %parallel_loop3A_368 : vector<16x1xi32> to vector<16xi32>
        %parallel_loop3A_370 = tpu.dynamic_gather %parallel_loop3A_345[%parallel_loop3A_369] in [0] : vector<16xf32>, vector<16xi32> -> vector<16xf32>
        %parallel_loop3A_371 = arith.addf %parallel_loop3A_345, %parallel_loop3A_370 : vector<16xf32>
        %parallel_loop3A_372 = arith.constant 0 : i32
        %parallel_loop3A_373 = vector.broadcast %parallel_loop3A_372 : i32 to vector<16xi32>
        %parallel_loop3A_374 = arith.cmpi slt, %xor3A_8, %parallel_loop3A_373 : vector<16xi32>
        %parallel_loop3A_375 = arith.constant 16 : i32
        %parallel_loop3A_376 = vector.broadcast %parallel_loop3A_375 : i32 to vector<16xi32>
        %parallel_loop3A_377 = arith.addi %xor3A_8, %parallel_loop3A_376 : vector<16xi32>
        %parallel_loop3A_378 = arith.select %parallel_loop3A_374, %parallel_loop3A_377, %xor3A_8 : vector<16xi1>, vector<16xi32>
        %parallel_loop3A_379 = vector.shape_cast %parallel_loop3A_378 : vector<16xi32> to vector<16x1xi32>
        %parallel_loop3A_380 = vector.shape_cast %parallel_loop3A_379 : vector<16x1xi32> to vector<16xi32>
        %parallel_loop3A_381 = tpu.dynamic_gather %parallel_loop3A_360[%parallel_loop3A_380] in [0] : vector<16xf32>, vector<16xi32> -> vector<16xf32>
        %parallel_loop3A_382 = arith.addf %parallel_loop3A_360, %parallel_loop3A_381 : vector<16xf32>
        %parallel_loop3A_383 = arith.constant 0 : i32
        %parallel_loop3A_384 = vector.broadcast %parallel_loop3A_383 : i32 to vector<16xi32>
        %parallel_loop3A_385 = arith.cmpi slt, %xor3A_11, %parallel_loop3A_384 : vector<16xi32>
        %parallel_loop3A_386 = arith.constant 16 : i32
        %parallel_loop3A_387 = vector.broadcast %parallel_loop3A_386 : i32 to vector<16xi32>
        %parallel_loop3A_388 = arith.addi %xor3A_11, %parallel_loop3A_387 : vector<16xi32>
        %parallel_loop3A_389 = arith.select %parallel_loop3A_385, %parallel_loop3A_388, %xor3A_11 : vector<16xi1>, vector<16xi32>
        %parallel_loop3A_390 = vector.shape_cast %parallel_loop3A_389 : vector<16xi32> to vector<16x1xi32>
        %parallel_loop3A_391 = vector.shape_cast %parallel_loop3A_390 : vector<16x1xi32> to vector<16xi32>
        %parallel_loop3A_392 = tpu.dynamic_gather %parallel_loop3A_371[%parallel_loop3A_391] in [0] : vector<16xf32>, vector<16xi32> -> vector<16xf32>
        %parallel_loop3A_393 = arith.addf %parallel_loop3A_371, %parallel_loop3A_392 : vector<16xf32>
        %parallel_loop3A_394 = arith.constant 0 : i32
        %parallel_loop3A_395 = vector.broadcast %parallel_loop3A_394 : i32 to vector<16xi32>
        %parallel_loop3A_396 = arith.cmpi slt, %xor3A_11, %parallel_loop3A_395 : vector<16xi32>
        %parallel_loop3A_397 = arith.constant 16 : i32
        %parallel_loop3A_398 = vector.broadcast %parallel_loop3A_397 : i32 to vector<16xi32>
        %parallel_loop3A_399 = arith.addi %xor3A_11, %parallel_loop3A_398 : vector<16xi32>
        %parallel_loop3A_400 = arith.select %parallel_loop3A_396, %parallel_loop3A_399, %xor3A_11 : vector<16xi1>, vector<16xi32>
        %parallel_loop3A_401 = vector.shape_cast %parallel_loop3A_400 : vector<16xi32> to vector<16x1xi32>
        %parallel_loop3A_402 = vector.shape_cast %parallel_loop3A_401 : vector<16x1xi32> to vector<16xi32>
        %parallel_loop3A_403 = tpu.dynamic_gather %parallel_loop3A_382[%parallel_loop3A_402] in [0] : vector<16xf32>, vector<16xi32> -> vector<16xf32>
        %parallel_loop3A_404 = arith.addf %parallel_loop3A_382, %parallel_loop3A_403 : vector<16xf32>
        %parallel_loop3A_405 = arith.constant 0 : i32
        %parallel_loop3A_406 = vector.broadcast %parallel_loop3A_405 : i32 to vector<16xi32>
        %parallel_loop3A_407 = arith.cmpi slt, %xor3A_14, %parallel_loop3A_406 : vector<16xi32>
        %parallel_loop3A_408 = arith.constant 16 : i32
        %parallel_loop3A_409 = vector.broadcast %parallel_loop3A_408 : i32 to vector<16xi32>
        %parallel_loop3A_410 = arith.addi %xor3A_14, %parallel_loop3A_409 : vector<16xi32>
        %parallel_loop3A_411 = arith.select %parallel_loop3A_407, %parallel_loop3A_410, %xor3A_14 : vector<16xi1>, vector<16xi32>
        %parallel_loop3A_412 = vector.shape_cast %parallel_loop3A_411 : vector<16xi32> to vector<16x1xi32>
        %parallel_loop3A_413 = vector.shape_cast %parallel_loop3A_412 : vector<16x1xi32> to vector<16xi32>
        %parallel_loop3A_414 = tpu.dynamic_gather %parallel_loop3A_393[%parallel_loop3A_413] in [0] : vector<16xf32>, vector<16xi32> -> vector<16xf32>
        %parallel_loop3A_415 = arith.addf %parallel_loop3A_393, %parallel_loop3A_414 : vector<16xf32>
        %parallel_loop3A_416 = arith.constant 0 : i32
        %parallel_loop3A_417 = vector.broadcast %parallel_loop3A_416 : i32 to vector<16xi32>
        %parallel_loop3A_418 = arith.cmpi slt, %xor3A_14, %parallel_loop3A_417 : vector<16xi32>
        %parallel_loop3A_419 = arith.constant 16 : i32
        %parallel_loop3A_420 = vector.broadcast %parallel_loop3A_419 : i32 to vector<16xi32>
        %parallel_loop3A_421 = arith.addi %xor3A_14, %parallel_loop3A_420 : vector<16xi32>
        %parallel_loop3A_422 = arith.select %parallel_loop3A_418, %parallel_loop3A_421, %xor3A_14 : vector<16xi1>, vector<16xi32>
        %parallel_loop3A_423 = vector.shape_cast %parallel_loop3A_422 : vector<16xi32> to vector<16x1xi32>
        %parallel_loop3A_424 = vector.shape_cast %parallel_loop3A_423 : vector<16x1xi32> to vector<16xi32>
        %parallel_loop3A_425 = tpu.dynamic_gather %parallel_loop3A_404[%parallel_loop3A_424] in [0] : vector<16xf32>, vector<16xi32> -> vector<16xf32>
        %parallel_loop3A_426 = arith.addf %parallel_loop3A_404, %parallel_loop3A_425 : vector<16xf32>
        %parallel_loop3A_427 = arith.constant 0 : i32
        %parallel_loop3A_428 = vector.broadcast %parallel_loop3A_427 : i32 to vector<16xi32>
        %parallel_loop3A_429 = arith.cmpi slt, %xor3A_17, %parallel_loop3A_428 : vector<16xi32>
        %parallel_loop3A_430 = arith.constant 16 : i32
        %parallel_loop3A_431 = vector.broadcast %parallel_loop3A_430 : i32 to vector<16xi32>
        %parallel_loop3A_432 = arith.addi %xor3A_17, %parallel_loop3A_431 : vector<16xi32>
        %parallel_loop3A_433 = arith.select %parallel_loop3A_429, %parallel_loop3A_432, %xor3A_17 : vector<16xi1>, vector<16xi32>
        %parallel_loop3A_434 = vector.shape_cast %parallel_loop3A_433 : vector<16xi32> to vector<16x1xi32>
        %parallel_loop3A_435 = vector.shape_cast %parallel_loop3A_434 : vector<16x1xi32> to vector<16xi32>
        %parallel_loop3A_436 = tpu.dynamic_gather %parallel_loop3A_415[%parallel_loop3A_435] in [0] : vector<16xf32>, vector<16xi32> -> vector<16xf32>
        %parallel_loop3A_437 = arith.addf %parallel_loop3A_415, %parallel_loop3A_436 : vector<16xf32>
        %parallel_loop3A_438 = arith.constant 0 : i32
        %parallel_loop3A_439 = vector.broadcast %parallel_loop3A_438 : i32 to vector<16xi32>
        %parallel_loop3A_440 = arith.cmpi slt, %xor3A_17, %parallel_loop3A_439 : vector<16xi32>
        %parallel_loop3A_441 = arith.constant 16 : i32
        %parallel_loop3A_442 = vector.broadcast %parallel_loop3A_441 : i32 to vector<16xi32>
        %parallel_loop3A_443 = arith.addi %xor3A_17, %parallel_loop3A_442 : vector<16xi32>
        %parallel_loop3A_444 = arith.select %parallel_loop3A_440, %parallel_loop3A_443, %xor3A_17 : vector<16xi1>, vector<16xi32>
        %parallel_loop3A_445 = vector.shape_cast %parallel_loop3A_444 : vector<16xi32> to vector<16x1xi32>
        %parallel_loop3A_446 = vector.shape_cast %parallel_loop3A_445 : vector<16x1xi32> to vector<16xi32>
        %parallel_loop3A_447 = tpu.dynamic_gather %parallel_loop3A_426[%parallel_loop3A_446] in [0] : vector<16xf32>, vector<16xi32> -> vector<16xf32>
        %parallel_loop3A_448 = arith.addf %parallel_loop3A_426, %parallel_loop3A_447 : vector<16xf32>
        %parallel_loop3A_449 = arith.constant 7.812500e-03 : f32
        %parallel_loop3A_450 = vector.broadcast %parallel_loop3A_449 : f32 to vector<16xf32>
        %parallel_loop3A_451 = arith.mulf %parallel_loop3A_437, %parallel_loop3A_450 : vector<16xf32>
        %parallel_loop3A_452 = arith.constant 7.812500e-03 : f32
        %parallel_loop3A_453 = vector.broadcast %parallel_loop3A_452 : f32 to vector<16xf32>
        %parallel_loop3A_454 = arith.mulf %parallel_loop3A_448, %parallel_loop3A_453 : vector<16xf32>
        %parallel_loop3A_455 = arith.mulf %parallel_loop3A_451, %parallel_loop3A_451 : vector<16xf32>
        %parallel_loop3A_456 = arith.subf %parallel_loop3A_454, %parallel_loop3A_455 : vector<16xf32>
        %parallel_loop3A_457 = arith.constant 9.99999974E-6 : f32
        %parallel_loop3A_458 = vector.broadcast %parallel_loop3A_457 : f32 to vector<16xf32>
        %parallel_loop3A_459 = arith.addf %parallel_loop3A_456, %parallel_loop3A_458 : vector<16xf32>
        %parallel_loop3A_460 = vector.bitcast %parallel_loop3A_459 : vector<16xf32> to vector<16xi32>
        %parallel_loop3A_461 = arith.constant 1 : i32
        %parallel_loop3A_462 = vector.broadcast %parallel_loop3A_461 : i32 to vector<16xi32>
        %parallel_loop3A_463 = arith.shrsi %parallel_loop3A_460, %parallel_loop3A_462 : vector<16xi32>
        %parallel_loop3A_464 = arith.constant 1597463007 : i32
        %parallel_loop3A_465 = vector.broadcast %parallel_loop3A_464 : i32 to vector<16xi32>
        %parallel_loop3A_466 = arith.subi %parallel_loop3A_465, %parallel_loop3A_463 : vector<16xi32>
        %parallel_loop3A_467 = vector.bitcast %parallel_loop3A_466 : vector<16xi32> to vector<16xf32>
        %parallel_loop3A_468 = arith.constant 5.000000e-01 : f32
        %parallel_loop3A_469 = vector.broadcast %parallel_loop3A_468 : f32 to vector<16xf32>
        %parallel_loop3A_470 = arith.mulf %parallel_loop3A_459, %parallel_loop3A_469 : vector<16xf32>
        %parallel_loop3A_471 = arith.mulf %parallel_loop3A_470, %parallel_loop3A_467 : vector<16xf32>
        %parallel_loop3A_472 = arith.mulf %parallel_loop3A_471, %parallel_loop3A_467 : vector<16xf32>
        %parallel_loop3A_473 = arith.constant 1.500000e+00 : f32
        %parallel_loop3A_474 = vector.broadcast %parallel_loop3A_473 : f32 to vector<16xf32>
        %parallel_loop3A_475 = arith.subf %parallel_loop3A_474, %parallel_loop3A_472 : vector<16xf32>
        %parallel_loop3A_476 = arith.mulf %parallel_loop3A_467, %parallel_loop3A_475 : vector<16xf32>
        %parallel_loop3A_477 = arith.mulf %parallel_loop3A_470, %parallel_loop3A_476 : vector<16xf32>
        %parallel_loop3A_478 = arith.mulf %parallel_loop3A_477, %parallel_loop3A_476 : vector<16xf32>
        %parallel_loop3A_479 = arith.constant 1.500000e+00 : f32
        %parallel_loop3A_480 = vector.broadcast %parallel_loop3A_479 : f32 to vector<16xf32>
        %parallel_loop3A_481 = arith.subf %parallel_loop3A_480, %parallel_loop3A_478 : vector<16xf32>
        %parallel_loop3A_482 = arith.mulf %parallel_loop3A_476, %parallel_loop3A_481 : vector<16xf32>
        %parallel_loop3A_483 = arith.subf %parallel_loop3A_317, %parallel_loop3A_451 : vector<16xf32>
        %parallel_loop3A_484 = arith.mulf %parallel_loop3A_483, %parallel_loop3A_482 : vector<16xf32>
        %parallel_loop3A_485 = arith.mulf %parallel_loop3A_484, %get3A_18 : vector<16xf32>
        %parallel_loop3A_486 = arith.addf %parallel_loop3A_485, %get3A_34 : vector<16xf32>
        %parallel_loop3A_487 = arith.index_cast %parallel_loop3A_314 : i32 to index
        %parallel_loop3A_488 = arith.constant 0 : index
        %parallel_loop3A_489 = tpu.vector_load %arg9[%parallel_loop3A_487, %parallel_loop3A_488] {strides = array<i32>} : memref<256x128xf32, #tpu.memory_space<vmem>>, vector<16xf32>,
        tpu.vector_store %arg9[%parallel_loop3A_487, %parallel_loop3A_488], %parallel_loop3A_486 {strides = array<i32>} : memref<256x128xf32, #tpu.memory_space<vmem>>, vector<16xf32>,
        %parallel_loop3A_490 = arith.subf %parallel_loop3A_320, %parallel_loop3A_451 : vector<16xf32>
        %parallel_loop3A_491 = arith.mulf %parallel_loop3A_490, %parallel_loop3A_482 : vector<16xf32>
        %parallel_loop3A_492 = arith.mulf %parallel_loop3A_491, %get3A_20 : vector<16xf32>
        %parallel_loop3A_493 = arith.addf %parallel_loop3A_492, %get3A_36 : vector<16xf32>
        %parallel_loop3A_494 = arith.index_cast %parallel_loop3A_314 : i32 to index
        %parallel_loop3A_495 = arith.constant 16 : index
        %parallel_loop3A_496 = tpu.vector_load %arg9[%parallel_loop3A_494, %parallel_loop3A_495] {strides = array<i32>} : memref<256x128xf32, #tpu.memory_space<vmem>>, vector<16xf32>,
        tpu.vector_store %arg9[%parallel_loop3A_494, %parallel_loop3A_495], %parallel_loop3A_493 {strides = array<i32>} : memref<256x128xf32, #tpu.memory_space<vmem>>, vector<16xf32>,
        %parallel_loop3A_497 = arith.subf %parallel_loop3A_323, %parallel_loop3A_451 : vector<16xf32>
        %parallel_loop3A_498 = arith.mulf %parallel_loop3A_497, %parallel_loop3A_482 : vector<16xf32>
        %parallel_loop3A_499 = arith.mulf %parallel_loop3A_498, %get3A_22 : vector<16xf32>
        %parallel_loop3A_500 = arith.addf %parallel_loop3A_499, %get3A_38 : vector<16xf32>
        %parallel_loop3A_501 = arith.index_cast %parallel_loop3A_314 : i32 to index
        %parallel_loop3A_502 = arith.constant 32 : index
        %parallel_loop3A_503 = tpu.vector_load %arg9[%parallel_loop3A_501, %parallel_loop3A_502] {strides = array<i32>} : memref<256x128xf32, #tpu.memory_space<vmem>>, vector<16xf32>,
        tpu.vector_store %arg9[%parallel_loop3A_501, %parallel_loop3A_502], %parallel_loop3A_500 {strides = array<i32>} : memref<256x128xf32, #tpu.memory_space<vmem>>, vector<16xf32>,
        %parallel_loop3A_504 = arith.subf %parallel_loop3A_326, %parallel_loop3A_451 : vector<16xf32>
        %parallel_loop3A_505 = arith.mulf %parallel_loop3A_504, %parallel_loop3A_482 : vector<16xf32>
        %parallel_loop3A_506 = arith.mulf %parallel_loop3A_505, %get3A_24 : vector<16xf32>
        %parallel_loop3A_507 = arith.addf %parallel_loop3A_506, %get3A_40 : vector<16xf32>
        %parallel_loop3A_508 = arith.index_cast %parallel_loop3A_314 : i32 to index
        %parallel_loop3A_509 = arith.constant 48 : index
        %parallel_loop3A_510 = tpu.vector_load %arg9[%parallel_loop3A_508, %parallel_loop3A_509] {strides = array<i32>} : memref<256x128xf32, #tpu.memory_space<vmem>>, vector<16xf32>,
        tpu.vector_store %arg9[%parallel_loop3A_508, %parallel_loop3A_509], %parallel_loop3A_507 {strides = array<i32>} : memref<256x128xf32, #tpu.memory_space<vmem>>, vector<16xf32>,
        %parallel_loop3A_511 = arith.subf %parallel_loop3A_329, %parallel_loop3A_451 : vector<16xf32>
        %parallel_loop3A_512 = arith.mulf %parallel_loop3A_511, %parallel_loop3A_482 : vector<16xf32>
        %parallel_loop3A_513 = arith.mulf %parallel_loop3A_512, %get3A_26 : vector<16xf32>
        %parallel_loop3A_514 = arith.addf %parallel_loop3A_513, %get3A_42 : vector<16xf32>
        %parallel_loop3A_515 = arith.index_cast %parallel_loop3A_314 : i32 to index
        %parallel_loop3A_516 = arith.constant 64 : index
        %parallel_loop3A_517 = tpu.vector_load %arg9[%parallel_loop3A_515, %parallel_loop3A_516] {strides = array<i32>} : memref<256x128xf32, #tpu.memory_space<vmem>>, vector<16xf32>,
        tpu.vector_store %arg9[%parallel_loop3A_515, %parallel_loop3A_516], %parallel_loop3A_514 {strides = array<i32>} : memref<256x128xf32, #tpu.memory_space<vmem>>, vector<16xf32>,
        %parallel_loop3A_518 = arith.subf %parallel_loop3A_332, %parallel_loop3A_451 : vector<16xf32>
        %parallel_loop3A_519 = arith.mulf %parallel_loop3A_518, %parallel_loop3A_482 : vector<16xf32>
        %parallel_loop3A_520 = arith.mulf %parallel_loop3A_519, %get3A_28 : vector<16xf32>
        %parallel_loop3A_521 = arith.addf %parallel_loop3A_520, %get3A_44 : vector<16xf32>
        %parallel_loop3A_522 = arith.index_cast %parallel_loop3A_314 : i32 to index
        %parallel_loop3A_523 = arith.constant 80 : index
        %parallel_loop3A_524 = tpu.vector_load %arg9[%parallel_loop3A_522, %parallel_loop3A_523] {strides = array<i32>} : memref<256x128xf32, #tpu.memory_space<vmem>>, vector<16xf32>,
        tpu.vector_store %arg9[%parallel_loop3A_522, %parallel_loop3A_523], %parallel_loop3A_521 {strides = array<i32>} : memref<256x128xf32, #tpu.memory_space<vmem>>, vector<16xf32>,
        %parallel_loop3A_525 = arith.subf %parallel_loop3A_335, %parallel_loop3A_451 : vector<16xf32>
        %parallel_loop3A_526 = arith.mulf %parallel_loop3A_525, %parallel_loop3A_482 : vector<16xf32>
        %parallel_loop3A_527 = arith.mulf %parallel_loop3A_526, %get3A_30 : vector<16xf32>
        %parallel_loop3A_528 = arith.addf %parallel_loop3A_527, %get3A_46 : vector<16xf32>
        %parallel_loop3A_529 = arith.index_cast %parallel_loop3A_314 : i32 to index
        %parallel_loop3A_530 = arith.constant 96 : index
        %parallel_loop3A_531 = tpu.vector_load %arg9[%parallel_loop3A_529, %parallel_loop3A_530] {strides = array<i32>} : memref<256x128xf32, #tpu.memory_space<vmem>>, vector<16xf32>,
        tpu.vector_store %arg9[%parallel_loop3A_529, %parallel_loop3A_530], %parallel_loop3A_528 {strides = array<i32>} : memref<256x128xf32, #tpu.memory_space<vmem>>, vector<16xf32>,
        %parallel_loop3A_532 = arith.subf %parallel_loop3A_338, %parallel_loop3A_451 : vector<16xf32>
        %parallel_loop3A_533 = arith.mulf %parallel_loop3A_532, %parallel_loop3A_482 : vector<16xf32>
        %parallel_loop3A_534 = arith.mulf %parallel_loop3A_533, %get3A_32 : vector<16xf32>
        %parallel_loop3A_535 = arith.addf %parallel_loop3A_534, %get3A_48 : vector<16xf32>
        %parallel_loop3A_536 = arith.index_cast %parallel_loop3A_314 : i32 to index
        %parallel_loop3A_537 = arith.constant 112 : index
        %parallel_loop3A_538 = tpu.vector_load %arg9[%parallel_loop3A_536, %parallel_loop3A_537] {strides = array<i32>} : memref<256x128xf32, #tpu.memory_space<vmem>>, vector<16xf32>,
        tpu.vector_store %arg9[%parallel_loop3A_536, %parallel_loop3A_537], %parallel_loop3A_535 {strides = array<i32>} : memref<256x128xf32, #tpu.memory_space<vmem>>, vector<16xf32>,
      } {sc.loop_unroll_factor = 1 : i64, sc.parallel_access}
      %dma_start3A_231 = arith.constant 0 : i32
      %dma_start3A_232 = tpu.memref_slice %arg6[%add3A_163, %dma_start3A_231] : memref<819200x128xf32, #tpu.memory_space<hbm>> -> memref<256x128xf32, #tpu.memory_space<hbm>>
      %dma_start3A_233 = arith.constant 0 : i32
      %dma_start3A_234 = tpu.memref_slice %arg6[%add3A_163, %dma_start3A_233] : memref<819200x128xf32, #tpu.memory_space<hbm>> -> memref<256x128xf32, #tpu.memory_space<hbm>>
      tpu.enqueue_dma source(%arg9 : memref<256x128xf32, #tpu.memory_space<vmem>>) target(%dma_start3A_234 : memref<256x128xf32, #tpu.memory_space<hbm>>) target_semaphore(%arg19 : memref<!tpu.dma_semaphore, #tpu.memory_space<semaphore_mem>>)
      %add3A_235 = arith.constant 1 : i32
      %add3A_236 = arith.addi %mul3A_160, %add3A_235 : i32
      %mul3A_237 = arith.constant 256 : i32
      %mul3A_238 = arith.muli %add3A_236, %mul3A_237 : i32
      %add3A_239 = arith.addi %mul3A_2, %mul3A_238 : i32
      %dma_wait3A_240 = arith.constant 1 : i32
      %dma_wait3A_241 = arith.constant 0 : i32
      %dma_wait3A_242 = arith.constant 0 : i32
      %dma_wait3A_243 = arith.constant 0 : i32
      %dma_wait3A_244 = tpu.memref_slice %arg10[%dma_wait3A_242, %dma_wait3A_243] : memref<256x128xf32, #tpu.memory_space<vmem>> -> memref<128x128xf32, #tpu.memory_space<vmem>>
      %dma_wait3A_245 = arith.constant 0 : i32
      %dma_wait3A_246 = tpu.memref_slice %arg8[%dma_wait3A_240, %dma_wait3A_241, %dma_wait3A_245] : memref<3x2x128xi32, #tpu.memory_space<vmem>> -> memref<1x1x128xi32, #tpu.memory_space<vmem>>
      %dma_wait3A_247 = tpu.memref_squeeze %dma_wait3A_246 : memref<1x1x128xi32, #tpu.memory_space<vmem>> -> memref<128xi32, #tpu.memory_space<vmem>>
      %dma_wait3A_248 = arith.constant 0 : i32
      %dma_wait3A_249 = arith.constant 0 : i32
      %dma_wait3A_250 = tpu.memref_slice %arg12[%dma_wait3A_248, %dma_wait3A_249] : memref<752x128xf32, #tpu.memory_space<vmem_shared>> -> memref<752x128xf32, #tpu.memory_space<vmem_shared>>
      tpu.wait_indirect_dma semaphore(%arg18 : memref<!tpu.dma_semaphore, #tpu.memory_space<semaphore_mem>>) src(%dma_wait3A_250 : memref<752x128xf32, #tpu.memory_space<vmem_shared>>) dst(%dma_wait3A_244 : memref<128x128xf32, #tpu.memory_space<vmem>>)
      %dma_wait3A_251 = arith.constant 2 : i32
      %dma_wait3A_252 = arith.constant 0 : i32
      %dma_wait3A_253 = arith.constant 0 : i32
      %dma_wait3A_254 = arith.constant 0 : i32
      %dma_wait3A_255 = tpu.memref_slice %arg10[%dma_wait3A_253, %dma_wait3A_254] : memref<256x128xf32, #tpu.memory_space<vmem>> -> memref<128x128xf32, #tpu.memory_space<vmem>>
      %dma_wait3A_256 = arith.constant 0 : i32
      %dma_wait3A_257 = tpu.memref_slice %arg8[%dma_wait3A_251, %dma_wait3A_252, %dma_wait3A_256] : memref<3x2x128xi32, #tpu.memory_space<vmem>> -> memref<1x1x128xi32, #tpu.memory_space<vmem>>
      %dma_wait3A_258 = tpu.memref_squeeze %dma_wait3A_257 : memref<1x1x128xi32, #tpu.memory_space<vmem>> -> memref<128xi32, #tpu.memory_space<vmem>>
      %dma_wait3A_259 = arith.constant 0 : i32
      %dma_wait3A_260 = arith.constant 0 : i32
      %dma_wait3A_261 = tpu.memref_slice %arg12[%dma_wait3A_259, %dma_wait3A_260] : memref<752x128xf32, #tpu.memory_space<vmem_shared>> -> memref<752x128xf32, #tpu.memory_space<vmem_shared>>
      tpu.wait_indirect_dma semaphore(%arg18 : memref<!tpu.dma_semaphore, #tpu.memory_space<semaphore_mem>>) src(%dma_wait3A_261 : memref<752x128xf32, #tpu.memory_space<vmem_shared>>) dst(%dma_wait3A_255 : memref<128x128xf32, #tpu.memory_space<vmem>>)
      %dma_wait3A_262 = arith.constant 1 : i32
      %dma_wait3A_263 = arith.constant 1 : i32
      %dma_wait3A_264 = arith.constant 128 : i32
      %dma_wait3A_265 = arith.constant 0 : i32
      %dma_wait3A_266 = tpu.memref_slice %arg10[%dma_wait3A_264, %dma_wait3A_265] : memref<256x128xf32, #tpu.memory_space<vmem>> -> memref<128x128xf32, #tpu.memory_space<vmem>>
      %dma_wait3A_267 = arith.constant 0 : i32
      %dma_wait3A_268 = tpu.memref_slice %arg8[%dma_wait3A_262, %dma_wait3A_263, %dma_wait3A_267] : memref<3x2x128xi32, #tpu.memory_space<vmem>> -> memref<1x1x128xi32, #tpu.memory_space<vmem>>
      %dma_wait3A_269 = tpu.memref_squeeze %dma_wait3A_268 : memref<1x1x128xi32, #tpu.memory_space<vmem>> -> memref<128xi32, #tpu.memory_space<vmem>>
      %dma_wait3A_270 = arith.constant 0 : i32
      %dma_wait3A_271 = arith.constant 0 : i32
      %dma_wait3A_272 = tpu.memref_slice %arg12[%dma_wait3A_270, %dma_wait3A_271] : memref<752x128xf32, #tpu.memory_space<vmem_shared>> -> memref<752x128xf32, #tpu.memory_space<vmem_shared>>
      tpu.wait_indirect_dma semaphore(%arg18 : memref<!tpu.dma_semaphore, #tpu.memory_space<semaphore_mem>>) src(%dma_wait3A_272 : memref<752x128xf32, #tpu.memory_space<vmem_shared>>) dst(%dma_wait3A_266 : memref<128x128xf32, #tpu.memory_space<vmem>>)
      %dma_wait3A_273 = arith.constant 2 : i32
      %dma_wait3A_274 = arith.constant 1 : i32
      %dma_wait3A_275 = arith.constant 128 : i32
      %dma_wait3A_276 = arith.constant 0 : i32
      %dma_wait3A_277 = tpu.memref_slice %arg10[%dma_wait3A_275, %dma_wait3A_276] : memref<256x128xf32, #tpu.memory_space<vmem>> -> memref<128x128xf32, #tpu.memory_space<vmem>>
      %dma_wait3A_278 = arith.constant 0 : i32
      %dma_wait3A_279 = tpu.memref_slice %arg8[%dma_wait3A_273, %dma_wait3A_274, %dma_wait3A_278] : memref<3x2x128xi32, #tpu.memory_space<vmem>> -> memref<1x1x128xi32, #tpu.memory_space<vmem>>
      %dma_wait3A_280 = tpu.memref_squeeze %dma_wait3A_279 : memref<1x1x128xi32, #tpu.memory_space<vmem>> -> memref<128xi32, #tpu.memory_space<vmem>>
      %dma_wait3A_281 = arith.constant 0 : i32
      %dma_wait3A_282 = arith.constant 0 : i32
      %dma_wait3A_283 = tpu.memref_slice %arg12[%dma_wait3A_281, %dma_wait3A_282] : memref<752x128xf32, #tpu.memory_space<vmem_shared>> -> memref<752x128xf32, #tpu.memory_space<vmem_shared>>
      tpu.wait_indirect_dma semaphore(%arg18 : memref<!tpu.dma_semaphore, #tpu.memory_space<semaphore_mem>>) src(%dma_wait3A_283 : memref<752x128xf32, #tpu.memory_space<vmem_shared>>) dst(%dma_wait3A_277 : memref<128x128xf32, #tpu.memory_space<vmem>>)
      %lt3A_284 = arith.constant 98 : i32
      %lt3A_285 = arith.cmpi slt, %add3A_236, %lt3A_284 : i32
      %convert_element_type3A_286 = arith.extui %lt3A_285 : i1 to i32
      %cond3A_287 = arith.constant 0 : i32
      %cond3A_288 = arith.cmpi ne, %convert_element_type3A_286, %cond3A_287 : i32
      scf.if %cond3A_288 {
        %add3A_314 = arith.addi %mul3A_4, %add3A_236 : i32
        %add3A_315 = arith.constant 2 : i32
        %add3A_316 = arith.addi %add3A_314, %add3A_315 : i32
        %dma_start3A_317 = arith.constant 0 : i32
        %dma_start3A_318 = arith.constant 0 : i32
        %dma_start3A_319 = arith.constant 0 : i32
        %dma_start3A_320 = tpu.memref_slice %arg2[%add3A_316, %dma_start3A_317, %dma_start3A_318, %dma_start3A_319] : memref<3200x3x2x128xi32, #tpu.memory_space<hbm>> -> memref<1x3x2x128xi32, #tpu.memory_space<hbm>>
        %dma_start3A_321 = tpu.memref_squeeze %dma_start3A_320 : memref<1x3x2x128xi32, #tpu.memory_space<hbm>> -> memref<3x2x128xi32, #tpu.memory_space<hbm>>
        %dma_start3A_322 = arith.constant 0 : i32
        %dma_start3A_323 = arith.constant 0 : i32
        %dma_start3A_324 = arith.constant 0 : i32
        %dma_start3A_325 = tpu.memref_slice %arg2[%add3A_316, %dma_start3A_322, %dma_start3A_323, %dma_start3A_324] : memref<3200x3x2x128xi32, #tpu.memory_space<hbm>> -> memref<1x3x2x128xi32, #tpu.memory_space<hbm>>
        %dma_start3A_326 = tpu.memref_squeeze %dma_start3A_325 : memref<1x3x2x128xi32, #tpu.memory_space<hbm>> -> memref<3x2x128xi32, #tpu.memory_space<hbm>>
        tpu.enqueue_dma source(%dma_start3A_326 : memref<3x2x128xi32, #tpu.memory_space<hbm>>) target(%arg8 : memref<3x2x128xi32, #tpu.memory_space<vmem>>) target_semaphore(%arg14 : memref<!tpu.dma_semaphore, #tpu.memory_space<semaphore_mem>>)
      } else {
      }
      %gt3A_289 = arith.constant 0 : i32
      %gt3A_290 = arith.cmpi sgt, %add3A_236, %gt3A_289 : i32
      %convert_element_type3A_291 = arith.extui %gt3A_290 : i1 to i32
      %cond3A_292 = arith.constant 0 : i32
      %cond3A_293 = arith.cmpi ne, %convert_element_type3A_291, %cond3A_292 : i32
      scf.if %cond3A_293 {
        %dma_wait3A_314 = arith.constant 0 : i32
        %dma_wait3A_315 = tpu.memref_slice %arg6[%add3A_239, %dma_wait3A_314] : memref<819200x128xf32, #tpu.memory_space<hbm>> -> memref<256x128xf32, #tpu.memory_space<hbm>>
        %dma_wait3A_316 = arith.constant 0 : i32
        %dma_wait3A_317 = tpu.memref_slice %arg6[%add3A_239, %dma_wait3A_316] : memref<819200x128xf32, #tpu.memory_space<hbm>> -> memref<256x128xf32, #tpu.memory_space<hbm>>
        tpu.wait_dma2 semaphore(%arg19 : memref<!tpu.dma_semaphore, #tpu.memory_space<semaphore_mem>>) src(%arg9 : memref<256x128xf32, #tpu.memory_space<vmem>>) dst(%dma_wait3A_317 : memref<256x128xf32, #tpu.memory_space<hbm>>)
      } else {
      }
      %lt3A_294 = arith.constant 99 : i32
      %lt3A_295 = arith.cmpi slt, %add3A_236, %lt3A_294 : i32
      %convert_element_type3A_296 = arith.extui %lt3A_295 : i1 to i32
      %cond3A_297 = arith.constant 0 : i32
      %cond3A_298 = arith.cmpi ne, %convert_element_type3A_296, %cond3A_297 : i32
      scf.if %cond3A_298 {
        %add3A_314 = arith.addi %mul3A_4, %add3A_236 : i32
        %add3A_315 = arith.constant 1 : i32
        %add3A_316 = arith.addi %add3A_314, %add3A_315 : i32
        %dma_wait3A_317 = arith.constant 0 : i32
        %dma_wait3A_318 = arith.constant 0 : i32
        %dma_wait3A_319 = arith.constant 0 : i32
        %dma_wait3A_320 = tpu.memref_slice %arg2[%add3A_316, %dma_wait3A_317, %dma_wait3A_318, %dma_wait3A_319] : memref<3200x3x2x128xi32, #tpu.memory_space<hbm>> -> memref<1x3x2x128xi32, #tpu.memory_space<hbm>>
        %dma_wait3A_321 = tpu.memref_squeeze %dma_wait3A_320 : memref<1x3x2x128xi32, #tpu.memory_space<hbm>> -> memref<3x2x128xi32, #tpu.memory_space<hbm>>
        %dma_wait3A_322 = arith.constant 0 : i32
        %dma_wait3A_323 = arith.constant 0 : i32
        %dma_wait3A_324 = arith.constant 0 : i32
        %dma_wait3A_325 = tpu.memref_slice %arg2[%add3A_316, %dma_wait3A_322, %dma_wait3A_323, %dma_wait3A_324] : memref<3200x3x2x128xi32, #tpu.memory_space<hbm>> -> memref<1x3x2x128xi32, #tpu.memory_space<hbm>>
        %dma_wait3A_326 = tpu.memref_squeeze %dma_wait3A_325 : memref<1x3x2x128xi32, #tpu.memory_space<hbm>> -> memref<3x2x128xi32, #tpu.memory_space<hbm>>
        tpu.wait_dma2 semaphore(%arg13 : memref<!tpu.dma_semaphore, #tpu.memory_space<semaphore_mem>>) src(%dma_wait3A_326 : memref<3x2x128xi32, #tpu.memory_space<hbm>>) dst(%arg7 : memref<3x2x128xi32, #tpu.memory_space<vmem>>)
        %dma_start3A_327 = arith.constant 0 : i32
        %dma_start3A_328 = arith.constant 0 : i32
        %dma_start3A_329 = arith.constant 0 : i32
        %dma_start3A_330 = arith.constant 0 : i32
        %dma_start3A_331 = tpu.memref_slice %arg9[%dma_start3A_329, %dma_start3A_330] : memref<256x128xf32, #tpu.memory_space<vmem>> -> memref<128x128xf32, #tpu.memory_space<vmem>>
        %dma_start3A_332 = arith.constant 0 : i32
        %dma_start3A_333 = tpu.memref_slice %arg7[%dma_start3A_327, %dma_start3A_328, %dma_start3A_332] : memref<3x2x128xi32, #tpu.memory_space<vmem>> -> memref<1x1x128xi32, #tpu.memory_space<vmem>>
        %dma_start3A_334 = tpu.memref_squeeze %dma_start3A_333 : memref<1x1x128xi32, #tpu.memory_space<vmem>> -> memref<128xi32, #tpu.memory_space<vmem>>
        %dma_start3A_335 = arith.constant 0 : i32
        %dma_start3A_336 = arith.constant 0 : i32
        %dma_start3A_337 = tpu.memref_slice %arg3[%dma_start3A_335, %dma_start3A_336] : memref<100000x128xf32, #tpu.memory_space<hbm>> -> memref<100000x128xf32, #tpu.memory_space<hbm>>
        tpu.enqueue_indirect_dma source(%dma_start3A_337 : memref<100000x128xf32, #tpu.memory_space<hbm>>) target(%dma_start3A_331 : memref<128x128xf32, #tpu.memory_space<vmem>>) offsets(%dma_start3A_334 : memref<128xi32, #tpu.memory_space<vmem>>) semaphore(%arg15 : memref<!tpu.dma_semaphore, #tpu.memory_space<semaphore_mem>>)
        %dma_start3A_338 = arith.constant 0 : i32
        %dma_start3A_339 = arith.constant 1 : i32
        %dma_start3A_340 = arith.constant 128 : i32
        %dma_start3A_341 = arith.constant 0 : i32
        %dma_start3A_342 = tpu.memref_slice %arg9[%dma_start3A_340, %dma_start3A_341] : memref<256x128xf32, #tpu.memory_space<vmem>> -> memref<128x128xf32, #tpu.memory_space<vmem>>
        %dma_start3A_343 = arith.constant 0 : i32
        %dma_start3A_344 = tpu.memref_slice %arg7[%dma_start3A_338, %dma_start3A_339, %dma_start3A_343] : memref<3x2x128xi32, #tpu.memory_space<vmem>> -> memref<1x1x128xi32, #tpu.memory_space<vmem>>
        %dma_start3A_345 = tpu.memref_squeeze %dma_start3A_344 : memref<1x1x128xi32, #tpu.memory_space<vmem>> -> memref<128xi32, #tpu.memory_space<vmem>>
        %dma_start3A_346 = arith.constant 0 : i32
        %dma_start3A_347 = arith.constant 0 : i32
        %dma_start3A_348 = tpu.memref_slice %arg3[%dma_start3A_346, %dma_start3A_347] : memref<100000x128xf32, #tpu.memory_space<hbm>> -> memref<100000x128xf32, #tpu.memory_space<hbm>>
        tpu.enqueue_indirect_dma source(%dma_start3A_348 : memref<100000x128xf32, #tpu.memory_space<hbm>>) target(%dma_start3A_342 : memref<128x128xf32, #tpu.memory_space<vmem>>) offsets(%dma_start3A_345 : memref<128xi32, #tpu.memory_space<vmem>>) semaphore(%arg15 : memref<!tpu.dma_semaphore, #tpu.memory_space<semaphore_mem>>)
      } else {
      }
      %parallel_loop3A_299 = arith.constant 0 : i32
      %parallel_loop3A_300 = arith.constant 128 : i32
      %parallel_loop3A_301 = arith.constant 1 : i32
      scf.for %parallel_loop3A_314 = %parallel_loop3A_299 to %parallel_loop3A_300 step %parallel_loop3A_301  : i32 {
        %parallel_loop3A_315 = arith.index_cast %parallel_loop3A_314 : i32 to index
        %parallel_loop3A_316 = arith.constant 0 : index
        %parallel_loop3A_317 = tpu.vector_load %arg10[%parallel_loop3A_315, %parallel_loop3A_316] {strides = array<i32>} : memref<256x128xf32, #tpu.memory_space<vmem>>, vector<16xf32>,
        %parallel_loop3A_318 = arith.index_cast %parallel_loop3A_314 : i32 to index
        %parallel_loop3A_319 = arith.constant 16 : index
        %parallel_loop3A_320 = tpu.vector_load %arg10[%parallel_loop3A_318, %parallel_loop3A_319] {strides = array<i32>} : memref<256x128xf32, #tpu.memory_space<vmem>>, vector<16xf32>,
        %parallel_loop3A_321 = arith.index_cast %parallel_loop3A_314 : i32 to index
        %parallel_loop3A_322 = arith.constant 32 : index
        %parallel_loop3A_323 = tpu.vector_load %arg10[%parallel_loop3A_321, %parallel_loop3A_322] {strides = array<i32>} : memref<256x128xf32, #tpu.memory_space<vmem>>, vector<16xf32>,
        %parallel_loop3A_324 = arith.index_cast %parallel_loop3A_314 : i32 to index
        %parallel_loop3A_325 = arith.constant 48 : index
        %parallel_loop3A_326 = tpu.vector_load %arg10[%parallel_loop3A_324, %parallel_loop3A_325] {strides = array<i32>} : memref<256x128xf32, #tpu.memory_space<vmem>>, vector<16xf32>,
        %parallel_loop3A_327 = arith.index_cast %parallel_loop3A_314 : i32 to index
        %parallel_loop3A_328 = arith.constant 64 : index
        %parallel_loop3A_329 = tpu.vector_load %arg10[%parallel_loop3A_327, %parallel_loop3A_328] {strides = array<i32>} : memref<256x128xf32, #tpu.memory_space<vmem>>, vector<16xf32>,
        %parallel_loop3A_330 = arith.index_cast %parallel_loop3A_314 : i32 to index
        %parallel_loop3A_331 = arith.constant 80 : index
        %parallel_loop3A_332 = tpu.vector_load %arg10[%parallel_loop3A_330, %parallel_loop3A_331] {strides = array<i32>} : memref<256x128xf32, #tpu.memory_space<vmem>>, vector<16xf32>,
        %parallel_loop3A_333 = arith.index_cast %parallel_loop3A_314 : i32 to index
        %parallel_loop3A_334 = arith.constant 96 : index
        %parallel_loop3A_335 = tpu.vector_load %arg10[%parallel_loop3A_333, %parallel_loop3A_334] {strides = array<i32>} : memref<256x128xf32, #tpu.memory_space<vmem>>, vector<16xf32>,
        %parallel_loop3A_336 = arith.index_cast %parallel_loop3A_314 : i32 to index
        %parallel_loop3A_337 = arith.constant 112 : index
        %parallel_loop3A_338 = tpu.vector_load %arg10[%parallel_loop3A_336, %parallel_loop3A_337] {strides = array<i32>} : memref<256x128xf32, #tpu.memory_space<vmem>>, vector<16xf32>,
        %parallel_loop3A_339 = arith.addf %parallel_loop3A_317, %parallel_loop3A_320 : vector<16xf32>
        %parallel_loop3A_340 = arith.addf %parallel_loop3A_323, %parallel_loop3A_326 : vector<16xf32>
        %parallel_loop3A_341 = arith.addf %parallel_loop3A_329, %parallel_loop3A_332 : vector<16xf32>
        %parallel_loop3A_342 = arith.addf %parallel_loop3A_335, %parallel_loop3A_338 : vector<16xf32>
        %parallel_loop3A_343 = arith.addf %parallel_loop3A_339, %parallel_loop3A_340 : vector<16xf32>
        %parallel_loop3A_344 = arith.addf %parallel_loop3A_341, %parallel_loop3A_342 : vector<16xf32>
        %parallel_loop3A_345 = arith.addf %parallel_loop3A_343, %parallel_loop3A_344 : vector<16xf32>
        %parallel_loop3A_346 = arith.mulf %parallel_loop3A_317, %parallel_loop3A_317 : vector<16xf32>
        %parallel_loop3A_347 = arith.mulf %parallel_loop3A_320, %parallel_loop3A_320 : vector<16xf32>
        %parallel_loop3A_348 = arith.mulf %parallel_loop3A_323, %parallel_loop3A_323 : vector<16xf32>
        %parallel_loop3A_349 = arith.mulf %parallel_loop3A_326, %parallel_loop3A_326 : vector<16xf32>
        %parallel_loop3A_350 = arith.mulf %parallel_loop3A_329, %parallel_loop3A_329 : vector<16xf32>
        %parallel_loop3A_351 = arith.mulf %parallel_loop3A_332, %parallel_loop3A_332 : vector<16xf32>
        %parallel_loop3A_352 = arith.mulf %parallel_loop3A_335, %parallel_loop3A_335 : vector<16xf32>
        %parallel_loop3A_353 = arith.mulf %parallel_loop3A_338, %parallel_loop3A_338 : vector<16xf32>
        %parallel_loop3A_354 = arith.addf %parallel_loop3A_346, %parallel_loop3A_347 : vector<16xf32>
        %parallel_loop3A_355 = arith.addf %parallel_loop3A_348, %parallel_loop3A_349 : vector<16xf32>
        %parallel_loop3A_356 = arith.addf %parallel_loop3A_350, %parallel_loop3A_351 : vector<16xf32>
        %parallel_loop3A_357 = arith.addf %parallel_loop3A_352, %parallel_loop3A_353 : vector<16xf32>
        %parallel_loop3A_358 = arith.addf %parallel_loop3A_354, %parallel_loop3A_355 : vector<16xf32>
        %parallel_loop3A_359 = arith.addf %parallel_loop3A_356, %parallel_loop3A_357 : vector<16xf32>
        %parallel_loop3A_360 = arith.addf %parallel_loop3A_358, %parallel_loop3A_359 : vector<16xf32>
        %parallel_loop3A_361 = arith.constant 0 : i32
        %parallel_loop3A_362 = vector.broadcast %parallel_loop3A_361 : i32 to vector<16xi32>
        %parallel_loop3A_363 = arith.cmpi slt, %xor3A_8, %parallel_loop3A_362 : vector<16xi32>
        %parallel_loop3A_364 = arith.constant 16 : i32
        %parallel_loop3A_365 = vector.broadcast %parallel_loop3A_364 : i32 to vector<16xi32>
        %parallel_loop3A_366 = arith.addi %xor3A_8, %parallel_loop3A_365 : vector<16xi32>
        %parallel_loop3A_367 = arith.select %parallel_loop3A_363, %parallel_loop3A_366, %xor3A_8 : vector<16xi1>, vector<16xi32>
        %parallel_loop3A_368 = vector.shape_cast %parallel_loop3A_367 : vector<16xi32> to vector<16x1xi32>
        %parallel_loop3A_369 = vector.shape_cast %parallel_loop3A_368 : vector<16x1xi32> to vector<16xi32>
        %parallel_loop3A_370 = tpu.dynamic_gather %parallel_loop3A_345[%parallel_loop3A_369] in [0] : vector<16xf32>, vector<16xi32> -> vector<16xf32>
        %parallel_loop3A_371 = arith.addf %parallel_loop3A_345, %parallel_loop3A_370 : vector<16xf32>
        %parallel_loop3A_372 = arith.constant 0 : i32
        %parallel_loop3A_373 = vector.broadcast %parallel_loop3A_372 : i32 to vector<16xi32>
        %parallel_loop3A_374 = arith.cmpi slt, %xor3A_8, %parallel_loop3A_373 : vector<16xi32>
        %parallel_loop3A_375 = arith.constant 16 : i32
        %parallel_loop3A_376 = vector.broadcast %parallel_loop3A_375 : i32 to vector<16xi32>
        %parallel_loop3A_377 = arith.addi %xor3A_8, %parallel_loop3A_376 : vector<16xi32>
        %parallel_loop3A_378 = arith.select %parallel_loop3A_374, %parallel_loop3A_377, %xor3A_8 : vector<16xi1>, vector<16xi32>
        %parallel_loop3A_379 = vector.shape_cast %parallel_loop3A_378 : vector<16xi32> to vector<16x1xi32>
        %parallel_loop3A_380 = vector.shape_cast %parallel_loop3A_379 : vector<16x1xi32> to vector<16xi32>
        %parallel_loop3A_381 = tpu.dynamic_gather %parallel_loop3A_360[%parallel_loop3A_380] in [0] : vector<16xf32>, vector<16xi32> -> vector<16xf32>
        %parallel_loop3A_382 = arith.addf %parallel_loop3A_360, %parallel_loop3A_381 : vector<16xf32>
        %parallel_loop3A_383 = arith.constant 0 : i32
        %parallel_loop3A_384 = vector.broadcast %parallel_loop3A_383 : i32 to vector<16xi32>
        %parallel_loop3A_385 = arith.cmpi slt, %xor3A_11, %parallel_loop3A_384 : vector<16xi32>
        %parallel_loop3A_386 = arith.constant 16 : i32
        %parallel_loop3A_387 = vector.broadcast %parallel_loop3A_386 : i32 to vector<16xi32>
        %parallel_loop3A_388 = arith.addi %xor3A_11, %parallel_loop3A_387 : vector<16xi32>
        %parallel_loop3A_389 = arith.select %parallel_loop3A_385, %parallel_loop3A_388, %xor3A_11 : vector<16xi1>, vector<16xi32>
        %parallel_loop3A_390 = vector.shape_cast %parallel_loop3A_389 : vector<16xi32> to vector<16x1xi32>
        %parallel_loop3A_391 = vector.shape_cast %parallel_loop3A_390 : vector<16x1xi32> to vector<16xi32>
        %parallel_loop3A_392 = tpu.dynamic_gather %parallel_loop3A_371[%parallel_loop3A_391] in [0] : vector<16xf32>, vector<16xi32> -> vector<16xf32>
        %parallel_loop3A_393 = arith.addf %parallel_loop3A_371, %parallel_loop3A_392 : vector<16xf32>
        %parallel_loop3A_394 = arith.constant 0 : i32
        %parallel_loop3A_395 = vector.broadcast %parallel_loop3A_394 : i32 to vector<16xi32>
        %parallel_loop3A_396 = arith.cmpi slt, %xor3A_11, %parallel_loop3A_395 : vector<16xi32>
        %parallel_loop3A_397 = arith.constant 16 : i32
        %parallel_loop3A_398 = vector.broadcast %parallel_loop3A_397 : i32 to vector<16xi32>
        %parallel_loop3A_399 = arith.addi %xor3A_11, %parallel_loop3A_398 : vector<16xi32>
        %parallel_loop3A_400 = arith.select %parallel_loop3A_396, %parallel_loop3A_399, %xor3A_11 : vector<16xi1>, vector<16xi32>
        %parallel_loop3A_401 = vector.shape_cast %parallel_loop3A_400 : vector<16xi32> to vector<16x1xi32>
        %parallel_loop3A_402 = vector.shape_cast %parallel_loop3A_401 : vector<16x1xi32> to vector<16xi32>
        %parallel_loop3A_403 = tpu.dynamic_gather %parallel_loop3A_382[%parallel_loop3A_402] in [0] : vector<16xf32>, vector<16xi32> -> vector<16xf32>
        %parallel_loop3A_404 = arith.addf %parallel_loop3A_382, %parallel_loop3A_403 : vector<16xf32>
        %parallel_loop3A_405 = arith.constant 0 : i32
        %parallel_loop3A_406 = vector.broadcast %parallel_loop3A_405 : i32 to vector<16xi32>
        %parallel_loop3A_407 = arith.cmpi slt, %xor3A_14, %parallel_loop3A_406 : vector<16xi32>
        %parallel_loop3A_408 = arith.constant 16 : i32
        %parallel_loop3A_409 = vector.broadcast %parallel_loop3A_408 : i32 to vector<16xi32>
        %parallel_loop3A_410 = arith.addi %xor3A_14, %parallel_loop3A_409 : vector<16xi32>
        %parallel_loop3A_411 = arith.select %parallel_loop3A_407, %parallel_loop3A_410, %xor3A_14 : vector<16xi1>, vector<16xi32>
        %parallel_loop3A_412 = vector.shape_cast %parallel_loop3A_411 : vector<16xi32> to vector<16x1xi32>
        %parallel_loop3A_413 = vector.shape_cast %parallel_loop3A_412 : vector<16x1xi32> to vector<16xi32>
        %parallel_loop3A_414 = tpu.dynamic_gather %parallel_loop3A_393[%parallel_loop3A_413] in [0] : vector<16xf32>, vector<16xi32> -> vector<16xf32>
        %parallel_loop3A_415 = arith.addf %parallel_loop3A_393, %parallel_loop3A_414 : vector<16xf32>
        %parallel_loop3A_416 = arith.constant 0 : i32
        %parallel_loop3A_417 = vector.broadcast %parallel_loop3A_416 : i32 to vector<16xi32>
        %parallel_loop3A_418 = arith.cmpi slt, %xor3A_14, %parallel_loop3A_417 : vector<16xi32>
        %parallel_loop3A_419 = arith.constant 16 : i32
        %parallel_loop3A_420 = vector.broadcast %parallel_loop3A_419 : i32 to vector<16xi32>
        %parallel_loop3A_421 = arith.addi %xor3A_14, %parallel_loop3A_420 : vector<16xi32>
        %parallel_loop3A_422 = arith.select %parallel_loop3A_418, %parallel_loop3A_421, %xor3A_14 : vector<16xi1>, vector<16xi32>
        %parallel_loop3A_423 = vector.shape_cast %parallel_loop3A_422 : vector<16xi32> to vector<16x1xi32>
        %parallel_loop3A_424 = vector.shape_cast %parallel_loop3A_423 : vector<16x1xi32> to vector<16xi32>
        %parallel_loop3A_425 = tpu.dynamic_gather %parallel_loop3A_404[%parallel_loop3A_424] in [0] : vector<16xf32>, vector<16xi32> -> vector<16xf32>
        %parallel_loop3A_426 = arith.addf %parallel_loop3A_404, %parallel_loop3A_425 : vector<16xf32>
        %parallel_loop3A_427 = arith.constant 0 : i32
        %parallel_loop3A_428 = vector.broadcast %parallel_loop3A_427 : i32 to vector<16xi32>
        %parallel_loop3A_429 = arith.cmpi slt, %xor3A_17, %parallel_loop3A_428 : vector<16xi32>
        %parallel_loop3A_430 = arith.constant 16 : i32
        %parallel_loop3A_431 = vector.broadcast %parallel_loop3A_430 : i32 to vector<16xi32>
        %parallel_loop3A_432 = arith.addi %xor3A_17, %parallel_loop3A_431 : vector<16xi32>
        %parallel_loop3A_433 = arith.select %parallel_loop3A_429, %parallel_loop3A_432, %xor3A_17 : vector<16xi1>, vector<16xi32>
        %parallel_loop3A_434 = vector.shape_cast %parallel_loop3A_433 : vector<16xi32> to vector<16x1xi32>
        %parallel_loop3A_435 = vector.shape_cast %parallel_loop3A_434 : vector<16x1xi32> to vector<16xi32>
        %parallel_loop3A_436 = tpu.dynamic_gather %parallel_loop3A_415[%parallel_loop3A_435] in [0] : vector<16xf32>, vector<16xi32> -> vector<16xf32>
        %parallel_loop3A_437 = arith.addf %parallel_loop3A_415, %parallel_loop3A_436 : vector<16xf32>
        %parallel_loop3A_438 = arith.constant 0 : i32
        %parallel_loop3A_439 = vector.broadcast %parallel_loop3A_438 : i32 to vector<16xi32>
        %parallel_loop3A_440 = arith.cmpi slt, %xor3A_17, %parallel_loop3A_439 : vector<16xi32>
        %parallel_loop3A_441 = arith.constant 16 : i32
        %parallel_loop3A_442 = vector.broadcast %parallel_loop3A_441 : i32 to vector<16xi32>
        %parallel_loop3A_443 = arith.addi %xor3A_17, %parallel_loop3A_442 : vector<16xi32>
        %parallel_loop3A_444 = arith.select %parallel_loop3A_440, %parallel_loop3A_443, %xor3A_17 : vector<16xi1>, vector<16xi32>
        %parallel_loop3A_445 = vector.shape_cast %parallel_loop3A_444 : vector<16xi32> to vector<16x1xi32>
        %parallel_loop3A_446 = vector.shape_cast %parallel_loop3A_445 : vector<16x1xi32> to vector<16xi32>
        %parallel_loop3A_447 = tpu.dynamic_gather %parallel_loop3A_426[%parallel_loop3A_446] in [0] : vector<16xf32>, vector<16xi32> -> vector<16xf32>
        %parallel_loop3A_448 = arith.addf %parallel_loop3A_426, %parallel_loop3A_447 : vector<16xf32>
        %parallel_loop3A_449 = arith.constant 7.812500e-03 : f32
        %parallel_loop3A_450 = vector.broadcast %parallel_loop3A_449 : f32 to vector<16xf32>
        %parallel_loop3A_451 = arith.mulf %parallel_loop3A_437, %parallel_loop3A_450 : vector<16xf32>
        %parallel_loop3A_452 = arith.constant 7.812500e-03 : f32
        %parallel_loop3A_453 = vector.broadcast %parallel_loop3A_452 : f32 to vector<16xf32>
        %parallel_loop3A_454 = arith.mulf %parallel_loop3A_448, %parallel_loop3A_453 : vector<16xf32>
        %parallel_loop3A_455 = arith.mulf %parallel_loop3A_451, %parallel_loop3A_451 : vector<16xf32>
        %parallel_loop3A_456 = arith.subf %parallel_loop3A_454, %parallel_loop3A_455 : vector<16xf32>
        %parallel_loop3A_457 = arith.constant 9.99999974E-6 : f32
        %parallel_loop3A_458 = vector.broadcast %parallel_loop3A_457 : f32 to vector<16xf32>
        %parallel_loop3A_459 = arith.addf %parallel_loop3A_456, %parallel_loop3A_458 : vector<16xf32>
        %parallel_loop3A_460 = vector.bitcast %parallel_loop3A_459 : vector<16xf32> to vector<16xi32>
        %parallel_loop3A_461 = arith.constant 1 : i32
        %parallel_loop3A_462 = vector.broadcast %parallel_loop3A_461 : i32 to vector<16xi32>
        %parallel_loop3A_463 = arith.shrsi %parallel_loop3A_460, %parallel_loop3A_462 : vector<16xi32>
        %parallel_loop3A_464 = arith.constant 1597463007 : i32
        %parallel_loop3A_465 = vector.broadcast %parallel_loop3A_464 : i32 to vector<16xi32>
        %parallel_loop3A_466 = arith.subi %parallel_loop3A_465, %parallel_loop3A_463 : vector<16xi32>
        %parallel_loop3A_467 = vector.bitcast %parallel_loop3A_466 : vector<16xi32> to vector<16xf32>
        %parallel_loop3A_468 = arith.constant 5.000000e-01 : f32
        %parallel_loop3A_469 = vector.broadcast %parallel_loop3A_468 : f32 to vector<16xf32>
        %parallel_loop3A_470 = arith.mulf %parallel_loop3A_459, %parallel_loop3A_469 : vector<16xf32>
        %parallel_loop3A_471 = arith.mulf %parallel_loop3A_470, %parallel_loop3A_467 : vector<16xf32>
        %parallel_loop3A_472 = arith.mulf %parallel_loop3A_471, %parallel_loop3A_467 : vector<16xf32>
        %parallel_loop3A_473 = arith.constant 1.500000e+00 : f32
        %parallel_loop3A_474 = vector.broadcast %parallel_loop3A_473 : f32 to vector<16xf32>
        %parallel_loop3A_475 = arith.subf %parallel_loop3A_474, %parallel_loop3A_472 : vector<16xf32>
        %parallel_loop3A_476 = arith.mulf %parallel_loop3A_467, %parallel_loop3A_475 : vector<16xf32>
        %parallel_loop3A_477 = arith.mulf %parallel_loop3A_470, %parallel_loop3A_476 : vector<16xf32>
        %parallel_loop3A_478 = arith.mulf %parallel_loop3A_477, %parallel_loop3A_476 : vector<16xf32>
        %parallel_loop3A_479 = arith.constant 1.500000e+00 : f32
        %parallel_loop3A_480 = vector.broadcast %parallel_loop3A_479 : f32 to vector<16xf32>
        %parallel_loop3A_481 = arith.subf %parallel_loop3A_480, %parallel_loop3A_478 : vector<16xf32>
        %parallel_loop3A_482 = arith.mulf %parallel_loop3A_476, %parallel_loop3A_481 : vector<16xf32>
        %parallel_loop3A_483 = arith.subf %parallel_loop3A_317, %parallel_loop3A_451 : vector<16xf32>
        %parallel_loop3A_484 = arith.mulf %parallel_loop3A_483, %parallel_loop3A_482 : vector<16xf32>
        %parallel_loop3A_485 = arith.mulf %parallel_loop3A_484, %get3A_18 : vector<16xf32>
        %parallel_loop3A_486 = arith.addf %parallel_loop3A_485, %get3A_34 : vector<16xf32>
        %parallel_loop3A_487 = arith.index_cast %parallel_loop3A_314 : i32 to index
        %parallel_loop3A_488 = arith.constant 0 : index
        %parallel_loop3A_489 = tpu.vector_load %arg10[%parallel_loop3A_487, %parallel_loop3A_488] {strides = array<i32>} : memref<256x128xf32, #tpu.memory_space<vmem>>, vector<16xf32>,
        tpu.vector_store %arg10[%parallel_loop3A_487, %parallel_loop3A_488], %parallel_loop3A_486 {strides = array<i32>} : memref<256x128xf32, #tpu.memory_space<vmem>>, vector<16xf32>,
        %parallel_loop3A_490 = arith.subf %parallel_loop3A_320, %parallel_loop3A_451 : vector<16xf32>
        %parallel_loop3A_491 = arith.mulf %parallel_loop3A_490, %parallel_loop3A_482 : vector<16xf32>
        %parallel_loop3A_492 = arith.mulf %parallel_loop3A_491, %get3A_20 : vector<16xf32>
        %parallel_loop3A_493 = arith.addf %parallel_loop3A_492, %get3A_36 : vector<16xf32>
        %parallel_loop3A_494 = arith.index_cast %parallel_loop3A_314 : i32 to index
        %parallel_loop3A_495 = arith.constant 16 : index
        %parallel_loop3A_496 = tpu.vector_load %arg10[%parallel_loop3A_494, %parallel_loop3A_495] {strides = array<i32>} : memref<256x128xf32, #tpu.memory_space<vmem>>, vector<16xf32>,
        tpu.vector_store %arg10[%parallel_loop3A_494, %parallel_loop3A_495], %parallel_loop3A_493 {strides = array<i32>} : memref<256x128xf32, #tpu.memory_space<vmem>>, vector<16xf32>,
        %parallel_loop3A_497 = arith.subf %parallel_loop3A_323, %parallel_loop3A_451 : vector<16xf32>
        %parallel_loop3A_498 = arith.mulf %parallel_loop3A_497, %parallel_loop3A_482 : vector<16xf32>
        %parallel_loop3A_499 = arith.mulf %parallel_loop3A_498, %get3A_22 : vector<16xf32>
        %parallel_loop3A_500 = arith.addf %parallel_loop3A_499, %get3A_38 : vector<16xf32>
        %parallel_loop3A_501 = arith.index_cast %parallel_loop3A_314 : i32 to index
        %parallel_loop3A_502 = arith.constant 32 : index
        %parallel_loop3A_503 = tpu.vector_load %arg10[%parallel_loop3A_501, %parallel_loop3A_502] {strides = array<i32>} : memref<256x128xf32, #tpu.memory_space<vmem>>, vector<16xf32>,
        tpu.vector_store %arg10[%parallel_loop3A_501, %parallel_loop3A_502], %parallel_loop3A_500 {strides = array<i32>} : memref<256x128xf32, #tpu.memory_space<vmem>>, vector<16xf32>,
        %parallel_loop3A_504 = arith.subf %parallel_loop3A_326, %parallel_loop3A_451 : vector<16xf32>
        %parallel_loop3A_505 = arith.mulf %parallel_loop3A_504, %parallel_loop3A_482 : vector<16xf32>
        %parallel_loop3A_506 = arith.mulf %parallel_loop3A_505, %get3A_24 : vector<16xf32>
        %parallel_loop3A_507 = arith.addf %parallel_loop3A_506, %get3A_40 : vector<16xf32>
        %parallel_loop3A_508 = arith.index_cast %parallel_loop3A_314 : i32 to index
        %parallel_loop3A_509 = arith.constant 48 : index
        %parallel_loop3A_510 = tpu.vector_load %arg10[%parallel_loop3A_508, %parallel_loop3A_509] {strides = array<i32>} : memref<256x128xf32, #tpu.memory_space<vmem>>, vector<16xf32>,
        tpu.vector_store %arg10[%parallel_loop3A_508, %parallel_loop3A_509], %parallel_loop3A_507 {strides = array<i32>} : memref<256x128xf32, #tpu.memory_space<vmem>>, vector<16xf32>,
        %parallel_loop3A_511 = arith.subf %parallel_loop3A_329, %parallel_loop3A_451 : vector<16xf32>
        %parallel_loop3A_512 = arith.mulf %parallel_loop3A_511, %parallel_loop3A_482 : vector<16xf32>
        %parallel_loop3A_513 = arith.mulf %parallel_loop3A_512, %get3A_26 : vector<16xf32>
        %parallel_loop3A_514 = arith.addf %parallel_loop3A_513, %get3A_42 : vector<16xf32>
        %parallel_loop3A_515 = arith.index_cast %parallel_loop3A_314 : i32 to index
        %parallel_loop3A_516 = arith.constant 64 : index
        %parallel_loop3A_517 = tpu.vector_load %arg10[%parallel_loop3A_515, %parallel_loop3A_516] {strides = array<i32>} : memref<256x128xf32, #tpu.memory_space<vmem>>, vector<16xf32>,
        tpu.vector_store %arg10[%parallel_loop3A_515, %parallel_loop3A_516], %parallel_loop3A_514 {strides = array<i32>} : memref<256x128xf32, #tpu.memory_space<vmem>>, vector<16xf32>,
        %parallel_loop3A_518 = arith.subf %parallel_loop3A_332, %parallel_loop3A_451 : vector<16xf32>
        %parallel_loop3A_519 = arith.mulf %parallel_loop3A_518, %parallel_loop3A_482 : vector<16xf32>
        %parallel_loop3A_520 = arith.mulf %parallel_loop3A_519, %get3A_28 : vector<16xf32>
        %parallel_loop3A_521 = arith.addf %parallel_loop3A_520, %get3A_44 : vector<16xf32>
        %parallel_loop3A_522 = arith.index_cast %parallel_loop3A_314 : i32 to index
        %parallel_loop3A_523 = arith.constant 80 : index
        %parallel_loop3A_524 = tpu.vector_load %arg10[%parallel_loop3A_522, %parallel_loop3A_523] {strides = array<i32>} : memref<256x128xf32, #tpu.memory_space<vmem>>, vector<16xf32>,
        tpu.vector_store %arg10[%parallel_loop3A_522, %parallel_loop3A_523], %parallel_loop3A_521 {strides = array<i32>} : memref<256x128xf32, #tpu.memory_space<vmem>>, vector<16xf32>,
        %parallel_loop3A_525 = arith.subf %parallel_loop3A_335, %parallel_loop3A_451 : vector<16xf32>
        %parallel_loop3A_526 = arith.mulf %parallel_loop3A_525, %parallel_loop3A_482 : vector<16xf32>
        %parallel_loop3A_527 = arith.mulf %parallel_loop3A_526, %get3A_30 : vector<16xf32>
        %parallel_loop3A_528 = arith.addf %parallel_loop3A_527, %get3A_46 : vector<16xf32>
        %parallel_loop3A_529 = arith.index_cast %parallel_loop3A_314 : i32 to index
        %parallel_loop3A_530 = arith.constant 96 : index
        %parallel_loop3A_531 = tpu.vector_load %arg10[%parallel_loop3A_529, %parallel_loop3A_530] {strides = array<i32>} : memref<256x128xf32, #tpu.memory_space<vmem>>, vector<16xf32>,
        tpu.vector_store %arg10[%parallel_loop3A_529, %parallel_loop3A_530], %parallel_loop3A_528 {strides = array<i32>} : memref<256x128xf32, #tpu.memory_space<vmem>>, vector<16xf32>,
        %parallel_loop3A_532 = arith.subf %parallel_loop3A_338, %parallel_loop3A_451 : vector<16xf32>
        %parallel_loop3A_533 = arith.mulf %parallel_loop3A_532, %parallel_loop3A_482 : vector<16xf32>
        %parallel_loop3A_534 = arith.mulf %parallel_loop3A_533, %get3A_32 : vector<16xf32>
        %parallel_loop3A_535 = arith.addf %parallel_loop3A_534, %get3A_48 : vector<16xf32>
        %parallel_loop3A_536 = arith.index_cast %parallel_loop3A_314 : i32 to index
        %parallel_loop3A_537 = arith.constant 112 : index
        %parallel_loop3A_538 = tpu.vector_load %arg10[%parallel_loop3A_536, %parallel_loop3A_537] {strides = array<i32>} : memref<256x128xf32, #tpu.memory_space<vmem>>, vector<16xf32>,
        tpu.vector_store %arg10[%parallel_loop3A_536, %parallel_loop3A_537], %parallel_loop3A_535 {strides = array<i32>} : memref<256x128xf32, #tpu.memory_space<vmem>>, vector<16xf32>,
      } {sc.loop_unroll_factor = 1 : i64, sc.parallel_access}
      %lt3A_302 = arith.constant 99 : i32
      %lt3A_303 = arith.cmpi slt, %add3A_236, %lt3A_302 : i32
      %convert_element_type3A_304 = arith.extui %lt3A_303 : i1 to i32
      %cond3A_305 = arith.constant 0 : i32
      %cond3A_306 = arith.cmpi ne, %convert_element_type3A_304, %cond3A_305 : i32
      scf.if %cond3A_306 {
        %dma_wait3A_314 = arith.constant 0 : i32
        %dma_wait3A_315 = arith.constant 0 : i32
        %dma_wait3A_316 = arith.constant 0 : i32
        %dma_wait3A_317 = arith.constant 0 : i32
        %dma_wait3A_318 = tpu.memref_slice %arg9[%dma_wait3A_316, %dma_wait3A_317] : memref<256x128xf32, #tpu.memory_space<vmem>> -> memref<128x128xf32, #tpu.memory_space<vmem>>
        %dma_wait3A_319 = arith.constant 0 : i32
        %dma_wait3A_320 = tpu.memref_slice %arg7[%dma_wait3A_314, %dma_wait3A_315, %dma_wait3A_319] : memref<3x2x128xi32, #tpu.memory_space<vmem>> -> memref<1x1x128xi32, #tpu.memory_space<vmem>>
        %dma_wait3A_321 = tpu.memref_squeeze %dma_wait3A_320 : memref<1x1x128xi32, #tpu.memory_space<vmem>> -> memref<128xi32, #tpu.memory_space<vmem>>
        %dma_wait3A_322 = arith.constant 0 : i32
        %dma_wait3A_323 = arith.constant 0 : i32
        %dma_wait3A_324 = tpu.memref_slice %arg3[%dma_wait3A_322, %dma_wait3A_323] : memref<100000x128xf32, #tpu.memory_space<hbm>> -> memref<100000x128xf32, #tpu.memory_space<hbm>>
        tpu.wait_indirect_dma semaphore(%arg15 : memref<!tpu.dma_semaphore, #tpu.memory_space<semaphore_mem>>) src(%dma_wait3A_324 : memref<100000x128xf32, #tpu.memory_space<hbm>>) dst(%dma_wait3A_318 : memref<128x128xf32, #tpu.memory_space<vmem>>)
        %dma_wait3A_325 = arith.constant 0 : i32
        %dma_wait3A_326 = arith.constant 1 : i32
        %dma_wait3A_327 = arith.constant 128 : i32
        %dma_wait3A_328 = arith.constant 0 : i32
        %dma_wait3A_329 = tpu.memref_slice %arg9[%dma_wait3A_327, %dma_wait3A_328] : memref<256x128xf32, #tpu.memory_space<vmem>> -> memref<128x128xf32, #tpu.memory_space<vmem>>
        %dma_wait3A_330 = arith.constant 0 : i32
        %dma_wait3A_331 = tpu.memref_slice %arg7[%dma_wait3A_325, %dma_wait3A_326, %dma_wait3A_330] : memref<3x2x128xi32, #tpu.memory_space<vmem>> -> memref<1x1x128xi32, #tpu.memory_space<vmem>>
        %dma_wait3A_332 = tpu.memref_squeeze %dma_wait3A_331 : memref<1x1x128xi32, #tpu.memory_space<vmem>> -> memref<128xi32, #tpu.memory_space<vmem>>
        %dma_wait3A_333 = arith.constant 0 : i32
        %dma_wait3A_334 = arith.constant 0 : i32
        %dma_wait3A_335 = tpu.memref_slice %arg3[%dma_wait3A_333, %dma_wait3A_334] : memref<100000x128xf32, #tpu.memory_space<hbm>> -> memref<100000x128xf32, #tpu.memory_space<hbm>>
        tpu.wait_indirect_dma semaphore(%arg15 : memref<!tpu.dma_semaphore, #tpu.memory_space<semaphore_mem>>) src(%dma_wait3A_335 : memref<100000x128xf32, #tpu.memory_space<hbm>>) dst(%dma_wait3A_329 : memref<128x128xf32, #tpu.memory_space<vmem>>)
        %dma_start3A_336 = arith.constant 1 : i32
        %dma_start3A_337 = arith.constant 0 : i32
        %dma_start3A_338 = arith.constant 0 : i32
        %dma_start3A_339 = arith.constant 0 : i32
        %dma_start3A_340 = tpu.memref_slice %arg9[%dma_start3A_338, %dma_start3A_339] : memref<256x128xf32, #tpu.memory_space<vmem>> -> memref<128x128xf32, #tpu.memory_space<vmem>>
        %dma_start3A_341 = arith.constant 0 : i32
        %dma_start3A_342 = tpu.memref_slice %arg7[%dma_start3A_336, %dma_start3A_337, %dma_start3A_341] : memref<3x2x128xi32, #tpu.memory_space<vmem>> -> memref<1x1x128xi32, #tpu.memory_space<vmem>>
        %dma_start3A_343 = tpu.memref_squeeze %dma_start3A_342 : memref<1x1x128xi32, #tpu.memory_space<vmem>> -> memref<128xi32, #tpu.memory_space<vmem>>
        %dma_start3A_344 = arith.constant 0 : i32
        %dma_start3A_345 = arith.constant 0 : i32
        %dma_start3A_346 = tpu.memref_slice %arg12[%dma_start3A_344, %dma_start3A_345] : memref<752x128xf32, #tpu.memory_space<vmem_shared>> -> memref<752x128xf32, #tpu.memory_space<vmem_shared>>
        tpu.enqueue_indirect_dma source(%dma_start3A_346 : memref<752x128xf32, #tpu.memory_space<vmem_shared>>) target(%dma_start3A_340 : memref<128x128xf32, #tpu.memory_space<vmem>>) offsets(%dma_start3A_343 : memref<128xi32, #tpu.memory_space<vmem>>) semaphore(%arg17 : memref<!tpu.dma_semaphore, #tpu.memory_space<semaphore_mem>>) {add = true}
        %dma_start3A_347 = arith.constant 2 : i32
        %dma_start3A_348 = arith.constant 0 : i32
        %dma_start3A_349 = arith.constant 0 : i32
        %dma_start3A_350 = arith.constant 0 : i32
        %dma_start3A_351 = tpu.memref_slice %arg9[%dma_start3A_349, %dma_start3A_350] : memref<256x128xf32, #tpu.memory_space<vmem>> -> memref<128x128xf32, #tpu.memory_space<vmem>>
        %dma_start3A_352 = arith.constant 0 : i32
        %dma_start3A_353 = tpu.memref_slice %arg7[%dma_start3A_347, %dma_start3A_348, %dma_start3A_352] : memref<3x2x128xi32, #tpu.memory_space<vmem>> -> memref<1x1x128xi32, #tpu.memory_space<vmem>>
        %dma_start3A_354 = tpu.memref_squeeze %dma_start3A_353 : memref<1x1x128xi32, #tpu.memory_space<vmem>> -> memref<128xi32, #tpu.memory_space<vmem>>
        %dma_start3A_355 = arith.constant 0 : i32
        %dma_start3A_356 = arith.constant 0 : i32
        %dma_start3A_357 = tpu.memref_slice %arg12[%dma_start3A_355, %dma_start3A_356] : memref<752x128xf32, #tpu.memory_space<vmem_shared>> -> memref<752x128xf32, #tpu.memory_space<vmem_shared>>
        tpu.enqueue_indirect_dma source(%dma_start3A_357 : memref<752x128xf32, #tpu.memory_space<vmem_shared>>) target(%dma_start3A_351 : memref<128x128xf32, #tpu.memory_space<vmem>>) offsets(%dma_start3A_354 : memref<128xi32, #tpu.memory_space<vmem>>) semaphore(%arg17 : memref<!tpu.dma_semaphore, #tpu.memory_space<semaphore_mem>>) {add = true}
        %dma_start3A_358 = arith.constant 1 : i32
        %dma_start3A_359 = arith.constant 1 : i32
        %dma_start3A_360 = arith.constant 128 : i32
        %dma_start3A_361 = arith.constant 0 : i32
        %dma_start3A_362 = tpu.memref_slice %arg9[%dma_start3A_360, %dma_start3A_361] : memref<256x128xf32, #tpu.memory_space<vmem>> -> memref<128x128xf32, #tpu.memory_space<vmem>>
        %dma_start3A_363 = arith.constant 0 : i32
        %dma_start3A_364 = tpu.memref_slice %arg7[%dma_start3A_358, %dma_start3A_359, %dma_start3A_363] : memref<3x2x128xi32, #tpu.memory_space<vmem>> -> memref<1x1x128xi32, #tpu.memory_space<vmem>>
        %dma_start3A_365 = tpu.memref_squeeze %dma_start3A_364 : memref<1x1x128xi32, #tpu.memory_space<vmem>> -> memref<128xi32, #tpu.memory_space<vmem>>
        %dma_start3A_366 = arith.constant 0 : i32
        %dma_start3A_367 = arith.constant 0 : i32
        %dma_start3A_368 = tpu.memref_slice %arg12[%dma_start3A_366, %dma_start3A_367] : memref<752x128xf32, #tpu.memory_space<vmem_shared>> -> memref<752x128xf32, #tpu.memory_space<vmem_shared>>
        tpu.enqueue_indirect_dma source(%dma_start3A_368 : memref<752x128xf32, #tpu.memory_space<vmem_shared>>) target(%dma_start3A_362 : memref<128x128xf32, #tpu.memory_space<vmem>>) offsets(%dma_start3A_365 : memref<128xi32, #tpu.memory_space<vmem>>) semaphore(%arg17 : memref<!tpu.dma_semaphore, #tpu.memory_space<semaphore_mem>>) {add = true}
        %dma_start3A_369 = arith.constant 2 : i32
        %dma_start3A_370 = arith.constant 1 : i32
        %dma_start3A_371 = arith.constant 128 : i32
        %dma_start3A_372 = arith.constant 0 : i32
        %dma_start3A_373 = tpu.memref_slice %arg9[%dma_start3A_371, %dma_start3A_372] : memref<256x128xf32, #tpu.memory_space<vmem>> -> memref<128x128xf32, #tpu.memory_space<vmem>>
        %dma_start3A_374 = arith.constant 0 : i32
        %dma_start3A_375 = tpu.memref_slice %arg7[%dma_start3A_369, %dma_start3A_370, %dma_start3A_374] : memref<3x2x128xi32, #tpu.memory_space<vmem>> -> memref<1x1x128xi32, #tpu.memory_space<vmem>>
        %dma_start3A_376 = tpu.memref_squeeze %dma_start3A_375 : memref<1x1x128xi32, #tpu.memory_space<vmem>> -> memref<128xi32, #tpu.memory_space<vmem>>
        %dma_start3A_377 = arith.constant 0 : i32
        %dma_start3A_378 = arith.constant 0 : i32
        %dma_start3A_379 = tpu.memref_slice %arg12[%dma_start3A_377, %dma_start3A_378] : memref<752x128xf32, #tpu.memory_space<vmem_shared>> -> memref<752x128xf32, #tpu.memory_space<vmem_shared>>
        tpu.enqueue_indirect_dma source(%dma_start3A_379 : memref<752x128xf32, #tpu.memory_space<vmem_shared>>) target(%dma_start3A_373 : memref<128x128xf32, #tpu.memory_space<vmem>>) offsets(%dma_start3A_376 : memref<128xi32, #tpu.memory_space<vmem>>) semaphore(%arg17 : memref<!tpu.dma_semaphore, #tpu.memory_space<semaphore_mem>>) {add = true}
      } else {
      }
      %parallel_loop3A_307 = arith.constant 128 : i32
      %parallel_loop3A_308 = arith.constant 256 : i32
      %parallel_loop3A_309 = arith.constant 1 : i32
      scf.for %parallel_loop3A_314 = %parallel_loop3A_307 to %parallel_loop3A_308 step %parallel_loop3A_309  : i32 {
        %parallel_loop3A_315 = arith.index_cast %parallel_loop3A_314 : i32 to index
        %parallel_loop3A_316 = arith.constant 0 : index
        %parallel_loop3A_317 = tpu.vector_load %arg10[%parallel_loop3A_315, %parallel_loop3A_316] {strides = array<i32>} : memref<256x128xf32, #tpu.memory_space<vmem>>, vector<16xf32>,
        %parallel_loop3A_318 = arith.index_cast %parallel_loop3A_314 : i32 to index
        %parallel_loop3A_319 = arith.constant 16 : index
        %parallel_loop3A_320 = tpu.vector_load %arg10[%parallel_loop3A_318, %parallel_loop3A_319] {strides = array<i32>} : memref<256x128xf32, #tpu.memory_space<vmem>>, vector<16xf32>,
        %parallel_loop3A_321 = arith.index_cast %parallel_loop3A_314 : i32 to index
        %parallel_loop3A_322 = arith.constant 32 : index
        %parallel_loop3A_323 = tpu.vector_load %arg10[%parallel_loop3A_321, %parallel_loop3A_322] {strides = array<i32>} : memref<256x128xf32, #tpu.memory_space<vmem>>, vector<16xf32>,
        %parallel_loop3A_324 = arith.index_cast %parallel_loop3A_314 : i32 to index
        %parallel_loop3A_325 = arith.constant 48 : index
        %parallel_loop3A_326 = tpu.vector_load %arg10[%parallel_loop3A_324, %parallel_loop3A_325] {strides = array<i32>} : memref<256x128xf32, #tpu.memory_space<vmem>>, vector<16xf32>,
        %parallel_loop3A_327 = arith.index_cast %parallel_loop3A_314 : i32 to index
        %parallel_loop3A_328 = arith.constant 64 : index
        %parallel_loop3A_329 = tpu.vector_load %arg10[%parallel_loop3A_327, %parallel_loop3A_328] {strides = array<i32>} : memref<256x128xf32, #tpu.memory_space<vmem>>, vector<16xf32>,
        %parallel_loop3A_330 = arith.index_cast %parallel_loop3A_314 : i32 to index
        %parallel_loop3A_331 = arith.constant 80 : index
        %parallel_loop3A_332 = tpu.vector_load %arg10[%parallel_loop3A_330, %parallel_loop3A_331] {strides = array<i32>} : memref<256x128xf32, #tpu.memory_space<vmem>>, vector<16xf32>,
        %parallel_loop3A_333 = arith.index_cast %parallel_loop3A_314 : i32 to index
        %parallel_loop3A_334 = arith.constant 96 : index
        %parallel_loop3A_335 = tpu.vector_load %arg10[%parallel_loop3A_333, %parallel_loop3A_334] {strides = array<i32>} : memref<256x128xf32, #tpu.memory_space<vmem>>, vector<16xf32>,
        %parallel_loop3A_336 = arith.index_cast %parallel_loop3A_314 : i32 to index
        %parallel_loop3A_337 = arith.constant 112 : index
        %parallel_loop3A_338 = tpu.vector_load %arg10[%parallel_loop3A_336, %parallel_loop3A_337] {strides = array<i32>} : memref<256x128xf32, #tpu.memory_space<vmem>>, vector<16xf32>,
        %parallel_loop3A_339 = arith.addf %parallel_loop3A_317, %parallel_loop3A_320 : vector<16xf32>
        %parallel_loop3A_340 = arith.addf %parallel_loop3A_323, %parallel_loop3A_326 : vector<16xf32>
        %parallel_loop3A_341 = arith.addf %parallel_loop3A_329, %parallel_loop3A_332 : vector<16xf32>
        %parallel_loop3A_342 = arith.addf %parallel_loop3A_335, %parallel_loop3A_338 : vector<16xf32>
        %parallel_loop3A_343 = arith.addf %parallel_loop3A_339, %parallel_loop3A_340 : vector<16xf32>
        %parallel_loop3A_344 = arith.addf %parallel_loop3A_341, %parallel_loop3A_342 : vector<16xf32>
        %parallel_loop3A_345 = arith.addf %parallel_loop3A_343, %parallel_loop3A_344 : vector<16xf32>
        %parallel_loop3A_346 = arith.mulf %parallel_loop3A_317, %parallel_loop3A_317 : vector<16xf32>
        %parallel_loop3A_347 = arith.mulf %parallel_loop3A_320, %parallel_loop3A_320 : vector<16xf32>
        %parallel_loop3A_348 = arith.mulf %parallel_loop3A_323, %parallel_loop3A_323 : vector<16xf32>
        %parallel_loop3A_349 = arith.mulf %parallel_loop3A_326, %parallel_loop3A_326 : vector<16xf32>
        %parallel_loop3A_350 = arith.mulf %parallel_loop3A_329, %parallel_loop3A_329 : vector<16xf32>
        %parallel_loop3A_351 = arith.mulf %parallel_loop3A_332, %parallel_loop3A_332 : vector<16xf32>
        %parallel_loop3A_352 = arith.mulf %parallel_loop3A_335, %parallel_loop3A_335 : vector<16xf32>
        %parallel_loop3A_353 = arith.mulf %parallel_loop3A_338, %parallel_loop3A_338 : vector<16xf32>
        %parallel_loop3A_354 = arith.addf %parallel_loop3A_346, %parallel_loop3A_347 : vector<16xf32>
        %parallel_loop3A_355 = arith.addf %parallel_loop3A_348, %parallel_loop3A_349 : vector<16xf32>
        %parallel_loop3A_356 = arith.addf %parallel_loop3A_350, %parallel_loop3A_351 : vector<16xf32>
        %parallel_loop3A_357 = arith.addf %parallel_loop3A_352, %parallel_loop3A_353 : vector<16xf32>
        %parallel_loop3A_358 = arith.addf %parallel_loop3A_354, %parallel_loop3A_355 : vector<16xf32>
        %parallel_loop3A_359 = arith.addf %parallel_loop3A_356, %parallel_loop3A_357 : vector<16xf32>
        %parallel_loop3A_360 = arith.addf %parallel_loop3A_358, %parallel_loop3A_359 : vector<16xf32>
        %parallel_loop3A_361 = arith.constant 0 : i32
        %parallel_loop3A_362 = vector.broadcast %parallel_loop3A_361 : i32 to vector<16xi32>
        %parallel_loop3A_363 = arith.cmpi slt, %xor3A_8, %parallel_loop3A_362 : vector<16xi32>
        %parallel_loop3A_364 = arith.constant 16 : i32
        %parallel_loop3A_365 = vector.broadcast %parallel_loop3A_364 : i32 to vector<16xi32>
        %parallel_loop3A_366 = arith.addi %xor3A_8, %parallel_loop3A_365 : vector<16xi32>
        %parallel_loop3A_367 = arith.select %parallel_loop3A_363, %parallel_loop3A_366, %xor3A_8 : vector<16xi1>, vector<16xi32>
        %parallel_loop3A_368 = vector.shape_cast %parallel_loop3A_367 : vector<16xi32> to vector<16x1xi32>
        %parallel_loop3A_369 = vector.shape_cast %parallel_loop3A_368 : vector<16x1xi32> to vector<16xi32>
        %parallel_loop3A_370 = tpu.dynamic_gather %parallel_loop3A_345[%parallel_loop3A_369] in [0] : vector<16xf32>, vector<16xi32> -> vector<16xf32>
        %parallel_loop3A_371 = arith.addf %parallel_loop3A_345, %parallel_loop3A_370 : vector<16xf32>
        %parallel_loop3A_372 = arith.constant 0 : i32
        %parallel_loop3A_373 = vector.broadcast %parallel_loop3A_372 : i32 to vector<16xi32>
        %parallel_loop3A_374 = arith.cmpi slt, %xor3A_8, %parallel_loop3A_373 : vector<16xi32>
        %parallel_loop3A_375 = arith.constant 16 : i32
        %parallel_loop3A_376 = vector.broadcast %parallel_loop3A_375 : i32 to vector<16xi32>
        %parallel_loop3A_377 = arith.addi %xor3A_8, %parallel_loop3A_376 : vector<16xi32>
        %parallel_loop3A_378 = arith.select %parallel_loop3A_374, %parallel_loop3A_377, %xor3A_8 : vector<16xi1>, vector<16xi32>
        %parallel_loop3A_379 = vector.shape_cast %parallel_loop3A_378 : vector<16xi32> to vector<16x1xi32>
        %parallel_loop3A_380 = vector.shape_cast %parallel_loop3A_379 : vector<16x1xi32> to vector<16xi32>
        %parallel_loop3A_381 = tpu.dynamic_gather %parallel_loop3A_360[%parallel_loop3A_380] in [0] : vector<16xf32>, vector<16xi32> -> vector<16xf32>
        %parallel_loop3A_382 = arith.addf %parallel_loop3A_360, %parallel_loop3A_381 : vector<16xf32>
        %parallel_loop3A_383 = arith.constant 0 : i32
        %parallel_loop3A_384 = vector.broadcast %parallel_loop3A_383 : i32 to vector<16xi32>
        %parallel_loop3A_385 = arith.cmpi slt, %xor3A_11, %parallel_loop3A_384 : vector<16xi32>
        %parallel_loop3A_386 = arith.constant 16 : i32
        %parallel_loop3A_387 = vector.broadcast %parallel_loop3A_386 : i32 to vector<16xi32>
        %parallel_loop3A_388 = arith.addi %xor3A_11, %parallel_loop3A_387 : vector<16xi32>
        %parallel_loop3A_389 = arith.select %parallel_loop3A_385, %parallel_loop3A_388, %xor3A_11 : vector<16xi1>, vector<16xi32>
        %parallel_loop3A_390 = vector.shape_cast %parallel_loop3A_389 : vector<16xi32> to vector<16x1xi32>
        %parallel_loop3A_391 = vector.shape_cast %parallel_loop3A_390 : vector<16x1xi32> to vector<16xi32>
        %parallel_loop3A_392 = tpu.dynamic_gather %parallel_loop3A_371[%parallel_loop3A_391] in [0] : vector<16xf32>, vector<16xi32> -> vector<16xf32>
        %parallel_loop3A_393 = arith.addf %parallel_loop3A_371, %parallel_loop3A_392 : vector<16xf32>
        %parallel_loop3A_394 = arith.constant 0 : i32
        %parallel_loop3A_395 = vector.broadcast %parallel_loop3A_394 : i32 to vector<16xi32>
        %parallel_loop3A_396 = arith.cmpi slt, %xor3A_11, %parallel_loop3A_395 : vector<16xi32>
        %parallel_loop3A_397 = arith.constant 16 : i32
        %parallel_loop3A_398 = vector.broadcast %parallel_loop3A_397 : i32 to vector<16xi32>
        %parallel_loop3A_399 = arith.addi %xor3A_11, %parallel_loop3A_398 : vector<16xi32>
        %parallel_loop3A_400 = arith.select %parallel_loop3A_396, %parallel_loop3A_399, %xor3A_11 : vector<16xi1>, vector<16xi32>
        %parallel_loop3A_401 = vector.shape_cast %parallel_loop3A_400 : vector<16xi32> to vector<16x1xi32>
        %parallel_loop3A_402 = vector.shape_cast %parallel_loop3A_401 : vector<16x1xi32> to vector<16xi32>
        %parallel_loop3A_403 = tpu.dynamic_gather %parallel_loop3A_382[%parallel_loop3A_402] in [0] : vector<16xf32>, vector<16xi32> -> vector<16xf32>
        %parallel_loop3A_404 = arith.addf %parallel_loop3A_382, %parallel_loop3A_403 : vector<16xf32>
        %parallel_loop3A_405 = arith.constant 0 : i32
        %parallel_loop3A_406 = vector.broadcast %parallel_loop3A_405 : i32 to vector<16xi32>
        %parallel_loop3A_407 = arith.cmpi slt, %xor3A_14, %parallel_loop3A_406 : vector<16xi32>
        %parallel_loop3A_408 = arith.constant 16 : i32
        %parallel_loop3A_409 = vector.broadcast %parallel_loop3A_408 : i32 to vector<16xi32>
        %parallel_loop3A_410 = arith.addi %xor3A_14, %parallel_loop3A_409 : vector<16xi32>
        %parallel_loop3A_411 = arith.select %parallel_loop3A_407, %parallel_loop3A_410, %xor3A_14 : vector<16xi1>, vector<16xi32>
        %parallel_loop3A_412 = vector.shape_cast %parallel_loop3A_411 : vector<16xi32> to vector<16x1xi32>
        %parallel_loop3A_413 = vector.shape_cast %parallel_loop3A_412 : vector<16x1xi32> to vector<16xi32>
        %parallel_loop3A_414 = tpu.dynamic_gather %parallel_loop3A_393[%parallel_loop3A_413] in [0] : vector<16xf32>, vector<16xi32> -> vector<16xf32>
        %parallel_loop3A_415 = arith.addf %parallel_loop3A_393, %parallel_loop3A_414 : vector<16xf32>
        %parallel_loop3A_416 = arith.constant 0 : i32
        %parallel_loop3A_417 = vector.broadcast %parallel_loop3A_416 : i32 to vector<16xi32>
        %parallel_loop3A_418 = arith.cmpi slt, %xor3A_14, %parallel_loop3A_417 : vector<16xi32>
        %parallel_loop3A_419 = arith.constant 16 : i32
        %parallel_loop3A_420 = vector.broadcast %parallel_loop3A_419 : i32 to vector<16xi32>
        %parallel_loop3A_421 = arith.addi %xor3A_14, %parallel_loop3A_420 : vector<16xi32>
        %parallel_loop3A_422 = arith.select %parallel_loop3A_418, %parallel_loop3A_421, %xor3A_14 : vector<16xi1>, vector<16xi32>
        %parallel_loop3A_423 = vector.shape_cast %parallel_loop3A_422 : vector<16xi32> to vector<16x1xi32>
        %parallel_loop3A_424 = vector.shape_cast %parallel_loop3A_423 : vector<16x1xi32> to vector<16xi32>
        %parallel_loop3A_425 = tpu.dynamic_gather %parallel_loop3A_404[%parallel_loop3A_424] in [0] : vector<16xf32>, vector<16xi32> -> vector<16xf32>
        %parallel_loop3A_426 = arith.addf %parallel_loop3A_404, %parallel_loop3A_425 : vector<16xf32>
        %parallel_loop3A_427 = arith.constant 0 : i32
        %parallel_loop3A_428 = vector.broadcast %parallel_loop3A_427 : i32 to vector<16xi32>
        %parallel_loop3A_429 = arith.cmpi slt, %xor3A_17, %parallel_loop3A_428 : vector<16xi32>
        %parallel_loop3A_430 = arith.constant 16 : i32
        %parallel_loop3A_431 = vector.broadcast %parallel_loop3A_430 : i32 to vector<16xi32>
        %parallel_loop3A_432 = arith.addi %xor3A_17, %parallel_loop3A_431 : vector<16xi32>
        %parallel_loop3A_433 = arith.select %parallel_loop3A_429, %parallel_loop3A_432, %xor3A_17 : vector<16xi1>, vector<16xi32>
        %parallel_loop3A_434 = vector.shape_cast %parallel_loop3A_433 : vector<16xi32> to vector<16x1xi32>
        %parallel_loop3A_435 = vector.shape_cast %parallel_loop3A_434 : vector<16x1xi32> to vector<16xi32>
        %parallel_loop3A_436 = tpu.dynamic_gather %parallel_loop3A_415[%parallel_loop3A_435] in [0] : vector<16xf32>, vector<16xi32> -> vector<16xf32>
        %parallel_loop3A_437 = arith.addf %parallel_loop3A_415, %parallel_loop3A_436 : vector<16xf32>
        %parallel_loop3A_438 = arith.constant 0 : i32
        %parallel_loop3A_439 = vector.broadcast %parallel_loop3A_438 : i32 to vector<16xi32>
        %parallel_loop3A_440 = arith.cmpi slt, %xor3A_17, %parallel_loop3A_439 : vector<16xi32>
        %parallel_loop3A_441 = arith.constant 16 : i32
        %parallel_loop3A_442 = vector.broadcast %parallel_loop3A_441 : i32 to vector<16xi32>
        %parallel_loop3A_443 = arith.addi %xor3A_17, %parallel_loop3A_442 : vector<16xi32>
        %parallel_loop3A_444 = arith.select %parallel_loop3A_440, %parallel_loop3A_443, %xor3A_17 : vector<16xi1>, vector<16xi32>
        %parallel_loop3A_445 = vector.shape_cast %parallel_loop3A_444 : vector<16xi32> to vector<16x1xi32>
        %parallel_loop3A_446 = vector.shape_cast %parallel_loop3A_445 : vector<16x1xi32> to vector<16xi32>
        %parallel_loop3A_447 = tpu.dynamic_gather %parallel_loop3A_426[%parallel_loop3A_446] in [0] : vector<16xf32>, vector<16xi32> -> vector<16xf32>
        %parallel_loop3A_448 = arith.addf %parallel_loop3A_426, %parallel_loop3A_447 : vector<16xf32>
        %parallel_loop3A_449 = arith.constant 7.812500e-03 : f32
        %parallel_loop3A_450 = vector.broadcast %parallel_loop3A_449 : f32 to vector<16xf32>
        %parallel_loop3A_451 = arith.mulf %parallel_loop3A_437, %parallel_loop3A_450 : vector<16xf32>
        %parallel_loop3A_452 = arith.constant 7.812500e-03 : f32
        %parallel_loop3A_453 = vector.broadcast %parallel_loop3A_452 : f32 to vector<16xf32>
        %parallel_loop3A_454 = arith.mulf %parallel_loop3A_448, %parallel_loop3A_453 : vector<16xf32>
        %parallel_loop3A_455 = arith.mulf %parallel_loop3A_451, %parallel_loop3A_451 : vector<16xf32>
        %parallel_loop3A_456 = arith.subf %parallel_loop3A_454, %parallel_loop3A_455 : vector<16xf32>
        %parallel_loop3A_457 = arith.constant 9.99999974E-6 : f32
        %parallel_loop3A_458 = vector.broadcast %parallel_loop3A_457 : f32 to vector<16xf32>
        %parallel_loop3A_459 = arith.addf %parallel_loop3A_456, %parallel_loop3A_458 : vector<16xf32>
        %parallel_loop3A_460 = vector.bitcast %parallel_loop3A_459 : vector<16xf32> to vector<16xi32>
        %parallel_loop3A_461 = arith.constant 1 : i32
        %parallel_loop3A_462 = vector.broadcast %parallel_loop3A_461 : i32 to vector<16xi32>
        %parallel_loop3A_463 = arith.shrsi %parallel_loop3A_460, %parallel_loop3A_462 : vector<16xi32>
        %parallel_loop3A_464 = arith.constant 1597463007 : i32
        %parallel_loop3A_465 = vector.broadcast %parallel_loop3A_464 : i32 to vector<16xi32>
        %parallel_loop3A_466 = arith.subi %parallel_loop3A_465, %parallel_loop3A_463 : vector<16xi32>
        %parallel_loop3A_467 = vector.bitcast %parallel_loop3A_466 : vector<16xi32> to vector<16xf32>
        %parallel_loop3A_468 = arith.constant 5.000000e-01 : f32
        %parallel_loop3A_469 = vector.broadcast %parallel_loop3A_468 : f32 to vector<16xf32>
        %parallel_loop3A_470 = arith.mulf %parallel_loop3A_459, %parallel_loop3A_469 : vector<16xf32>
        %parallel_loop3A_471 = arith.mulf %parallel_loop3A_470, %parallel_loop3A_467 : vector<16xf32>
        %parallel_loop3A_472 = arith.mulf %parallel_loop3A_471, %parallel_loop3A_467 : vector<16xf32>
        %parallel_loop3A_473 = arith.constant 1.500000e+00 : f32
        %parallel_loop3A_474 = vector.broadcast %parallel_loop3A_473 : f32 to vector<16xf32>
        %parallel_loop3A_475 = arith.subf %parallel_loop3A_474, %parallel_loop3A_472 : vector<16xf32>
        %parallel_loop3A_476 = arith.mulf %parallel_loop3A_467, %parallel_loop3A_475 : vector<16xf32>
        %parallel_loop3A_477 = arith.mulf %parallel_loop3A_470, %parallel_loop3A_476 : vector<16xf32>
        %parallel_loop3A_478 = arith.mulf %parallel_loop3A_477, %parallel_loop3A_476 : vector<16xf32>
        %parallel_loop3A_479 = arith.constant 1.500000e+00 : f32
        %parallel_loop3A_480 = vector.broadcast %parallel_loop3A_479 : f32 to vector<16xf32>
        %parallel_loop3A_481 = arith.subf %parallel_loop3A_480, %parallel_loop3A_478 : vector<16xf32>
        %parallel_loop3A_482 = arith.mulf %parallel_loop3A_476, %parallel_loop3A_481 : vector<16xf32>
        %parallel_loop3A_483 = arith.subf %parallel_loop3A_317, %parallel_loop3A_451 : vector<16xf32>
        %parallel_loop3A_484 = arith.mulf %parallel_loop3A_483, %parallel_loop3A_482 : vector<16xf32>
        %parallel_loop3A_485 = arith.mulf %parallel_loop3A_484, %get3A_18 : vector<16xf32>
        %parallel_loop3A_486 = arith.addf %parallel_loop3A_485, %get3A_34 : vector<16xf32>
        %parallel_loop3A_487 = arith.index_cast %parallel_loop3A_314 : i32 to index
        %parallel_loop3A_488 = arith.constant 0 : index
        %parallel_loop3A_489 = tpu.vector_load %arg10[%parallel_loop3A_487, %parallel_loop3A_488] {strides = array<i32>} : memref<256x128xf32, #tpu.memory_space<vmem>>, vector<16xf32>,
        tpu.vector_store %arg10[%parallel_loop3A_487, %parallel_loop3A_488], %parallel_loop3A_486 {strides = array<i32>} : memref<256x128xf32, #tpu.memory_space<vmem>>, vector<16xf32>,
        %parallel_loop3A_490 = arith.subf %parallel_loop3A_320, %parallel_loop3A_451 : vector<16xf32>
        %parallel_loop3A_491 = arith.mulf %parallel_loop3A_490, %parallel_loop3A_482 : vector<16xf32>
        %parallel_loop3A_492 = arith.mulf %parallel_loop3A_491, %get3A_20 : vector<16xf32>
        %parallel_loop3A_493 = arith.addf %parallel_loop3A_492, %get3A_36 : vector<16xf32>
        %parallel_loop3A_494 = arith.index_cast %parallel_loop3A_314 : i32 to index
        %parallel_loop3A_495 = arith.constant 16 : index
        %parallel_loop3A_496 = tpu.vector_load %arg10[%parallel_loop3A_494, %parallel_loop3A_495] {strides = array<i32>} : memref<256x128xf32, #tpu.memory_space<vmem>>, vector<16xf32>,
        tpu.vector_store %arg10[%parallel_loop3A_494, %parallel_loop3A_495], %parallel_loop3A_493 {strides = array<i32>} : memref<256x128xf32, #tpu.memory_space<vmem>>, vector<16xf32>,
        %parallel_loop3A_497 = arith.subf %parallel_loop3A_323, %parallel_loop3A_451 : vector<16xf32>
        %parallel_loop3A_498 = arith.mulf %parallel_loop3A_497, %parallel_loop3A_482 : vector<16xf32>
        %parallel_loop3A_499 = arith.mulf %parallel_loop3A_498, %get3A_22 : vector<16xf32>
        %parallel_loop3A_500 = arith.addf %parallel_loop3A_499, %get3A_38 : vector<16xf32>
        %parallel_loop3A_501 = arith.index_cast %parallel_loop3A_314 : i32 to index
        %parallel_loop3A_502 = arith.constant 32 : index
        %parallel_loop3A_503 = tpu.vector_load %arg10[%parallel_loop3A_501, %parallel_loop3A_502] {strides = array<i32>} : memref<256x128xf32, #tpu.memory_space<vmem>>, vector<16xf32>,
        tpu.vector_store %arg10[%parallel_loop3A_501, %parallel_loop3A_502], %parallel_loop3A_500 {strides = array<i32>} : memref<256x128xf32, #tpu.memory_space<vmem>>, vector<16xf32>,
        %parallel_loop3A_504 = arith.subf %parallel_loop3A_326, %parallel_loop3A_451 : vector<16xf32>
        %parallel_loop3A_505 = arith.mulf %parallel_loop3A_504, %parallel_loop3A_482 : vector<16xf32>
        %parallel_loop3A_506 = arith.mulf %parallel_loop3A_505, %get3A_24 : vector<16xf32>
        %parallel_loop3A_507 = arith.addf %parallel_loop3A_506, %get3A_40 : vector<16xf32>
        %parallel_loop3A_508 = arith.index_cast %parallel_loop3A_314 : i32 to index
        %parallel_loop3A_509 = arith.constant 48 : index
        %parallel_loop3A_510 = tpu.vector_load %arg10[%parallel_loop3A_508, %parallel_loop3A_509] {strides = array<i32>} : memref<256x128xf32, #tpu.memory_space<vmem>>, vector<16xf32>,
        tpu.vector_store %arg10[%parallel_loop3A_508, %parallel_loop3A_509], %parallel_loop3A_507 {strides = array<i32>} : memref<256x128xf32, #tpu.memory_space<vmem>>, vector<16xf32>,
        %parallel_loop3A_511 = arith.subf %parallel_loop3A_329, %parallel_loop3A_451 : vector<16xf32>
        %parallel_loop3A_512 = arith.mulf %parallel_loop3A_511, %parallel_loop3A_482 : vector<16xf32>
        %parallel_loop3A_513 = arith.mulf %parallel_loop3A_512, %get3A_26 : vector<16xf32>
        %parallel_loop3A_514 = arith.addf %parallel_loop3A_513, %get3A_42 : vector<16xf32>
        %parallel_loop3A_515 = arith.index_cast %parallel_loop3A_314 : i32 to index
        %parallel_loop3A_516 = arith.constant 64 : index
        %parallel_loop3A_517 = tpu.vector_load %arg10[%parallel_loop3A_515, %parallel_loop3A_516] {strides = array<i32>} : memref<256x128xf32, #tpu.memory_space<vmem>>, vector<16xf32>,
        tpu.vector_store %arg10[%parallel_loop3A_515, %parallel_loop3A_516], %parallel_loop3A_514 {strides = array<i32>} : memref<256x128xf32, #tpu.memory_space<vmem>>, vector<16xf32>,
        %parallel_loop3A_518 = arith.subf %parallel_loop3A_332, %parallel_loop3A_451 : vector<16xf32>
        %parallel_loop3A_519 = arith.mulf %parallel_loop3A_518, %parallel_loop3A_482 : vector<16xf32>
        %parallel_loop3A_520 = arith.mulf %parallel_loop3A_519, %get3A_28 : vector<16xf32>
        %parallel_loop3A_521 = arith.addf %parallel_loop3A_520, %get3A_44 : vector<16xf32>
        %parallel_loop3A_522 = arith.index_cast %parallel_loop3A_314 : i32 to index
        %parallel_loop3A_523 = arith.constant 80 : index
        %parallel_loop3A_524 = tpu.vector_load %arg10[%parallel_loop3A_522, %parallel_loop3A_523] {strides = array<i32>} : memref<256x128xf32, #tpu.memory_space<vmem>>, vector<16xf32>,
        tpu.vector_store %arg10[%parallel_loop3A_522, %parallel_loop3A_523], %parallel_loop3A_521 {strides = array<i32>} : memref<256x128xf32, #tpu.memory_space<vmem>>, vector<16xf32>,
        %parallel_loop3A_525 = arith.subf %parallel_loop3A_335, %parallel_loop3A_451 : vector<16xf32>
        %parallel_loop3A_526 = arith.mulf %parallel_loop3A_525, %parallel_loop3A_482 : vector<16xf32>
        %parallel_loop3A_527 = arith.mulf %parallel_loop3A_526, %get3A_30 : vector<16xf32>
        %parallel_loop3A_528 = arith.addf %parallel_loop3A_527, %get3A_46 : vector<16xf32>
        %parallel_loop3A_529 = arith.index_cast %parallel_loop3A_314 : i32 to index
        %parallel_loop3A_530 = arith.constant 96 : index
        %parallel_loop3A_531 = tpu.vector_load %arg10[%parallel_loop3A_529, %parallel_loop3A_530] {strides = array<i32>} : memref<256x128xf32, #tpu.memory_space<vmem>>, vector<16xf32>,
        tpu.vector_store %arg10[%parallel_loop3A_529, %parallel_loop3A_530], %parallel_loop3A_528 {strides = array<i32>} : memref<256x128xf32, #tpu.memory_space<vmem>>, vector<16xf32>,
        %parallel_loop3A_532 = arith.subf %parallel_loop3A_338, %parallel_loop3A_451 : vector<16xf32>
        %parallel_loop3A_533 = arith.mulf %parallel_loop3A_532, %parallel_loop3A_482 : vector<16xf32>
        %parallel_loop3A_534 = arith.mulf %parallel_loop3A_533, %get3A_32 : vector<16xf32>
        %parallel_loop3A_535 = arith.addf %parallel_loop3A_534, %get3A_48 : vector<16xf32>
        %parallel_loop3A_536 = arith.index_cast %parallel_loop3A_314 : i32 to index
        %parallel_loop3A_537 = arith.constant 112 : index
        %parallel_loop3A_538 = tpu.vector_load %arg10[%parallel_loop3A_536, %parallel_loop3A_537] {strides = array<i32>} : memref<256x128xf32, #tpu.memory_space<vmem>>, vector<16xf32>,
        tpu.vector_store %arg10[%parallel_loop3A_536, %parallel_loop3A_537], %parallel_loop3A_535 {strides = array<i32>} : memref<256x128xf32, #tpu.memory_space<vmem>>, vector<16xf32>,
      } {sc.loop_unroll_factor = 1 : i64, sc.parallel_access}
      %dma_start3A_310 = arith.constant 0 : i32
      %dma_start3A_311 = tpu.memref_slice %arg6[%add3A_239, %dma_start3A_310] : memref<819200x128xf32, #tpu.memory_space<hbm>> -> memref<256x128xf32, #tpu.memory_space<hbm>>
      %dma_start3A_312 = arith.constant 0 : i32
      %dma_start3A_313 = tpu.memref_slice %arg6[%add3A_239, %dma_start3A_312] : memref<819200x128xf32, #tpu.memory_space<hbm>> -> memref<256x128xf32, #tpu.memory_space<hbm>>
      tpu.enqueue_dma source(%arg10 : memref<256x128xf32, #tpu.memory_space<vmem>>) target(%dma_start3A_313 : memref<256x128xf32, #tpu.memory_space<hbm>>) target_semaphore(%arg20 : memref<!tpu.dma_semaphore, #tpu.memory_space<semaphore_mem>>)
    }
    %scan3A_151 = arith.constant 50 : i32
    %add3A_152 = arith.constant 25344 : i32
    %add3A_153 = arith.addi %mul3A_2, %add3A_152 : i32
    %dma_wait3A_154 = arith.constant 0 : i32
    %dma_wait3A_155 = tpu.memref_slice %arg6[%add3A_153, %dma_wait3A_154] : memref<819200x128xf32, #tpu.memory_space<hbm>> -> memref<256x128xf32, #tpu.memory_space<hbm>>
    %dma_wait3A_156 = arith.constant 0 : i32
    %dma_wait3A_157 = tpu.memref_slice %arg6[%add3A_153, %dma_wait3A_156] : memref<819200x128xf32, #tpu.memory_space<hbm>> -> memref<256x128xf32, #tpu.memory_space<hbm>>
    tpu.wait_dma2 semaphore(%arg20 : memref<!tpu.dma_semaphore, #tpu.memory_space<semaphore_mem>>) src(%arg10 : memref<256x128xf32, #tpu.memory_space<vmem>>) dst(%dma_wait3A_157 : memref<256x128xf32, #tpu.memory_space<hbm>>)
    return
  }
}

</mosaic_0001>

<sc_bundles>
// kernel: kernel.3.cloned.1.call-start
scs
__scs_entry_jumppad:
0x0: {  	(pc) =	sbr.rel $0x88, $3  }
0x1: {  	(tag) =	ssettag $0x0;
	lr =	simm.s32 $0x1  }
0x2: {  	[smem:$0x3F97] =	sst lr;
	_ =	strace $0xD0000000  }
0x3: {  	_ = 	snop  }
0x4: {  	_ = 	snop  }
0x5: {  	_ = 	snop  }
0x6: {  	_ = 	snop  }
0x7: {  	_ = 	snop  }
__scs_overlays_trampoline_lowered:
0x8: {  	[smem:$0x3FA6] =	sst s0  }
0x9: {  	[smem:$0x3FA7] =	sst s1  }
0xa: {  	[smem:$0x3FA8] =	sst s2  }
0xb: {  	[smem:$0x3FA9] =	sst s3  }
0xc: {  	[smem:$0x3FAA] =	sst s4  }
0xd: {  	[smem:$0x3FAB] =	sst s5  }
0xe: {  	[smem:$0x3FAC] =	sst s6  }
0xf: {  	[smem:$0x3FAD] =	sst s7  }
0x10: {  	[smem:$0x3FAE] =	sst s8  }
0x11: {  	[smem:$0x3FAF] =	sst s9;
	s0 =	simm.s32 @!p0 $0x0  }
0x12: {  	s1 =	sld [smem:$0x3F95];
	s0 =	simm.s32 @p0 $0x1  }
0x13: {  	[smem:$0x3FB0] =	sst s0;
	s0 =	simm.s32 @!p1 $0x0  }
0x14: {  	s2 =	sld [smem:$0x3F94];
	s0 =	simm.s32 @p1 $0x1  }
0x15: {  	[smem:$0x3FB1] =	sst s0;
	s0 =	simm.s32 @!p2 $0x0  }
0x16: {  	s3 =	sld [smem:$0x3FDB];
	s0 =	simm.s32 @p2 $0x1  }
0x17: {  	s4 =	simm.s32 $0x1BF5;
	[smem:$0x3FB3] =	sst s0  }
0x18: {  	s0 =	sld [smem:$0x3F96];
	_ =	swait.ge [sflag:s4], $0x0  }
0x19: {  	s7 =	sld [smem:$0x3F97]  }
0x1a: {  	s8 =	sadd.s32 $0xFFFFE003, lr  }
0x1b: {  	s9 =	sadd.s32 $0xFFFFFEF7, lr;
	s5 =	simm.s32 $0xFFFFFFFF;
	p2 =	slt.u32 s8, $0xFFFFF086  }
0x1c: {  	p1 =	slt.u32 s9, $0xF7A;
	s5 =	simm.s32 @!p2 $0x0  }
0x1d: {  	s5 =	simm.s32 @p1 $0x1;
	p0 =	seq.s32 s7, s2  }
0x1e: {  	s7 =	smul.u32 @!p0 $0xF7A, s2;
	p2 =	seq.s32 @!p0 s5, $0x0  }
0x1f: {  	s9 =	smul.u32 $0xF7A, s1;
	s8 =	simm.s32 @!p0 $0x1BF5;
	p2 =	por !p2, p0  }
0x20: {  	[sflag:s8] =	ssyncset.s32 @!p0 $0xFFFFF086;
	s6 =	sadd.s32 @!p0 s3, s7;
	s7 =	simm.s32 @!p0 $0x108  }
0x21: {  	s3 =	sadd.s32 s3, s9;
	s6 =	sadd.s32 @!p0 $0x88, s6;
	s7 =	simm.s32 @p2 $0x1082  }
0x22: {  	[simem:s7], [sflag:s8] =	dma.local @!p0 [hbm:s6], $0xF7A  }
0x23: {  	s9 =	sor.u32 $0xD0000000, s2;
	s6 =	simm.s32 $0x108;
	_ =	swait.ge @!p0 [sflag:s8], $0x0  }
0x24: {  	s3 =	sadd.s32 $0x88, s3;
	s6 =	simm.s32 @!p1 $0x1082;
	[sflag:s4] =	ssyncset.s32 $0xFFFFF086  }
0x25: {  	[simem:s6], [sflag:s4] =	dma.local [hbm:s3], $0xF7A  }
0x26: {  	[smem:$0x3F97] =	sst s1;
	(tag) =	ssettag s2;
	_ =	strace s9  }
0x27: {  	s1 =	sld [smem:$0x3FA7]  }
0x28: {  	s2 =	sld [smem:$0x3FA8]  }
0x29: {  	s4 =	sld [smem:$0x3FAA]  }
0x2a: {  	p0 =	seq.s32 s5, $0x0;
	s5 =	sld [smem:$0x3FAB]  }
0x2b: {  	s6 =	sld [smem:$0x3FAC]  }
0x2c: {  	s7 =	sld [smem:$0x3FAD]  }
0x2d: {  	s3 =	simm.s32 $0x108;
	s8 =	sld [smem:$0x3FAE]  }
0x2e: {  	s3 =	simm.s32 @!p0 $0x1082;
	s9 =	sld [smem:$0x3FAF]  }
0x2f: {  	lr =	sadd.s32 s0, s3;
	s0 =	sld [smem:$0x3FA6]  }
0x30: {  	s3 =	sld [smem:$0x3FA9]  }
0x31: {  	[smem:$0x3FB2] =	sst s10  }
0x32: {  	s10 =	sld [smem:$0x3FB0];
	_ =	sdelay $0x3  }
0x33: {  	p0 =	seq.s32 s10, $0x1;
	s10 =	sld [smem:$0x3FB2];
	_ =	sdelay $0x3  }
0x34: {  	[smem:$0x3FB2] =	sst s10  }
0x35: {  	s10 =	sld [smem:$0x3FB1];
	_ =	sdelay $0x3  }
0x36: {  	p1 =	seq.s32 s10, $0x1;
	s10 =	sld [smem:$0x3FB2];
	_ =	sdelay $0x3  }
0x37: {  	[smem:$0x3FB2] =	sst s10  }
0x38: {  	s10 =	sld [smem:$0x3FB3]  }
0x39: {  	_ = 	snop;
	(pc) =	sbr.ind lr, $3  }
0x3a: {  	_ = 	snop  }
0x3b: {  	_ = 	snop  }
0x3c: {  	p2 =	seq.s32 s10, $0x1;
	s10 =	sld [smem:$0x3FB2]  }
0x3d: {  	_ =	shalt  }
0x3e: {  	_ =	shalt  }
0x3f: {  	_ =	shalt  }
0x40: {  	_ =	shalt  }
0x41: {  	_ =	shalt  }
0x42: {  	_ =	shalt  }
0x43: {  	_ =	shalt  }
0x44: {  	_ =	shalt  }
0x45: {  	_ =	shalt  }
0x46: {  	_ =	shalt  }
0x47: {  	_ =	shalt  }
0x48: {  	_ =	shalt  }
0x49: {  	_ =	shalt  }
0x4a: {  	_ =	shalt  }
0x4b: {  	_ =	shalt  }
0x4c: {  	_ =	shalt  }
0x4d: {  	_ =	shalt  }
0x4e: {  	_ =	shalt  }
0x4f: {  	_ =	shalt  }
0x50: {  	_ =	shalt  }
0x51: {  	_ =	shalt  }
0x52: {  	_ =	shalt  }
0x53: {  	_ =	shalt  }
0x54: {  	_ =	shalt  }
0x55: {  	_ =	shalt  }
0x56: {  	_ =	shalt  }
0x57: {  	_ =	shalt  }
0x58: {  	_ =	shalt  }
0x59: {  	_ =	shalt  }
0x5a: {  	_ =	shalt  }
0x5b: {  	_ =	shalt  }
0x5c: {  	_ =	shalt  }
0x5d: {  	_ =	shalt  }
0x5e: {  	_ =	shalt  }
0x5f: {  	_ =	shalt  }
0x60: {  	_ =	shalt  }
0x61: {  	_ =	shalt  }
0x62: {  	_ =	shalt  }
0x63: {  	_ =	shalt  }
0x64: {  	_ =	shalt  }
0x65: {  	_ =	shalt  }
0x66: {  	_ =	shalt  }
0x67: {  	_ =	shalt  }
0x68: {  	_ =	shalt  }
0x69: {  	_ =	shalt  }
0x6a: {  	_ =	shalt  }
0x6b: {  	_ =	shalt  }
0x6c: {  	_ =	shalt  }
0x6d: {  	_ =	shalt  }
0x6e: {  	_ =	shalt  }
0x6f: {  	_ =	shalt  }
0x70: {  	_ =	shalt  }
0x71: {  	_ =	shalt  }
0x72: {  	_ =	shalt  }
0x73: {  	_ =	shalt  }
0x74: {  	_ =	shalt  }
0x75: {  	_ =	shalt  }
0x76: {  	_ =	shalt  }
0x77: {  	_ =	shalt  }
0x78: {  	_ =	shalt  }
0x79: {  	_ =	shalt  }
0x7a: {  	_ =	shalt  }
0x7b: {  	_ =	shalt  }
0x7c: {  	_ =	shalt  }
0x7d: {  	_ =	shalt  }
0x7e: {  	_ =	shalt  }
0x7f: {  	_ =	shalt  }
0x80: {  	_ =	shalt  }
0x81: {  	_ =	shalt  }
0x82: {  	_ =	shalt  }
0x83: {  	_ =	shalt  }
0x84: {  	_ =	shalt  }
0x85: {  	_ =	shalt  }
0x86: {  	_ =	shalt  }
0x87: {  	_ =	shalt  }
.Lfunc_end0:
.L_simem_size_0:
called_computation_lowered:
.L_overlay_start_0:
0x88: {  	s2 =	sld [smem:$0x3FD9]  }
0x89: {  	s3 =	sld [smem:$0x3FFE];
	_ =	sdelay $0x1  }
0x8a: {  	s1 =	srdreg.scid  }
0x8b: {  	s0 =	sand.u32 $0x1, s1  }
0x8c: {  	s17 =	sshll.u32 s0, $0xA;
	s2 =	sadd.s32 s3, s2  }
0x8d: {  	s2 =	sadd.s32 s2, s17  }
0x8e: {  	[smem:$0x3FBE] =	sst s2  }
0x8f: {  	_ = 	snop  }
0x90: {  	s2 =	sld [smem:$0x3FC5]  }
0x91: {  	s18 =	sld [smem:$0x3FD0];
	(tm) =	ssettm $0x1  }
0x92: {  	s4 =	sld [smem:$0x3FFB];
	_ =	sdelay $0x3  }
0x93: {  	_ =	strace s4  }
0x94: {  	s4 =	sld [smem:$0x3FFC];
	_ =	sdelay $0x3  }
0x95: {  	_ =	strace s4  }
0x96: {  	s4 =	sld [smem:$0x3FFD];
	_ =	sdelay $0x3  }
0x97: {  	_ =	strace s4  }
0x98: {  	_ =	strace $0x8FFFFFFF  }
0x99: {  	s19 =	sld [smem:$0x3FDB];
	_ =	sdelay $0x1  }
0x9a: {  	s5 =	simm.s32 $_scs_section_size  }
0x9b: {  	s6 =	simm.s32 $_size__tile_overlayer_lowered;
	s7 =	simm.s32 $_tile_overlayer_lowered  }
0x9c: {  	s22 =	simm.s32 $0x1BFF;
	s21 =	sshll.u32 s7, $0x1;
	s4 =	sadd.s32 s5, s19  }
0x9d: {  	s8 =	simm.s32 $0x0;
	s20 =	sshll.u32 s6, $0x1;
	s6 =	sadd.s32 s21, s4  }
0x9e: {  	[timem:s8], [sflag:s22] =	dma.local [hbm:s6], s20  }
0x9f: {  	_ =	swait.ge [sflag:s22], s20  }
0xa0: {  	s5 =	ssub.s32 $0x0, s20;
	[sflag:s22] =	ssyncset.done $0x0  }
0xa1: {  	[sflag:s22] =	ssyncadd.s32 s5;
	_ =	sdelay $0x1  }
0xa2: {  	s23 =	simm.s32 $0x1B8B  }
0xa3: {  	_ =	swait.ge [sflag:s23], $0x1  }
0xa4: {  	[sflag:s23] =	ssyncset.done $0x0  }
0xa5: {  	s25 =	simm.s32 $0x1B8E;
	s24 =	sld [smem:$0x3FFE];
	[sflag:s23] =	ssyncadd.s32 $0xFFFFFFFF  }
0xa6: {  	s26 =	simm.s32 $execute0_lowered;
	[smem:$0x3FD2] =	sst s25  }
0xa7: {  	s6 =	sshll.u32 s26, $0x1;
	_ =	strace $0x80000046;
	[dreg:$0x1] =	wrdreg $0xFFFFFFFF  }
0xa8: {  	s28 =	simm.s32 $_size_execute0_lowered;
	s4 =	sadd.s32 s4, s6;
	[dreg:$0x0] =	wrdreg $0x0  }
0xa9: {  	s6 =	sshll.u32 s28, $0x1;
	[dreg:$0x2] =	wrdreg s4  }
0xaa: {  	[dreg:$0x3] =	wrdreg s6  }
0xab: {  	[dreg:$0x4] =	wrdreg $0xC0  }
0xac: {  	_ =	task [dreg:s8], $0x5FFFF  }
0xad: {  	[dreg:$0x1] =	wrdreg $0xFFFFFFFF  }
0xae: {  	[dreg:$0x0] =	wrdreg $0x60  }
0xaf: {  	[dreg:$0x2] =	wrdreg s24  }
0xb0: {  	[dreg:$0x3] =	wrdreg s2  }
0xb1: {  	[dreg:$0x4] =	wrdreg s18  }
0xb2: {  	[dreg:$0x5] =	wrdreg $0x107000  }
0xb3: {  	[dreg:$0x6] =	wrdreg $0x9  }
0xb4: {  	_ =	task.clear_ibuf [dreg:s8], $0x7FFFF;
	_ =	strace $0x90000046  }
0xb5: {  	s29 =	simm.s32 $0x9;
	_ =	strace $0x80000048  }
0xb6: {  	_ =	swait.ge [sflag:s29], $0x1  }
0xb7: {  	[sflag:s29] =	ssyncadd.s32 $0xFFFFFFFF  }
0xb8: {  	_ =	strace $0x90000048  }
0xb9: {  	_ =	sfence  }
0xba: {  	s30 =	sld [smem:$0x0];
	_ =	sdelay $0x2  }
0xbb: {  	s31 =	sshll.u32 s1, $0xD;
	s1 =	sshrl.u32 s1, $0x2  }
0xbc: {  	s3 =	sand.u32 $0x4000, s31;
	s1 =	sadd.s32 s1, s30  }
0xbd: {  	s0 =	sor.u32 s3, s0;
	s1 =	sshll.u32 s1, $0x11  }
0xbe: {  	s0 =	sor.u32 s1, s0  }
0xbf: {  	s0 =	sadd.s32 $0x8F2B, s0  }
0xc0: {  	[sflag:s0] =	ssyncadd.remote.s32 $0x1  }
0xc1: {  	_ =	sfence.sel $0xFFFF  }
0xc2: {  	[dreg:$0x0] =	wrdreg $0xFFFFFFFF;
	(pc) =	sbr.abs _section_cstart, $3  }
0xc3: {  	[dreg:$0x1] =	wrdreg $0xFFFFFFFF  }
0xc4: {  	_ =	task.clear_ibuf [dreg:s8], $0x2FFFF;
	_ =	strace $0x9FFFFFFF  }
0xc5: {  	(tm) =	ssettm $0x7FFFFFFF  }
tec
execute0_lowered:
.L_overlay_start_1:
0x0: {  	(tag) =	ssettag $0x1  }
0x1: {  	s0 =	rddreg [dreg:$0x0]  }
0x2: {  	s1 =	rddreg [dreg:$0x1]  }
0x3: {  	s2 =	rddreg [dreg:$0x2]  }
0x4: {  	s3 =	rddreg [dreg:$0x3]  }
0x5: {  	s4 =	simm.s32 $0x0;
	s5 =	srdreg.scid;
	s6 =	stileid.u32  }
0x6: {  	s16 =	simm.s32 $0x300;
	s17 =	simm.s32 $0x80;
	s18 =	simm.s32 $0x600  }
0x7: {  	v0 =	vimm.s32 $0xEFCDAB89;
	s28 =	simm.s32 $0x8600;
	s29 =	simm.s32 $0x380;
	s30 =	simm.s32 $0xC600  }
0x8: {  	v1 =	vimm.s32 $0x67452301;
	v2 =	vimm.s32 $0xDCFE98BA;
	s31 =	simm.s32 $0x4;
	s14 =	simm.s32 $0x500;
	s21 =	simm.s32 $0x480  }
0x9: {  	v3 =	vimm.s32 $0x54761032;
	v4 =	vimm.s32 $0xBA98FEDC;
	s22 =	simm.s32 $0x580;
	s23 =	simm.s32 $0x6;
	[smem:$0x7FF] =	sst s4  }
0xa: {  	v5 =	vimm.s32 $0x32107654;
	v6 =	vimm.s32 $0xFEDCBA98;
	s7 =	sand.u32 $0x1, s5;
	s24 =	sshll.u32 s6, $0x1;
	s5 =	sadd.s32 $0x4600, s0  }
0xb: {  	v7 =	vimm.s32 $0x76543210;
	s8 =	sadd.s32 $0x1600, s0;
	s0 =	sadd.s32 $0x1400, s0;
	v0 =	vunpack.c.l.s4.s8 v0;
	v1 =	vunpack.c.l.s4.s8 v1;
	p0 =	sne.s32 s6, $0x0  }
0xc: {  	v2 =	vunpack.c.l.s4.s8 v2;
	v3 =	vunpack.c.l.s4.s8 v3;
	v4 =	vunpack.c.l.s4.s8 v4;
	s6 =	simm.s32 $0x8;
	_ =	strace $0x80000047;
	s9 =	sor.u32 s7, s24  }
0xd: {  	v5 =	vunpack.c.l.s4.s8 v5;
	v6 =	vunpack.c.l.s4.s8 v6;
	v7 =	vunpack.c.l.s4.s8 v7;
	s7 =	ssub.s32 $0x2, s7;
	[dreg:$0x5] =	wrdreg s8;
	s10 =	smul.u32 $0x2580, s9  }
0xe: {  	[dreg:$0x6] =	wrdreg s0;
	s24 =	simm.s32 $0x7;
	s25 =	sshrl.u32 s7, $0x1;
	v0 =	vunpack.c.0.s8.s32 v0;
	v1 =	vunpack.c.0.s8.s32 v1;
	v2 =	vunpack.c.0.s8.s32 v2  }
0xf: {  	s8 =	smul.u32 $0x64, s9;
	v3 =	vunpack.c.0.s8.s32 v3;
	v4 =	vunpack.c.0.s8.s32 v4;
	v5 =	vunpack.c.0.s8.s32 v5;
	s0 =	ssub.s32 s7, s25;
	s26 =	sadd.s32 s5, s10  }
0x10: {  	s11 =	smul.u32 $0x320000, s9;
	s0 =	smax.u32 s0, $0x1;
	v0 =	vcombine.low v1, v0;
	v1 =	vunpack.c.0.s8.s32 v6;
	[dreg:$0x7] =	wrdreg s26  }
0x11: {  	s25 =	simm.s32 $0x5;
	v2 =	vcombine.low v3, v2;
	v3 =	vcombine.low v5, v4;
	v4 =	vunpack.c.0.s8.s32 v7;
	s7 =	sadd.s32 $0x60, s26;
	[dreg:$0x9] =	wrdreg s0  }
0x12: {  	s0 =	sshrl.u32 @!p0 s3, $0x3;
	s26 =	simm.s32 $0x2;
	[dreg:$0x8] =	wrdreg s7;
	v0 =	vand.u32 $0xF, v0;
	v5 =	vand.u32 $0xF, v1  }
0x13: {  	[dreg:$0xa] =	wrdreg s0;
	s0 =	simm.s32 $0x400;
	v1 =	vand.u32 $0xF, v2;
	v2 =	vand.u32 $0xF, v3;
	s7 =	simm.s32 $0x0;
	v3 =	vcombine.low v5, v4  }
.LBB2_1:
0x14: {  	s10 =	rddreg [dreg:$0x5]  }
0x15: {  	s9 =	simm.s32 @!p0 $0x1C09;
	s12 =	rddreg [dreg:$0xa]  }
0x16: {  	[spmem:s12], [sflag:s9] =	dma.local @!p0 [hbm:s10], $0x2F00  }
0x17: {  	s9 =	simm.s32 @!p0 $0x9  }
0x18: {  	_ =	swait.ge @!p0 [sflag:s9], $0x2F00  }
0x19: {  	s15 =	simm.s32 $0x10600;
	[sflag:s9] =	ssyncset.done @!p0 $0x0  }
0x1a: {  	s19 =	simm.s32 $0x9;
	s13 =	rddreg [dreg:$0x6];
	[sflag:s9] =	ssyncadd.s32 @!p0 $0xFFFFD100  }
0x1b: {  	[tilespmem:s15], [sflag:$0x9] =	stream.linear.gather [hbm4b:s13+s4], $0x100, $0x38;
	[tilespmem:$0x11E80] =	vst v63  }
0x1c: {  	_ =	swait.ge [sflag:s19], $0x100  }
0x1d: {  	[sflag:s19] =	ssyncset.done $0x0  }
0x1e: {  	[sflag:s19] =	ssyncadd.s32 $0xFFFFFF00  }
0x1f: {  	[bflag:$0x0] =	sbarrier.arrive $0xFFFF  }
0x20: {  	v4 =	vld [tilespmem:$0x10600]  }
0x21: {  	v5 =	vld [tilespmem:$0x10610]  }
0x22: {  	v6 =	vld [tilespmem:$0x10620]  }
0x23: {  	v7 =	vld [tilespmem:$0x10630]  }
0x24: {  	v8 =	vld [tilespmem:$0x10640]  }
0x25: {  	v9 =	vld [tilespmem:$0x10650]  }
0x26: {  	v10 =	vld [tilespmem:$0x10660]  }
0x27: {  	v11 =	vld [tilespmem:$0x10670]  }
0x28: {  	v12 =	vld [tilespmem:$0x10680]  }
0x29: {  	v13 =	vld [tilespmem:$0x10690]  }
0x2a: {  	v14 =	vld [tilespmem:$0x106A0]  }
0x2b: {  	v15 =	vld [tilespmem:$0x106B0]  }
0x2c: {  	v16 =	vld [tilespmem:$0x106C0]  }
0x2d: {  	v17 =	vld [tilespmem:$0x106D0]  }
0x2e: {  	v18 =	vld [tilespmem:$0x106E0];
	s20 =	rddreg [dreg:$0x7]  }
0x2f: {  	v19 =	vld [tilespmem:$0x106F0];
	[tilespmem:s4], [sflag:$0x9] =	stream.linear.gather [hbm4b:s20+s4], $0x300, $0x38  }
0x30: {  	_ =	swait.ge [sflag:s19], $0x300  }
0x31: {  	[sflag:s19] =	ssyncset.done $0x0  }
0x32: {  	s10 =	rddreg [dreg:$0x8];
	[sflag:s19] =	ssyncadd.s32 $0xFFFFFD00  }
0x33: {  	[tilespmem:s16], [sflag:$0x2] =	stream.linear.gather [hbm4b:s10+s4], $0x300, $0x38;
	[tilespmem:$0x11E80] =	vst v63  }
0x34: {  	_ = 	snop  }
0x35: {  	[tilespmem:s18], [sflag:$0x3] =	stream.indirect.gather [hbm4b:s1+s17], $0x80, s4, s17, $0xb8;
	[tilespmem:$0x11E80] =	vst v63  }
0x36: {  	s12 =	simm.s32 $0x3;
	s9 =	simm.s32 $0x4600  }
0x37: {  	[tilespmem:s9], [sflag:$0x3] =	stream.indirect.gather [hbm4b:s1+s17], $0x80, s17, s17, $0xb8;
	[tilespmem:$0x11E80] =	vst v63  }
0x38: {  	_ =	swait.ge [sflag:s12], $0x4000  }
0x39: {  	[sflag:s12] =	ssyncset.done $0x0  }
0x3a: {  	[sflag:s12] =	ssyncadd.s32 $0xFFFFC000  }
0x3b: {  	_ =	swait.ge [sflag:s12], $0x4000  }
0x3c: {  	[sflag:s12] =	ssyncset.done $0x0  }
0x3d: {  	s13 =	simm.s32 $0x100;
	[sflag:s12] =	ssyncadd.s32 $0xFFFFC000  }
0x3e: {  	[tilespmem:s18], [sflag:$0x5] =	stream.indirect.gather.add.f32 [spmem:s3], $0x80, s13, s17, $0xb8;
	[tilespmem:$0x11E80] =	vst v63  }
0x3f: {  	s15 =	simm.s32 $0x200  }
0x40: {  	[tilespmem:s18], [sflag:$0x5] =	stream.indirect.gather.add.f32 [spmem:s3], $0x80, s15, s17, $0xb8;
	[tilespmem:$0x11E80] =	vst v63  }
0x41: {  	s19 =	simm.s32 $0x180  }
0x42: {  	[tilespmem:s9], [sflag:$0x5] =	stream.indirect.gather.add.f32 [spmem:s3], $0x80, s19, s17, $0xb8;
	[tilespmem:$0x11E80] =	vst v63  }
0x43: {  	s20 =	simm.s32 $0x280;
	s10 =	simm.s32 $0x0  }
0x44: {  	[tilespmem:s9], [sflag:$0x5] =	stream.indirect.gather.add.f32 [spmem:s3], $0x80, s20, s17, $0xb8;
	[tilespmem:$0x11E80] =	vst v63  }
.LBB2_2:
0x45: {  	_ =	swait.ge [sflag:s25], $0x4000  }
0x46: {  	[sflag:s25] =	ssyncset.done $0x0  }
0x47: {  	[sflag:s25] =	ssyncadd.s32 $0xFFFFC000  }
0x48: {  	_ =	swait.ge [sflag:s25], $0x4000  }
0x49: {  	[sflag:s25] =	ssyncset.done $0x0  }
0x4a: {  	s12 =	sshll.u32 s10, $0x1;
	p1 =	seq.s32 s10, $0x31;
	[sflag:s25] =	ssyncadd.s32 $0xFFFFC000  }
0x4b: {  	s9 =	sadd.s32 @!p1 s8, s12;
	_ =	swait.ge [sflag:s25], $0x4000  }
0x4c: {  	s9 =	smul.u32 @!p1 $0x300, s9;
	[sflag:s25] =	ssyncset.done $0x0  }
0x4d: {  	[sflag:s25] =	ssyncadd.s32 $0xFFFFC000  }
0x4e: {  	s13 =	simm.s32 @!p1 $0x0;
	s9 =	sshrl.u32 @!p1 s9, $0x3;
	_ =	swait.ge [sflag:s25], $0x4000  }
0x4f: {  	p2 =	seq.s32 @!p1 s10, $0x0;
	s9 =	sadd.s32 @!p1 s5, s9;
	[sflag:s25] =	ssyncset.done $0x0  }
0x50: {  	p2 =	por p1, !p2;
	s9 =	sadd.s32 @!p1 $0xC0, s9;
	[sflag:s25] =	ssyncadd.s32 $0xFFFFC000  }
0x51: {  	[tilespmem:s13], [sflag:$0x1] =	stream.linear.gather @!p1 [hbm4b:s9+s13], $0x300, $0x38;
	[tilespmem:$0x11E80] =	vst v63  }
0x52: {  	_ =	swait.ge @p2 [sflag:s6], $0x8000  }
0x53: {  	[sflag:s6] =	ssyncset.done @p2 $0x0  }
0x54: {  	[sflag:s6] =	ssyncadd.s32 @p2 $0xFFFF8000  }
0x55: {  	_ =	swait.ge [sflag:s26], $0x300  }
0x56: {  	[sflag:s26] =	ssyncset.done $0x0  }
0x57: {  	[sflag:s26] =	ssyncadd.s32 $0xFFFFFD00  }
0x58: {  	[tilespmem:s28], [sflag:$0x4] =	stream.indirect.gather [hbm4b:s1+s17], $0x80, s16, s17, $0xb8;
	[tilespmem:$0x11E80] =	vst v63  }
0x59: {  	s13 =	simm.s32 $0x0  }
0x5a: {  	[tilespmem:s30], [sflag:$0x4] =	stream.indirect.gather [hbm4b:s1+s17], $0x80, s29, s17, $0xb8;
	[tilespmem:$0x11E80] =	vst v63  }
0x5b: {  	v28 =	vld [tilespmem:s13+$0x600]  }
0x5c: {  	v29 =	vld [tilespmem:s13+$0x610]  }
0x5d: {  	v30 =	vld [tilespmem:s13+$0x620]  }
0x5e: {  	v31 =	vld [tilespmem:s13+$0x630]  }
0x5f: {  	v32 =	vld [tilespmem:s13+$0x640]  }
0x60: {  	v33 =	vld [tilespmem:s13+$0x650]  }
0x61: {  	v35 =	vld [tilespmem:s13+$0x660]  }
0x62: {  	v34 =	vld [tilespmem:s13+$0x670];
	_ =	sdelay $0x2  }
0x63: {  	v20 =	vadd.f32 v29, v28;
	v21 =	vadd.f32 v31, v30  }
0x64: {  	v22 =	vadd.f32 v33, v32;
	v23 =	vmul.f32 v28, v28;
	v24 =	vmul.f32 v29, v29  }
0x65: {  	v25 =	vmul.f32 v30, v30;
	v26 =	vmul.f32 v31, v31;
	v27 =	vadd.f32 v34, v35  }
0x66: {  	v36 =	vmul.f32 v32, v32;
	v37 =	vmul.f32 v33, v33;
	v20 =	vadd.f32 v21, v20  }
0x67: {  	v21 =	vmul.f32 v35, v35;
	v22 =	vadd.f32 v27, v22;
	v27 =	vmul.f32 v34, v34  }
0x68: {  	v23 =	vadd.f32 v24, v23;
	v24 =	vadd.f32 v26, v25  }
0x69: {  	v25 =	vadd.f32 v37, v36;
	v21 =	vadd.f32 v27, v21  }
0x6a: {  	v20 =	vadd.f32 v22, v20  }
0x6b: {  	v22 =	vadd.f32 v24, v23;
	v21 =	vadd.f32 v21, v25;
	_ =	sdelay $0x1  }
0x6c: {  	v21 =	vadd.f32 v21, v22;
	v22 =	vperm.xlane v20, v0;
	_ =	sdelay $0x1  }
0x6d: {  	v20 =	vadd.f32 v20, v22;
	v22 =	vperm.xlane v21, v0;
	_ =	sdelay $0x1  }
0x6e: {  	v21 =	vadd.f32 v21, v22;
	v22 =	vperm.xlane v20, v1;
	_ =	sdelay $0x1  }
0x6f: {  	v20 =	vadd.f32 v20, v22;
	v22 =	vperm.xlane v21, v1;
	_ =	sdelay $0x1  }
0x70: {  	s9 =	simm.s32 $0x80;
	v23 =	vadd.f32 v21, v22;
	v24 =	vperm.xlane v20, v2  }
0x71: {  	v26 =	vld [tilespmem:s9+$0x620]  }
0x72: {  	v25 =	vld [tilespmem:s9+$0x630];
	v27 =	vadd.f32 v24, v20;
	v20 =	vperm.xlane v23, v2  }
0x73: {  	v21 =	vld [tilespmem:s9+$0x600]  }
0x74: {  	v22 =	vld [tilespmem:s9+$0x610];
	v56 =	vadd.f32 v20, v23;
	v23 =	vperm.xlane v27, v3  }
0x75: {  	v24 =	vld [tilespmem:s9+$0x640]  }
0x76: {  	v20 =	vld [tilespmem:s9+$0x650];
	v57 =	vadd.f32 v23, v27;
	v38 =	vperm.xlane v56, v3  }
0x77: {  	v23 =	vld [tilespmem:s9+$0x660]  }
0x78: {  	v27 =	vld [tilespmem:s9+$0x670];
	v36 =	vadd.f32 v38, v56;
	v38 =	vmul.f32 $7.812500000e-03, v57  }
0x79: {  	v44 =	vmul.f32 v26, v26;
	v39 =	vadd.f32 v25, v26;
	v45 =	vmul.f32 v25, v25  }
0x7a: {  	v58 =	vadd.f32 v22, v21;
	v36 =	vmul.f32 $7.812500000e-03, v36;
	v40 =	vmul.f32 v38, v38  }
0x7b: {  	v62 =	vadd.f32 v45, v44;
	v42 =	vmul.f32 v21, v21  }
0x7c: {  	v43 =	vmul.f32 v22, v22;
	v37 =	vadd.f32 v39, v58;
	v36 =	vsub.f32 v36, v40  }
0x7d: {  	v46 =	vmul.f32 v24, v24;
	v41 =	vadd.f32 v20, v24;
	v59 =	vadd.f32 v27, v23  }
0x7e: {  	v42 =	vadd.f32 v43, v42;
	v47 =	vmul.f32 v20, v20;
	v36 =	vadd.f32 $9.999999740e-06, v36  }
0x7f: {  	v60 =	vmul.f32 v23, v23;
	v61 =	vmul.f32 v27, v27;
	v40 =	vadd.f32 v59, v41  }
0x80: {  	v48 =	vadd.f32 v47, v46;
	v63 =	vshra.s32 v36, $0x1;
	v36 =	vmul.f32 $5.000000000e-01, v36  }
0x81: {  	v39 =	vadd.f32 v61, v60;
	v37 =	vadd.f32 v40, v37;
	v49 =	vsub.s32 $0x5F3759DF, v63  }
0x82: {  	v50 =	vmul.f32 v49, v36  }
0x83: {  	v42 =	vadd.f32 v62, v42;
	v39 =	vadd.f32 v39, v48;
	v51 =	vperm.xlane v37, v0  }
0x84: {  	v40 =	vmul.f32 v49, v50  }
0x85: {  	v39 =	vadd.f32 v39, v42;
	v37 =	vadd.f32 v37, v51  }
0x86: {  	v40 =	vsub.f32 $1.500000000e+00, v40  }
0x87: {  	v52 =	vperm.xlane v39, v0;
	v53 =	vperm.xlane v37, v1  }
0x88: {  	v40 =	vmul.f32 v49, v40  }
0x89: {  	v39 =	vadd.f32 v39, v52;
	v37 =	vadd.f32 v37, v53  }
0x8a: {  	v36 =	vmul.f32 v40, v36  }
0x8b: {  	v54 =	vperm.xlane v39, v1;
	v55 =	vperm.xlane v37, v2  }
0x8c: {  	s19 =	simm.s32 $0x100;
	v28 =	vsub.f32 v28, v38;
	v57 =	vsub.f32 v30, v38;
	v36 =	vmul.f32 v36, v40  }
0x8d: {  	v30 =	vld [tilespmem:s19+$0x600];
	v41 =	vadd.f32 v39, v54;
	v58 =	vadd.f32 v55, v37  }
0x8e: {  	v56 =	vsub.f32 v29, v38;
	v29 =	vld [tilespmem:s19+$0x610];
	v36 =	vsub.f32 $1.500000000e+00, v36  }
0x8f: {  	v34 =	vsub.f32 v34, v38;
	v59 =	vperm.xlane v41, v2;
	v62 =	vperm.xlane v58, v3  }
0x90: {  	v60 =	vsub.f32 v31, v38;
	v31 =	vld [tilespmem:s19+$0x620];
	v48 =	vsub.f32 v32, v38;
	v39 =	vmul.f32 v36, v40  }
0x91: {  	v32 =	vld [tilespmem:s19+$0x630];
	v61 =	vadd.f32 v59, v41;
	v44 =	vadd.f32 v62, v58  }
0x92: {  	v36 =	vsub.f32 v35, v38;
	v35 =	vld [tilespmem:s19+$0x650];
	v40 =	vmul.f32 v39, v28;
	v28 =	vmul.f32 v39, v34  }
0x93: {  	v47 =	vadd.f32 v29, v30;
	v63 =	vperm.xlane v61, v3;
	v34 =	vld [tilespmem:s19+$0x640]  }
0x94: {  	v37 =	vsub.f32 v33, v38;
	v33 =	vld [tilespmem:s19+$0x660];
	v38 =	vmul.f32 $7.812500000e-03, v44;
	v49 =	vmul.f32 v28, v11  }
0x95: {  	v46 =	vadd.f32 v63, v61;
	v41 =	vmul.f32 v39, v56;
	v42 =	vmul.f32 v39, v57;
	v28 =	vld [tilespmem:s19+$0x670]  }
0x96: {  	s15 =	simm.s32 $0x600;
	v43 =	vmul.f32 v39, v60;
	v44 =	vmul.f32 v39, v48;
	v45 =	vadd.f32 v49, v19  }
.LBB2_3:
0x97: {  	p2 =	sne.s32 s15, $0xFE00;
	v48 =	vadd.f32 v32, v31;
	v46 =	vmul.f32 $7.812500000e-03, v46;
	v49 =	vmul.f32 v38, v38  }
0x98: {  	v51 =	vmul.f32 v30, v30;
	v52 =	vmul.f32 v29, v29;
	v50 =	vadd.f32 v35, v34;
	[tilespmem:s13+$0x670] =	vst v45  }
0x99: {  	v53 =	vmul.f32 v32, v32;
	v45 =	vmul.f32 v31, v31;
	v46 =	vsub.f32 v46, v49  }
0x9a: {  	v54 =	vmul.f32 v34, v34;
	v55 =	vmul.f32 v35, v35;
	v49 =	vadd.f32 v28, v33  }
0x9b: {  	v47 =	vadd.f32 v48, v47;
	v48 =	vmul.f32 v33, v33;
	v46 =	vadd.f32 $9.999999740e-06, v46  }
0x9c: {  	v51 =	vadd.f32 v52, v51;
	v49 =	vadd.f32 v49, v50;
	v50 =	vmul.f32 v28, v28  }
0x9d: {  	v45 =	vadd.f32 v53, v45;
	v52 =	vshra.s32 v46, $0x1;
	v46 =	vmul.f32 $5.000000000e-01, v46  }
0x9e: {  	v53 =	vadd.f32 v55, v54;
	v48 =	vadd.f32 v50, v48;
	v50 =	vsub.s32 $0x5F3759DF, v52  }
0x9f: {  	v47 =	vadd.f32 v49, v47;
	v52 =	vsub.f32 v21, v38;
	v21 =	vmovc v30;
	v49 =	vmul.f32 v50, v46  }
0xa0: {  	v30 =	vadd.f32 v45, v51;
	v45 =	vadd.f32 v48, v53;
	v48 =	vmul.f32 v39, v37  }
0xa1: {  	v51 =	vsub.f32 v26, v38;
	v37 =	vmul.f32 v50, v49;
	v49 =	vsub.f32 v22, v38;
	v22 =	vmovc v29  }
0xa2: {  	v26 =	vmovc v31;
	v29 =	vadd.f32 v45, v30;
	v30 =	vperm.xlane v47, v0;
	v45 =	vsub.f32 v25, v38  }
0xa3: {  	v53 =	vsub.f32 v24, v38;
	v39 =	vmul.f32 v39, v36;
	v24 =	vmovc v34;
	v25 =	vmovc v32;
	v31 =	vsub.f32 $1.500000000e+00, v37  }
0xa4: {  	v37 =	vsub.f32 v20, v38;
	v20 =	vmovc v35;
	v30 =	vadd.f32 v47, v30;
	v32 =	vperm.xlane v29, v0  }
0xa5: {  	v36 =	vsub.f32 v23, v38;
	v23 =	vmovc v33;
	v34 =	vmul.f32 v50, v31;
	v31 =	vmul.f32 v40, v4  }
0xa6: {  	v33 =	vmul.f32 v41, v5;
	v29 =	vadd.f32 v29, v32;
	v32 =	vperm.xlane v30, v1  }
0xa7: {  	v40 =	vmul.f32 v42, v6;
	v35 =	vmul.f32 v34, v46;
	v31 =	vadd.f32 v31, v12  }
0xa8: {  	v41 =	vmul.f32 v43, v7;
	v32 =	vadd.f32 v30, v32;
	v30 =	vperm.xlane v29, v1  }
0xa9: {  	v35 =	vmul.f32 v35, v34;
	[tilespmem:s13+$0x600] =	vst v31;
	v31 =	vadd.f32 v33, v13;
	v33 =	vmul.f32 v44, v8  }
0xaa: {  	s20 =	sshra.s32 s15, $0x2;
	v44 =	vmul.f32 v48, v9;
	v42 =	vadd.f32 v29, v30;
	v43 =	vperm.xlane v32, v2  }
0xab: {  	v40 =	vadd.f32 v40, v14;
	v46 =	vmul.f32 v39, v10;
	v30 =	vld [tilespmem:s20+$0x600];
	v35 =	vsub.f32 $1.500000000e+00, v35;
	[tilespmem:s13+$0x610] =	vst v31  }
0xac: {  	v41 =	vadd.f32 v41, v15;
	v29 =	vld [tilespmem:s20+$0x610];
	v43 =	vadd.f32 v43, v32;
	v47 =	vperm.xlane v42, v2  }
0xad: {  	v27 =	vsub.f32 v27, v38;
	v33 =	vadd.f32 v33, v16;
	v31 =	vld [tilespmem:s20+$0x620];
	v39 =	vmul.f32 v35, v34;
	[tilespmem:s13+$0x620] =	vst v40  }
0xae: {  	v44 =	vadd.f32 v44, v17;
	v32 =	vld [tilespmem:s20+$0x630];
	v38 =	vadd.f32 v47, v42;
	v42 =	vperm.xlane v43, v3;
	[tilespmem:s13+$0x630] =	vst v41  }
.Ltmp0:
0xaf: {  	v46 =	vadd.f32 v46, v18;
	v34 =	vld [tilespmem:s20+$0x640];
	v40 =	vmul.f32 v39, v52;
	v50 =	vmul.f32 v39, v27;
	[tilespmem:s13+$0x640] =	vst v33;
	(pc) =	sbr.rel @p2 .LBB2_3-.Ltmp0, $4  }
0xb0: {  	v41 =	vmul.f32 v39, v49;
	v35 =	vld [tilespmem:s20+$0x650];
	v43 =	vadd.f32 v42, v43;
	v47 =	vperm.xlane v38, v3;
	[tilespmem:s13+$0x650] =	vst v44  }
0xb1: {  	v27 =	vmov v28;
	v42 =	vmul.f32 v39, v51;
	v33 =	vld [tilespmem:s20+$0x660];
	v48 =	vmul.f32 v50, v11;
	[tilespmem:s13+$0x660] =	vst v46;
	s13 =	smov.u32 s9;
	s9 =	smov.u32 s19;
	s19 =	smov.u32 s20  }
0xb2: {  	v28 =	vld [tilespmem:s19+$0x670];
	v46 =	vadd.f32 v47, v38;
	v38 =	vmul.f32 $7.812500000e-03, v43;
	v43 =	vmul.f32 v39, v45  }
0xb3: {  	s15 =	sadd.s32 $0x200, s15;
	v44 =	vmul.f32 v39, v53;
	v47 =	vadd.f32 v29, v30;
	v45 =	vadd.f32 v48, v19  }
0xb4: {  	v50 =	vmul.f32 v30, v30  }
0xb5: {  	v48 =	vadd.f32 v32, v31;
	v51 =	vmul.f32 v29, v29;
	v52 =	vmul.f32 v31, v31  }
0xb6: {  	v53 =	vmul.f32 v32, v32;
	v55 =	vmul.f32 v34, v34;
	v49 =	vadd.f32 v35, v34  }
0xb7: {  	v56 =	vmul.f32 v35, v35;
	v47 =	vadd.f32 v48, v47;
	v59 =	vmul.f32 v33, v33  }
0xb8: {  	v50 =	vadd.f32 v51, v50;
	v54 =	vadd.f32 v28, v33;
	v60 =	vmul.f32 v28, v28  }
0xb9: {  	v61 =	vadd.f32 v53, v52;
	v62 =	vadd.f32 v56, v55  }
0xba: {  	v49 =	vadd.f32 v54, v49;
	v48 =	vadd.f32 v60, v59  }
0xbb: {  	v63 =	vadd.f32 v61, v50  }
0xbc: {  	v47 =	vadd.f32 v49, v47;
	v48 =	vadd.f32 v48, v62;
	_ =	sdelay $0x1  }
0xbd: {  	v48 =	vadd.f32 v48, v63;
	v53 =	vperm.xlane v47, v0;
	_ =	sdelay $0x1  }
0xbe: {  	v47 =	vadd.f32 v47, v53;
	v54 =	vperm.xlane v48, v0;
	_ =	sdelay $0x1  }
0xbf: {  	v48 =	vadd.f32 v48, v54;
	v55 =	vperm.xlane v47, v1  }
0xc0: {  	v46 =	vmul.f32 $7.812500000e-03, v46;
	v56 =	vmul.f32 v38, v38  }
0xc1: {  	v47 =	vadd.f32 v47, v55;
	v57 =	vperm.xlane v48, v1  }
0xc2: {  	v46 =	vsub.f32 v46, v56  }
0xc3: {  	v48 =	vadd.f32 v48, v57;
	v58 =	vperm.xlane v47, v2  }
0xc4: {  	v46 =	vadd.f32 $9.999999740e-06, v46  }
0xc5: {  	v47 =	vadd.f32 v58, v47;
	v59 =	vperm.xlane v48, v2  }
0xc6: {  	v60 =	vshra.s32 v46, $0x1  }
0xc7: {  	v46 =	vmul.f32 $5.000000000e-01, v46;
	v48 =	vadd.f32 v59, v48;
	v61 =	vperm.xlane v47, v3  }
0xc8: {  	v50 =	vsub.s32 $0x5F3759DF, v60  }
0xc9: {  	v62 =	vmul.f32 v50, v46;
	v47 =	vadd.f32 v61, v47;
	v63 =	vperm.xlane v48, v3;
	_ =	sdelay $0x1  }
0xca: {  	v51 =	vmul.f32 v50, v62;
	v48 =	vadd.f32 v63, v48;
	v47 =	vmul.f32 $7.812500000e-03, v47;
	_ =	sdelay $0x1  }
0xcb: {  	v54 =	vsub.f32 $1.500000000e+00, v51;
	v48 =	vmul.f32 $7.812500000e-03, v48;
	v55 =	vmul.f32 v47, v47  }
0xcc: {  	v21 =	vsub.f32 v21, v38;
	v22 =	vsub.f32 v22, v38  }
0xcd: {  	v26 =	vsub.f32 v26, v38;
	v49 =	vmul.f32 v50, v54;
	v48 =	vsub.f32 v48, v55  }
0xce: {  	v37 =	vmul.f32 v39, v37;
	v25 =	vsub.f32 v25, v38;
	v24 =	vsub.f32 v24, v38  }
0xcf: {  	v36 =	vmul.f32 v39, v36;
	v56 =	vmul.f32 v49, v46;
	v57 =	vadd.f32 $9.999999740e-06, v48  }
0xd0: {  	v20 =	vsub.f32 v20, v38;
	v23 =	vsub.f32 v23, v38;
	v40 =	vmul.f32 v40, v4  }
0xd1: {  	v39 =	vmul.f32 v56, v49;
	v48 =	vshra.s32 v57, $0x1;
	v46 =	vmul.f32 $5.000000000e-01, v57  }
0xd2: {  	v41 =	vmul.f32 v41, v5;
	v42 =	vmul.f32 v42, v6;
	v48 =	vsub.s32 $0x5F3759DF, v48  }
0xd3: {  	v43 =	vmul.f32 v43, v7;
	v39 =	vsub.f32 $1.500000000e+00, v39;
	v58 =	vmul.f32 v48, v46  }
0xd4: {  	v27 =	vsub.f32 v27, v38;
	v44 =	vmul.f32 v44, v8;
	v40 =	vadd.f32 v40, v12  }
0xd5: {  	v41 =	vadd.f32 v41, v13;
	v39 =	vmul.f32 v39, v49;
	v59 =	vmul.f32 v48, v58  }
0xd6: {  	v37 =	vmul.f32 v37, v9;
	v42 =	vadd.f32 v42, v14;
	v36 =	vmul.f32 v36, v10  }
0xd7: {  	v43 =	vadd.f32 v43, v15;
	v27 =	vmul.f32 v39, v27;
	v38 =	vsub.f32 $1.500000000e+00, v59  }
0xd8: {  	v44 =	vadd.f32 v44, v16;
	v21 =	vmul.f32 v39, v21;
	v22 =	vmul.f32 v39, v22  }
0xd9: {  	[tilespmem:s13+$0x670] =	vst v45;
	v37 =	vadd.f32 v37, v17;
	v26 =	vmul.f32 v39, v26;
	v38 =	vmul.f32 v48, v38  }
0xda: {  	[tilespmem:s13+$0x600] =	vst v40;
	v36 =	vadd.f32 v36, v18;
	v25 =	vmul.f32 v39, v25;
	v24 =	vmul.f32 v39, v24  }
0xdb: {  	[tilespmem:s13+$0x610] =	vst v41;
	v30 =	vsub.f32 v30, v47;
	v29 =	vsub.f32 v29, v47;
	v60 =	vmul.f32 v38, v46  }
0xdc: {  	[tilespmem:s13+$0x620] =	vst v42;
	v31 =	vsub.f32 v31, v47;
	v61 =	vsub.f32 v32, v47;
	v27 =	vmul.f32 v27, v11  }
0xdd: {  	[tilespmem:s13+$0x630] =	vst v43;
	v62 =	vsub.f32 v34, v47;
	v21 =	vmul.f32 v21, v4;
	v40 =	vmul.f32 v60, v38  }
0xde: {  	[tilespmem:s13+$0x640] =	vst v44;
	v23 =	vmul.f32 v39, v23;
	v22 =	vmul.f32 v22, v5;
	v27 =	vadd.f32 v27, v19  }
0xdf: {  	[tilespmem:s13+$0x650] =	vst v37;
	v26 =	vmul.f32 v26, v6;
	v21 =	vadd.f32 v21, v12;
	v41 =	vsub.f32 $1.500000000e+00, v40  }
0xe0: {  	v28 =	vsub.f32 v28, v47;
	v25 =	vmul.f32 v25, v7;
	v22 =	vadd.f32 v22, v13;
	[tilespmem:s9+$0x670] =	vst v27  }
0xe1: {  	[tilespmem:s9+$0x600] =	vst v21;
	v21 =	vmul.f32 v24, v8;
	v24 =	vadd.f32 v26, v14;
	v27 =	vmul.f32 v41, v38  }
0xe2: {  	v20 =	vmul.f32 v39, v20;
	v63 =	vsub.f32 v35, v47;
	[tilespmem:s9+$0x610] =	vst v22;
	v22 =	vadd.f32 v25, v15  }
0xe3: {  	v23 =	vmul.f32 v23, v10;
	[tilespmem:s9+$0x620] =	vst v24;
	v21 =	vadd.f32 v21, v16;
	v25 =	vmul.f32 v27, v28  }
0xe4: {  	v42 =	vsub.f32 v33, v47;
	v20 =	vmul.f32 v20, v9;
	[tilespmem:s9+$0x630] =	vst v22;
	v24 =	vmul.f32 v27, v30  }
0xe5: {  	[tilespmem:s9+$0x640] =	vst v21;
	v21 =	vadd.f32 v23, v18;
	v22 =	vmul.f32 v27, v29;
	v25 =	vmul.f32 v25, v11  }
0xe6: {  	[tilespmem:s13+$0x660] =	vst v36;
	v20 =	vadd.f32 v20, v17;
	v23 =	vmul.f32 v27, v31;
	v24 =	vmul.f32 v24, v4  }
0xe7: {  	[tilespmem:s9+$0x660] =	vst v21;
	v21 =	vmul.f32 v27, v62;
	v22 =	vmul.f32 v22, v5;
	v25 =	vadd.f32 v25, v19  }
0xe8: {  	[tilespmem:s9+$0x650] =	vst v20;
	v20 =	vmul.f32 v27, v61;
	v23 =	vmul.f32 v23, v6;
	v24 =	vadd.f32 v24, v12  }
0xe9: {  	v26 =	vmul.f32 v27, v42;
	v21 =	vmul.f32 v21, v8;
	v22 =	vadd.f32 v22, v13;
	[tilespmem:s19+$0x670] =	vst v25  }
0xea: {  	v20 =	vmul.f32 v20, v7;
	v23 =	vadd.f32 v23, v14;
	v25 =	vmul.f32 v27, v63;
	[tilespmem:s19+$0x600] =	vst v24  }
0xeb: {  	v21 =	vadd.f32 v21, v16;
	[tilespmem:s19+$0x610] =	vst v22;
	v22 =	vmul.f32 v26, v10  }
0xec: {  	v20 =	vadd.f32 v20, v15;
	[tilespmem:s19+$0x620] =	vst v23;
	v24 =	vmul.f32 v25, v9  }
0xed: {  	[tilespmem:s19+$0x640] =	vst v21;
	v21 =	vadd.f32 v22, v18  }
0xee: {  	[tilespmem:s19+$0x630] =	vst v20;
	v20 =	vadd.f32 v24, v17  }
0xef: {  	[tilespmem:s19+$0x660] =	vst v21  }
0xf0: {  	[tilespmem:s19+$0x650] =	vst v20  }
0xf1: {  	_ =	swait.ge [sflag:s31], $0x4000  }
0xf2: {  	[sflag:s31] =	ssyncset.done $0x0  }
0xf3: {  	[sflag:s31] =	ssyncadd.s32 $0xFFFFC000  }
0xf4: {  	_ =	swait.ge [sflag:s31], $0x4000  }
0xf5: {  	[sflag:s31] =	ssyncset.done $0x0  }
0xf6: {  	[sflag:s31] =	ssyncadd.s32 $0xFFFFC000  }
0xf7: {  	[tilespmem:s28], [sflag:$0x6] =	stream.indirect.gather.add.f32 [spmem:s3], $0x80, s0, s17, $0xb8;
	[tilespmem:$0x11E80] =	vst v63  }
0xf8: {  	_ = 	snop  }
0xf9: {  	[tilespmem:s28], [sflag:$0x6] =	stream.indirect.gather.add.f32 [spmem:s3], $0x80, s14, s17, $0xb8;
	[tilespmem:$0x11E80] =	vst v63  }
0xfa: {  	_ = 	snop  }
0xfb: {  	[tilespmem:s30], [sflag:$0x6] =	stream.indirect.gather.add.f32 [spmem:s3], $0x80, s21, s17, $0xb8;
	[tilespmem:$0x11E80] =	vst v63  }
0xfc: {  	s13 =	simm.s32 $0x0  }
0xfd: {  	[tilespmem:s30], [sflag:$0x6] =	stream.indirect.gather.add.f32 [spmem:s3], $0x80, s22, s17, $0xb8;
	[tilespmem:$0x11E80] =	vst v63  }
0xfe: {  	v28 =	vld [tilespmem:s13+$0x4600]  }
0xff: {  	v29 =	vld [tilespmem:s13+$0x4610]  }
0x100: {  	v30 =	vld [tilespmem:s13+$0x4620]  }
0x101: {  	v31 =	vld [tilespmem:s13+$0x4630]  }
0x102: {  	v32 =	vld [tilespmem:s13+$0x4640]  }
0x103: {  	v33 =	vld [tilespmem:s13+$0x4650]  }
0x104: {  	v35 =	vld [tilespmem:s13+$0x4660]  }
0x105: {  	v34 =	vld [tilespmem:s13+$0x4670];
	_ =	sdelay $0x2  }
0x106: {  	v20 =	vadd.f32 v29, v28;
	v21 =	vadd.f32 v31, v30  }
0x107: {  	v22 =	vadd.f32 v33, v32;
	v23 =	vmul.f32 v28, v28;
	v24 =	vmul.f32 v29, v29  }
0x108: {  	v25 =	vmul.f32 v30, v30;
	v26 =	vmul.f32 v31, v31;
	v27 =	vadd.f32 v34, v35  }
0x109: {  	v43 =	vmul.f32 v32, v32;
	v44 =	vmul.f32 v33, v33;
	v20 =	vadd.f32 v21, v20  }
0x10a: {  	v21 =	vmul.f32 v35, v35;
	v22 =	vadd.f32 v27, v22;
	v27 =	vmul.f32 v34, v34  }
0x10b: {  	v23 =	vadd.f32 v24, v23;
	v24 =	vadd.f32 v26, v25  }
0x10c: {  	v25 =	vadd.f32 v44, v43;
	v21 =	vadd.f32 v27, v21  }
0x10d: {  	v20 =	vadd.f32 v22, v20  }
0x10e: {  	v22 =	vadd.f32 v24, v23;
	v21 =	vadd.f32 v21, v25;
	_ =	sdelay $0x1  }
0x10f: {  	v21 =	vadd.f32 v21, v22;
	v22 =	vperm.xlane v20, v0;
	_ =	sdelay $0x1  }
0x110: {  	v20 =	vadd.f32 v20, v22;
	v22 =	vperm.xlane v21, v0;
	_ =	sdelay $0x1  }
0x111: {  	v21 =	vadd.f32 v21, v22;
	v22 =	vperm.xlane v20, v1;
	_ =	sdelay $0x1  }
0x112: {  	v20 =	vadd.f32 v20, v22;
	v22 =	vperm.xlane v21, v1;
	_ =	sdelay $0x1  }
0x113: {  	s9 =	simm.s32 $0x80;
	v23 =	vadd.f32 v21, v22;
	v24 =	vperm.xlane v20, v2  }
0x114: {  	v26 =	vld [tilespmem:s9+$0x4620]  }
0x115: {  	v25 =	vld [tilespmem:s9+$0x4630];
	v27 =	vadd.f32 v24, v20;
	v20 =	vperm.xlane v23, v2  }
0x116: {  	v21 =	vld [tilespmem:s9+$0x4600]  }
0x117: {  	v22 =	vld [tilespmem:s9+$0x4610];
	v45 =	vadd.f32 v20, v23;
	v23 =	vperm.xlane v27, v3  }
0x118: {  	v24 =	vld [tilespmem:s9+$0x4640]  }
0x119: {  	v20 =	vld [tilespmem:s9+$0x4650];
	v46 =	vadd.f32 v23, v27;
	v47 =	vperm.xlane v45, v3  }
0x11a: {  	v23 =	vld [tilespmem:s9+$0x4660]  }
0x11b: {  	v27 =	vld [tilespmem:s9+$0x4670];
	v36 =	vadd.f32 v47, v45;
	v38 =	vmul.f32 $7.812500000e-03, v46  }
0x11c: {  	v54 =	vmul.f32 v26, v26;
	v49 =	vadd.f32 v25, v26;
	v55 =	vmul.f32 v25, v25  }
0x11d: {  	v48 =	vadd.f32 v22, v21;
	v36 =	vmul.f32 $7.812500000e-03, v36;
	v50 =	vmul.f32 v38, v38  }
0x11e: {  	v61 =	vadd.f32 v55, v54;
	v52 =	vmul.f32 v21, v21  }
0x11f: {  	v53 =	vmul.f32 v22, v22;
	v37 =	vadd.f32 v49, v48;
	v36 =	vsub.f32 v36, v50  }
0x120: {  	v57 =	vmul.f32 v24, v24;
	v51 =	vadd.f32 v20, v24;
	v56 =	vadd.f32 v27, v23  }
0x121: {  	v42 =	vadd.f32 v53, v52;
	v58 =	vmul.f32 v20, v20;
	v36 =	vadd.f32 $9.999999740e-06, v36  }
0x122: {  	v59 =	vmul.f32 v23, v23;
	v60 =	vmul.f32 v27, v27;
	v40 =	vadd.f32 v56, v51  }
0x123: {  	v63 =	vadd.f32 v58, v57;
	v62 =	vshra.s32 v36, $0x1;
	v36 =	vmul.f32 $5.000000000e-01, v36  }
0x124: {  	v39 =	vadd.f32 v60, v59;
	v37 =	vadd.f32 v40, v37;
	v47 =	vsub.s32 $0x5F3759DF, v62  }
0x125: {  	v48 =	vmul.f32 v47, v36  }
0x126: {  	v42 =	vadd.f32 v61, v42;
	v39 =	vadd.f32 v39, v63;
	v49 =	vperm.xlane v37, v0  }
0x127: {  	v40 =	vmul.f32 v47, v48  }
0x128: {  	v39 =	vadd.f32 v39, v42;
	v37 =	vadd.f32 v37, v49  }
0x129: {  	v40 =	vsub.f32 $1.500000000e+00, v40  }
0x12a: {  	v50 =	vperm.xlane v39, v0;
	v51 =	vperm.xlane v37, v1  }
0x12b: {  	v40 =	vmul.f32 v47, v40  }
0x12c: {  	v39 =	vadd.f32 v39, v50;
	v37 =	vadd.f32 v37, v51  }
0x12d: {  	v36 =	vmul.f32 v40, v36  }
0x12e: {  	v52 =	vperm.xlane v39, v1;
	v53 =	vperm.xlane v37, v2  }
0x12f: {  	s19 =	simm.s32 $0x100;
	v28 =	vsub.f32 v28, v38;
	v55 =	vsub.f32 v30, v38;
	v36 =	vmul.f32 v36, v40  }
0x130: {  	v30 =	vld [tilespmem:s19+$0x4600];
	v41 =	vadd.f32 v39, v52;
	v56 =	vadd.f32 v53, v37  }
0x131: {  	v54 =	vsub.f32 v29, v38;
	v29 =	vld [tilespmem:s19+$0x4610];
	v36 =	vsub.f32 $1.500000000e+00, v36  }
0x132: {  	v34 =	vsub.f32 v34, v38;
	v57 =	vperm.xlane v41, v2;
	v61 =	vperm.xlane v56, v3  }
0x133: {  	v58 =	vsub.f32 v31, v38;
	v31 =	vld [tilespmem:s19+$0x4620];
	v59 =	vsub.f32 v32, v38;
	v39 =	vmul.f32 v36, v40  }
0x134: {  	v32 =	vld [tilespmem:s19+$0x4630];
	v60 =	vadd.f32 v57, v41;
	v44 =	vadd.f32 v61, v56  }
0x135: {  	v36 =	vsub.f32 v35, v38;
	v35 =	vld [tilespmem:s19+$0x4650];
	v40 =	vmul.f32 v39, v28;
	v28 =	vmul.f32 v39, v34  }
0x136: {  	v47 =	vadd.f32 v29, v30;
	v62 =	vperm.xlane v60, v3;
	v34 =	vld [tilespmem:s19+$0x4640]  }
0x137: {  	v37 =	vsub.f32 v33, v38;
	v33 =	vld [tilespmem:s19+$0x4660];
	v38 =	vmul.f32 $7.812500000e-03, v44;
	v63 =	vmul.f32 v28, v11  }
0x138: {  	v46 =	vadd.f32 v62, v60;
	v41 =	vmul.f32 v39, v54;
	v42 =	vmul.f32 v39, v55;
	v28 =	vld [tilespmem:s19+$0x4670]  }
0x139: {  	s15 =	simm.s32 $0x600;
	v43 =	vmul.f32 v39, v58;
	v44 =	vmul.f32 v39, v59;
	v45 =	vadd.f32 v63, v19  }
.LBB2_5:
0x13a: {  	p2 =	sne.s32 s15, $0xFE00;
	v48 =	vadd.f32 v32, v31;
	v46 =	vmul.f32 $7.812500000e-03, v46;
	v49 =	vmul.f32 v38, v38  }
0x13b: {  	v51 =	vmul.f32 v30, v30;
	v52 =	vmul.f32 v29, v29;
	v50 =	vadd.f32 v35, v34;
	[tilespmem:s13+$0x4670] =	vst v45  }
0x13c: {  	v53 =	vmul.f32 v32, v32;
	v45 =	vmul.f32 v31, v31;
	v46 =	vsub.f32 v46, v49  }
0x13d: {  	v54 =	vmul.f32 v34, v34;
	v55 =	vmul.f32 v35, v35;
	v49 =	vadd.f32 v28, v33  }
0x13e: {  	v47 =	vadd.f32 v48, v47;
	v48 =	vmul.f32 v33, v33;
	v46 =	vadd.f32 $9.999999740e-06, v46  }
0x13f: {  	v51 =	vadd.f32 v52, v51;
	v49 =	vadd.f32 v49, v50;
	v50 =	vmul.f32 v28, v28  }
0x140: {  	v45 =	vadd.f32 v53, v45;
	v52 =	vshra.s32 v46, $0x1;
	v46 =	vmul.f32 $5.000000000e-01, v46  }
0x141: {  	v53 =	vadd.f32 v55, v54;
	v48 =	vadd.f32 v50, v48;
	v50 =	vsub.s32 $0x5F3759DF, v52  }
0x142: {  	v47 =	vadd.f32 v49, v47;
	v52 =	vsub.f32 v21, v38;
	v21 =	vmovc v30;
	v49 =	vmul.f32 v50, v46  }
0x143: {  	v30 =	vadd.f32 v45, v51;
	v45 =	vadd.f32 v48, v53;
	v48 =	vmul.f32 v39, v37  }
0x144: {  	v51 =	vsub.f32 v26, v38;
	v37 =	vmul.f32 v50, v49;
	v49 =	vsub.f32 v22, v38;
	v22 =	vmovc v29  }
0x145: {  	v26 =	vmovc v31;
	v29 =	vadd.f32 v45, v30;
	v30 =	vperm.xlane v47, v0;
	v45 =	vsub.f32 v25, v38  }
0x146: {  	v53 =	vsub.f32 v24, v38;
	v39 =	vmul.f32 v39, v36;
	v24 =	vmovc v34;
	v25 =	vmovc v32;
	v31 =	vsub.f32 $1.500000000e+00, v37  }
0x147: {  	v37 =	vsub.f32 v20, v38;
	v20 =	vmovc v35;
	v30 =	vadd.f32 v47, v30;
	v32 =	vperm.xlane v29, v0  }
0x148: {  	v36 =	vsub.f32 v23, v38;
	v23 =	vmovc v33;
	v34 =	vmul.f32 v50, v31;
	v31 =	vmul.f32 v40, v4  }
0x149: {  	v33 =	vmul.f32 v41, v5;
	v29 =	vadd.f32 v29, v32;
	v32 =	vperm.xlane v30, v1  }
0x14a: {  	v40 =	vmul.f32 v42, v6;
	v35 =	vmul.f32 v34, v46;
	v31 =	vadd.f32 v31, v12  }
0x14b: {  	v41 =	vmul.f32 v43, v7;
	v32 =	vadd.f32 v30, v32;
	v30 =	vperm.xlane v29, v1  }
0x14c: {  	v35 =	vmul.f32 v35, v34;
	[tilespmem:s13+$0x4600] =	vst v31;
	v31 =	vadd.f32 v33, v13;
	v33 =	vmul.f32 v44, v8  }
0x14d: {  	s20 =	sshra.s32 s15, $0x2;
	v44 =	vmul.f32 v48, v9;
	v42 =	vadd.f32 v29, v30;
	v43 =	vperm.xlane v32, v2  }
0x14e: {  	v40 =	vadd.f32 v40, v14;
	v46 =	vmul.f32 v39, v10;
	v30 =	vld [tilespmem:s20+$0x4600];
	v35 =	vsub.f32 $1.500000000e+00, v35;
	[tilespmem:s13+$0x4610] =	vst v31  }
0x14f: {  	v41 =	vadd.f32 v41, v15;
	v29 =	vld [tilespmem:s20+$0x4610];
	v43 =	vadd.f32 v43, v32;
	v47 =	vperm.xlane v42, v2  }
0x150: {  	v27 =	vsub.f32 v27, v38;
	v33 =	vadd.f32 v33, v16;
	v31 =	vld [tilespmem:s20+$0x4620];
	v39 =	vmul.f32 v35, v34;
	[tilespmem:s13+$0x4620] =	vst v40  }
0x151: {  	v44 =	vadd.f32 v44, v17;
	v32 =	vld [tilespmem:s20+$0x4630];
	v38 =	vadd.f32 v47, v42;
	v42 =	vperm.xlane v43, v3;
	[tilespmem:s13+$0x4630] =	vst v41  }
.Ltmp1:
0x152: {  	v46 =	vadd.f32 v46, v18;
	v34 =	vld [tilespmem:s20+$0x4640];
	v40 =	vmul.f32 v39, v52;
	v50 =	vmul.f32 v39, v27;
	[tilespmem:s13+$0x4640] =	vst v33;
	(pc) =	sbr.rel @p2 .LBB2_5-.Ltmp1, $4  }
0x153: {  	v41 =	vmul.f32 v39, v49;
	v35 =	vld [tilespmem:s20+$0x4650];
	v43 =	vadd.f32 v42, v43;
	v47 =	vperm.xlane v38, v3;
	[tilespmem:s13+$0x4650] =	vst v44  }
0x154: {  	v27 =	vmov v28;
	v42 =	vmul.f32 v39, v51;
	v33 =	vld [tilespmem:s20+$0x4660];
	v48 =	vmul.f32 v50, v11;
	[tilespmem:s13+$0x4660] =	vst v46;
	s13 =	smov.u32 s9;
	s9 =	smov.u32 s19;
	s19 =	smov.u32 s20  }
0x155: {  	v28 =	vld [tilespmem:s19+$0x4670];
	v46 =	vadd.f32 v47, v38;
	v38 =	vmul.f32 $7.812500000e-03, v43;
	v43 =	vmul.f32 v39, v45  }
0x156: {  	s15 =	sadd.s32 $0x200, s15;
	v44 =	vmul.f32 v39, v53;
	v47 =	vadd.f32 v29, v30;
	v45 =	vadd.f32 v48, v19  }
0x157: {  	v50 =	vmul.f32 v30, v30  }
0x158: {  	v48 =	vadd.f32 v32, v31;
	v51 =	vmul.f32 v29, v29;
	v52 =	vmul.f32 v31, v31  }
0x159: {  	v53 =	vmul.f32 v32, v32;
	v55 =	vmul.f32 v34, v34;
	v49 =	vadd.f32 v35, v34  }
0x15a: {  	v56 =	vmul.f32 v35, v35;
	v47 =	vadd.f32 v48, v47;
	v59 =	vmul.f32 v33, v33  }
0x15b: {  	v50 =	vadd.f32 v51, v50;
	v54 =	vadd.f32 v28, v33;
	v60 =	vmul.f32 v28, v28  }
0x15c: {  	v61 =	vadd.f32 v53, v52;
	v62 =	vadd.f32 v56, v55  }
0x15d: {  	v49 =	vadd.f32 v54, v49;
	v48 =	vadd.f32 v60, v59  }
0x15e: {  	v63 =	vadd.f32 v61, v50  }
0x15f: {  	v47 =	vadd.f32 v49, v47;
	v48 =	vadd.f32 v48, v62;
	_ =	sdelay $0x1  }
0x160: {  	v48 =	vadd.f32 v48, v63;
	v53 =	vperm.xlane v47, v0;
	_ =	sdelay $0x1  }
0x161: {  	v47 =	vadd.f32 v47, v53;
	v54 =	vperm.xlane v48, v0;
	_ =	sdelay $0x1  }
0x162: {  	v48 =	vadd.f32 v48, v54;
	v55 =	vperm.xlane v47, v1  }
0x163: {  	v46 =	vmul.f32 $7.812500000e-03, v46;
	v56 =	vmul.f32 v38, v38  }
0x164: {  	v47 =	vadd.f32 v47, v55;
	v57 =	vperm.xlane v48, v1  }
0x165: {  	v46 =	vsub.f32 v46, v56  }
0x166: {  	v48 =	vadd.f32 v48, v57;
	v58 =	vperm.xlane v47, v2  }
0x167: {  	v46 =	vadd.f32 $9.999999740e-06, v46  }
0x168: {  	v47 =	vadd.f32 v58, v47;
	v59 =	vperm.xlane v48, v2  }
0x169: {  	v60 =	vshra.s32 v46, $0x1  }
0x16a: {  	v46 =	vmul.f32 $5.000000000e-01, v46;
	v48 =	vadd.f32 v59, v48;
	v61 =	vperm.xlane v47, v3  }
0x16b: {  	v50 =	vsub.s32 $0x5F3759DF, v60  }
0x16c: {  	v62 =	vmul.f32 v50, v46;
	v47 =	vadd.f32 v61, v47;
	v63 =	vperm.xlane v48, v3;
	_ =	sdelay $0x1  }
0x16d: {  	v51 =	vmul.f32 v50, v62;
	v48 =	vadd.f32 v63, v48;
	v47 =	vmul.f32 $7.812500000e-03, v47;
	_ =	sdelay $0x1  }
0x16e: {  	v54 =	vsub.f32 $1.500000000e+00, v51;
	v48 =	vmul.f32 $7.812500000e-03, v48;
	v55 =	vmul.f32 v47, v47  }
0x16f: {  	v21 =	vsub.f32 v21, v38;
	v22 =	vsub.f32 v22, v38  }
0x170: {  	v26 =	vsub.f32 v26, v38;
	v49 =	vmul.f32 v50, v54;
	v48 =	vsub.f32 v48, v55  }
0x171: {  	v37 =	vmul.f32 v39, v37;
	v25 =	vsub.f32 v25, v38;
	v24 =	vsub.f32 v24, v38  }
0x172: {  	v36 =	vmul.f32 v39, v36;
	v56 =	vmul.f32 v49, v46;
	v57 =	vadd.f32 $9.999999740e-06, v48  }
0x173: {  	v20 =	vsub.f32 v20, v38;
	v23 =	vsub.f32 v23, v38;
	v40 =	vmul.f32 v40, v4  }
0x174: {  	v39 =	vmul.f32 v56, v49;
	v48 =	vshra.s32 v57, $0x1;
	v46 =	vmul.f32 $5.000000000e-01, v57  }
0x175: {  	v41 =	vmul.f32 v41, v5;
	v42 =	vmul.f32 v42, v6;
	v48 =	vsub.s32 $0x5F3759DF, v48  }
0x176: {  	v43 =	vmul.f32 v43, v7;
	v39 =	vsub.f32 $1.500000000e+00, v39;
	v58 =	vmul.f32 v48, v46  }
0x177: {  	v27 =	vsub.f32 v27, v38;
	v44 =	vmul.f32 v44, v8;
	v40 =	vadd.f32 v40, v12  }
0x178: {  	v41 =	vadd.f32 v41, v13;
	v39 =	vmul.f32 v39, v49;
	v59 =	vmul.f32 v48, v58  }
0x179: {  	v37 =	vmul.f32 v37, v9;
	v42 =	vadd.f32 v42, v14;
	v36 =	vmul.f32 v36, v10  }
0x17a: {  	v43 =	vadd.f32 v43, v15;
	v27 =	vmul.f32 v39, v27;
	v38 =	vsub.f32 $1.500000000e+00, v59  }
0x17b: {  	v44 =	vadd.f32 v44, v16;
	v21 =	vmul.f32 v39, v21;
	v22 =	vmul.f32 v39, v22  }
0x17c: {  	[tilespmem:s13+$0x4670] =	vst v45;
	v37 =	vadd.f32 v37, v17;
	v26 =	vmul.f32 v39, v26;
	v38 =	vmul.f32 v48, v38  }
0x17d: {  	[tilespmem:s13+$0x4600] =	vst v40;
	v36 =	vadd.f32 v36, v18;
	v25 =	vmul.f32 v39, v25;
	v24 =	vmul.f32 v39, v24  }
0x17e: {  	[tilespmem:s13+$0x4610] =	vst v41;
	v30 =	vsub.f32 v30, v47;
	v29 =	vsub.f32 v29, v47;
	v60 =	vmul.f32 v38, v46  }
0x17f: {  	[tilespmem:s13+$0x4620] =	vst v42;
	v31 =	vsub.f32 v31, v47;
	v61 =	vsub.f32 v32, v47;
	v27 =	vmul.f32 v27, v11  }
0x180: {  	[tilespmem:s13+$0x4630] =	vst v43;
	v62 =	vsub.f32 v34, v47;
	v21 =	vmul.f32 v21, v4;
	v40 =	vmul.f32 v60, v38  }
0x181: {  	[tilespmem:s13+$0x4640] =	vst v44;
	v23 =	vmul.f32 v39, v23;
	v22 =	vmul.f32 v22, v5;
	v27 =	vadd.f32 v27, v19  }
0x182: {  	[tilespmem:s13+$0x4650] =	vst v37;
	v26 =	vmul.f32 v26, v6;
	v21 =	vadd.f32 v21, v12;
	v41 =	vsub.f32 $1.500000000e+00, v40  }
0x183: {  	v28 =	vsub.f32 v28, v47;
	v25 =	vmul.f32 v25, v7;
	v22 =	vadd.f32 v22, v13;
	[tilespmem:s9+$0x4670] =	vst v27  }
0x184: {  	[tilespmem:s9+$0x4600] =	vst v21;
	v21 =	vmul.f32 v24, v8;
	v24 =	vadd.f32 v26, v14;
	v27 =	vmul.f32 v41, v38  }
0x185: {  	v20 =	vmul.f32 v39, v20;
	v63 =	vsub.f32 v35, v47;
	[tilespmem:s9+$0x4610] =	vst v22;
	v22 =	vadd.f32 v25, v15  }
0x186: {  	v23 =	vmul.f32 v23, v10;
	[tilespmem:s9+$0x4620] =	vst v24;
	v21 =	vadd.f32 v21, v16;
	v25 =	vmul.f32 v27, v28  }
0x187: {  	v42 =	vsub.f32 v33, v47;
	v20 =	vmul.f32 v20, v9;
	[tilespmem:s9+$0x4630] =	vst v22;
	v24 =	vmul.f32 v27, v30  }
0x188: {  	[tilespmem:s9+$0x4640] =	vst v21;
	v21 =	vadd.f32 v23, v18;
	v22 =	vmul.f32 v27, v29;
	v25 =	vmul.f32 v25, v11  }
0x189: {  	[tilespmem:s13+$0x4660] =	vst v36;
	v20 =	vadd.f32 v20, v17;
	v23 =	vmul.f32 v27, v31;
	v24 =	vmul.f32 v24, v4  }
0x18a: {  	[tilespmem:s9+$0x4660] =	vst v21;
	v21 =	vmul.f32 v27, v62;
	v22 =	vmul.f32 v22, v5;
	v25 =	vadd.f32 v25, v19  }
0x18b: {  	[tilespmem:s9+$0x4650] =	vst v20;
	v20 =	vmul.f32 v27, v61;
	v23 =	vmul.f32 v23, v6;
	v24 =	vadd.f32 v24, v12  }
0x18c: {  	v26 =	vmul.f32 v27, v42;
	v21 =	vmul.f32 v21, v8;
	v22 =	vadd.f32 v22, v13;
	[tilespmem:s19+$0x4670] =	vst v25  }
0x18d: {  	v20 =	vmul.f32 v20, v7;
	v23 =	vadd.f32 v23, v14;
	v25 =	vmul.f32 v27, v63;
	[tilespmem:s19+$0x4600] =	vst v24  }
0x18e: {  	v21 =	vadd.f32 v21, v16;
	[tilespmem:s19+$0x4610] =	vst v22;
	v22 =	vmul.f32 v26, v10  }
0x18f: {  	v20 =	vadd.f32 v20, v15;
	[tilespmem:s19+$0x4620] =	vst v23;
	v24 =	vmul.f32 v25, v9  }
0x190: {  	s20 =	sshll.u32 s10, $0x10;
	[tilespmem:s19+$0x4640] =	vst v21;
	v21 =	vadd.f32 v22, v18  }
0x191: {  	s9 =	sadd.s32 s11, s20;
	[tilespmem:s19+$0x4630] =	vst v20;
	v20 =	vadd.f32 v24, v17  }
0x192: {  	s9 =	sshrl.u32 s9, $0x3;
	[tilespmem:s19+$0x4660] =	vst v21  }
0x193: {  	s9 =	sadd.s32 s2, s9;
	[tilespmem:s19+$0x4650] =	vst v20  }
0x194: {  	[hbm4b:s9+s4] =	stream.linear.scatter [tilespmem:s18], [sflag:$0x7], $0x8000, $0x38;
	[tilespmem:$0x11E80] =	vst v63  }
0x195: {  	_ =	swait.ge [sflag:s23], $0x4000  }
0x196: {  	[sflag:s23] =	ssyncset.done $0x0  }
0x197: {  	[sflag:s23] =	ssyncadd.s32 $0xFFFFC000  }
0x198: {  	_ =	swait.ge [sflag:s23], $0x4000  }
0x199: {  	[sflag:s23] =	ssyncset.done $0x0  }
0x19a: {  	s12 =	sor.u32 $0x1, s12;
	[sflag:s23] =	ssyncadd.s32 $0xFFFFC000  }
0x19b: {  	s9 =	sadd.s32 @!p1 s8, s12;
	_ =	swait.ge [sflag:s23], $0x4000  }
0x19c: {  	s9 =	smul.u32 @!p1 $0x300, s9;
	[sflag:s23] =	ssyncset.done $0x0  }
0x19d: {  	[sflag:s23] =	ssyncadd.s32 $0xFFFFC000  }
0x19e: {  	s9 =	sshrl.u32 @!p1 s9, $0x3;
	_ =	swait.ge [sflag:s23], $0x4000  }
0x19f: {  	s15 =	simm.s32 @!p1 $0x300;
	s9 =	sadd.s32 @!p1 s5, s9;
	[sflag:s23] =	ssyncset.done $0x0  }
0x1a0: {  	s13 =	simm.s32 @!p1 $0x0;
	s9 =	sadd.s32 @!p1 $0xC0, s9;
	[sflag:s23] =	ssyncadd.s32 $0xFFFFC000  }
0x1a1: {  	[tilespmem:s15], [sflag:$0x2] =	stream.linear.gather @!p1 [hbm4b:s9+s13], $0x300, $0x38;
	[tilespmem:$0x11E80] =	vst v63  }
0x1a2: {  	_ =	swait.ge [sflag:s24], $0x8000  }
0x1a3: {  	p1 =	sgt.u32 s12, $0x62;
	[sflag:s24] =	ssyncset.done $0x0  }
0x1a4: {  	s9 =	simm.s32 @!p1 $0x1;
	[sflag:s24] =	ssyncadd.s32 $0xFFFF8000  }
0x1a5: {  	_ =	swait.ge @!p1 [sflag:s9], $0x300  }
0x1a6: {  	s13 =	simm.s32 @!p1 $0x0;
	[sflag:s9] =	ssyncset.done @!p1 $0x0  }
0x1a7: {  	s15 =	simm.s32 @!p1 $0x600;
	[sflag:s9] =	ssyncadd.s32 @!p1 $0xFFFFFD00;
	s9 =	simm.s32 @!p1 $0x80  }
0x1a8: {  	[tilespmem:s15], [sflag:$0x3] =	stream.indirect.gather @!p1 [hbm4b:s1+s9], $0x80, s13, s9, $0xb8;
	[tilespmem:$0x11E80] =	vst v63  }
0x1a9: {  	s13 =	simm.s32 @!p1 $0x4600  }
0x1aa: {  	[tilespmem:s13], [sflag:$0x3] =	stream.indirect.gather @!p1 [hbm4b:s1+s9], $0x80, s9, s9, $0xb8;
	[tilespmem:$0x11E80] =	vst v63  }
0x1ab: {  	s13 =	simm.s32 $0x0  }
0x1ac: {  	v28 =	vld [tilespmem:s13+$0x8600]  }
0x1ad: {  	v29 =	vld [tilespmem:s13+$0x8610]  }
0x1ae: {  	v30 =	vld [tilespmem:s13+$0x8620]  }
0x1af: {  	v31 =	vld [tilespmem:s13+$0x8630]  }
0x1b0: {  	v32 =	vld [tilespmem:s13+$0x8640]  }
0x1b1: {  	v33 =	vld [tilespmem:s13+$0x8650]  }
0x1b2: {  	v35 =	vld [tilespmem:s13+$0x8660]  }
0x1b3: {  	v34 =	vld [tilespmem:s13+$0x8670];
	_ =	sdelay $0x2  }
0x1b4: {  	v20 =	vadd.f32 v29, v28;
	v21 =	vadd.f32 v31, v30  }
0x1b5: {  	v22 =	vadd.f32 v33, v32;
	v23 =	vmul.f32 v28, v28;
	v24 =	vmul.f32 v29, v29  }
0x1b6: {  	v25 =	vmul.f32 v30, v30;
	v26 =	vmul.f32 v31, v31;
	v27 =	vadd.f32 v34, v35  }
0x1b7: {  	v43 =	vmul.f32 v32, v32;
	v44 =	vmul.f32 v33, v33;
	v20 =	vadd.f32 v21, v20  }
0x1b8: {  	v21 =	vmul.f32 v35, v35;
	v22 =	vadd.f32 v27, v22;
	v27 =	vmul.f32 v34, v34  }
0x1b9: {  	v23 =	vadd.f32 v24, v23;
	v24 =	vadd.f32 v26, v25  }
0x1ba: {  	v25 =	vadd.f32 v44, v43;
	v21 =	vadd.f32 v27, v21  }
0x1bb: {  	v20 =	vadd.f32 v22, v20  }
0x1bc: {  	v22 =	vadd.f32 v24, v23;
	v21 =	vadd.f32 v21, v25;
	_ =	sdelay $0x1  }
0x1bd: {  	v21 =	vadd.f32 v21, v22;
	v22 =	vperm.xlane v20, v0;
	_ =	sdelay $0x1  }
0x1be: {  	v20 =	vadd.f32 v20, v22;
	v22 =	vperm.xlane v21, v0;
	_ =	sdelay $0x1  }
0x1bf: {  	v21 =	vadd.f32 v21, v22;
	v22 =	vperm.xlane v20, v1;
	_ =	sdelay $0x1  }
0x1c0: {  	v20 =	vadd.f32 v20, v22;
	v22 =	vperm.xlane v21, v1;
	_ =	sdelay $0x1  }
0x1c1: {  	s9 =	simm.s32 $0x80;
	v23 =	vadd.f32 v21, v22;
	v24 =	vperm.xlane v20, v2  }
0x1c2: {  	v26 =	vld [tilespmem:s9+$0x8620]  }
0x1c3: {  	v25 =	vld [tilespmem:s9+$0x8630];
	v27 =	vadd.f32 v24, v20;
	v20 =	vperm.xlane v23, v2  }
0x1c4: {  	v21 =	vld [tilespmem:s9+$0x8600]  }
0x1c5: {  	v22 =	vld [tilespmem:s9+$0x8610];
	v45 =	vadd.f32 v20, v23;
	v23 =	vperm.xlane v27, v3  }
0x1c6: {  	v24 =	vld [tilespmem:s9+$0x8640]  }
0x1c7: {  	v20 =	vld [tilespmem:s9+$0x8650];
	v46 =	vadd.f32 v23, v27;
	v47 =	vperm.xlane v45, v3  }
0x1c8: {  	v23 =	vld [tilespmem:s9+$0x8660]  }
0x1c9: {  	v27 =	vld [tilespmem:s9+$0x8670];
	v36 =	vadd.f32 v47, v45;
	v38 =	vmul.f32 $7.812500000e-03, v46  }
0x1ca: {  	v54 =	vmul.f32 v26, v26;
	v49 =	vadd.f32 v25, v26;
	v55 =	vmul.f32 v25, v25  }
0x1cb: {  	v48 =	vadd.f32 v22, v21;
	v36 =	vmul.f32 $7.812500000e-03, v36;
	v50 =	vmul.f32 v38, v38  }
0x1cc: {  	v61 =	vadd.f32 v55, v54;
	v52 =	vmul.f32 v21, v21  }
0x1cd: {  	v53 =	vmul.f32 v22, v22;
	v37 =	vadd.f32 v49, v48;
	v36 =	vsub.f32 v36, v50  }
0x1ce: {  	v57 =	vmul.f32 v24, v24;
	v51 =	vadd.f32 v20, v24;
	v56 =	vadd.f32 v27, v23  }
0x1cf: {  	v42 =	vadd.f32 v53, v52;
	v58 =	vmul.f32 v20, v20;
	v36 =	vadd.f32 $9.999999740e-06, v36  }
0x1d0: {  	v59 =	vmul.f32 v23, v23;
	v60 =	vmul.f32 v27, v27;
	v40 =	vadd.f32 v56, v51  }
0x1d1: {  	v63 =	vadd.f32 v58, v57;
	v62 =	vshra.s32 v36, $0x1;
	v36 =	vmul.f32 $5.000000000e-01, v36  }
0x1d2: {  	v39 =	vadd.f32 v60, v59;
	v37 =	vadd.f32 v40, v37;
	v47 =	vsub.s32 $0x5F3759DF, v62  }
0x1d3: {  	v48 =	vmul.f32 v47, v36  }
0x1d4: {  	v42 =	vadd.f32 v61, v42;
	v39 =	vadd.f32 v39, v63;
	v49 =	vperm.xlane v37, v0  }
0x1d5: {  	v40 =	vmul.f32 v47, v48  }
0x1d6: {  	v39 =	vadd.f32 v39, v42;
	v37 =	vadd.f32 v37, v49  }
0x1d7: {  	v40 =	vsub.f32 $1.500000000e+00, v40  }
0x1d8: {  	v50 =	vperm.xlane v39, v0;
	v51 =	vperm.xlane v37, v1  }
0x1d9: {  	v40 =	vmul.f32 v47, v40  }
0x1da: {  	v39 =	vadd.f32 v39, v50;
	v37 =	vadd.f32 v37, v51  }
0x1db: {  	v36 =	vmul.f32 v40, v36  }
0x1dc: {  	v52 =	vperm.xlane v39, v1;
	v53 =	vperm.xlane v37, v2  }
0x1dd: {  	s19 =	simm.s32 $0x100;
	v28 =	vsub.f32 v28, v38;
	v55 =	vsub.f32 v30, v38;
	v36 =	vmul.f32 v36, v40  }
0x1de: {  	v30 =	vld [tilespmem:s19+$0x8600];
	v41 =	vadd.f32 v39, v52;
	v56 =	vadd.f32 v53, v37  }
0x1df: {  	v54 =	vsub.f32 v29, v38;
	v29 =	vld [tilespmem:s19+$0x8610];
	v36 =	vsub.f32 $1.500000000e+00, v36  }
0x1e0: {  	v34 =	vsub.f32 v34, v38;
	v57 =	vperm.xlane v41, v2;
	v61 =	vperm.xlane v56, v3  }
0x1e1: {  	v58 =	vsub.f32 v31, v38;
	v31 =	vld [tilespmem:s19+$0x8620];
	v59 =	vsub.f32 v32, v38;
	v39 =	vmul.f32 v36, v40  }
0x1e2: {  	v32 =	vld [tilespmem:s19+$0x8630];
	v60 =	vadd.f32 v57, v41;
	v44 =	vadd.f32 v61, v56  }
0x1e3: {  	v36 =	vsub.f32 v35, v38;
	v35 =	vld [tilespmem:s19+$0x8650];
	v40 =	vmul.f32 v39, v28;
	v28 =	vmul.f32 v39, v34  }
0x1e4: {  	v47 =	vadd.f32 v29, v30;
	v62 =	vperm.xlane v60, v3;
	v34 =	vld [tilespmem:s19+$0x8640]  }
0x1e5: {  	v37 =	vsub.f32 v33, v38;
	v33 =	vld [tilespmem:s19+$0x8660];
	v38 =	vmul.f32 $7.812500000e-03, v44;
	v63 =	vmul.f32 v28, v11  }
0x1e6: {  	v46 =	vadd.f32 v62, v60;
	v41 =	vmul.f32 v39, v54;
	v42 =	vmul.f32 v39, v55;
	v28 =	vld [tilespmem:s19+$0x8670]  }
0x1e7: {  	s15 =	simm.s32 $0x600;
	v43 =	vmul.f32 v39, v58;
	v44 =	vmul.f32 v39, v59;
	v45 =	vadd.f32 v63, v19  }
.LBB2_7:
0x1e8: {  	p2 =	sne.s32 s15, $0xFE00;
	v48 =	vadd.f32 v32, v31;
	v46 =	vmul.f32 $7.812500000e-03, v46;
	v49 =	vmul.f32 v38, v38  }
0x1e9: {  	v51 =	vmul.f32 v30, v30;
	v52 =	vmul.f32 v29, v29;
	v50 =	vadd.f32 v35, v34;
	[tilespmem:s13+$0x8670] =	vst v45  }
0x1ea: {  	v53 =	vmul.f32 v32, v32;
	v45 =	vmul.f32 v31, v31;
	v46 =	vsub.f32 v46, v49  }
0x1eb: {  	v54 =	vmul.f32 v34, v34;
	v55 =	vmul.f32 v35, v35;
	v49 =	vadd.f32 v28, v33  }
0x1ec: {  	v47 =	vadd.f32 v48, v47;
	v48 =	vmul.f32 v33, v33;
	v46 =	vadd.f32 $9.999999740e-06, v46  }
0x1ed: {  	v51 =	vadd.f32 v52, v51;
	v49 =	vadd.f32 v49, v50;
	v50 =	vmul.f32 v28, v28  }
0x1ee: {  	v45 =	vadd.f32 v53, v45;
	v52 =	vshra.s32 v46, $0x1;
	v46 =	vmul.f32 $5.000000000e-01, v46  }
0x1ef: {  	v53 =	vadd.f32 v55, v54;
	v48 =	vadd.f32 v50, v48;
	v50 =	vsub.s32 $0x5F3759DF, v52  }
0x1f0: {  	v47 =	vadd.f32 v49, v47;
	v52 =	vsub.f32 v21, v38;
	v21 =	vmovc v30;
	v49 =	vmul.f32 v50, v46  }
0x1f1: {  	v30 =	vadd.f32 v45, v51;
	v45 =	vadd.f32 v48, v53;
	v48 =	vmul.f32 v39, v37  }
0x1f2: {  	v51 =	vsub.f32 v26, v38;
	v37 =	vmul.f32 v50, v49;
	v49 =	vsub.f32 v22, v38;
	v22 =	vmovc v29  }
0x1f3: {  	v26 =	vmovc v31;
	v29 =	vadd.f32 v45, v30;
	v30 =	vperm.xlane v47, v0;
	v45 =	vsub.f32 v25, v38  }
0x1f4: {  	v53 =	vsub.f32 v24, v38;
	v39 =	vmul.f32 v39, v36;
	v24 =	vmovc v34;
	v25 =	vmovc v32;
	v31 =	vsub.f32 $1.500000000e+00, v37  }
0x1f5: {  	v37 =	vsub.f32 v20, v38;
	v20 =	vmovc v35;
	v30 =	vadd.f32 v47, v30;
	v32 =	vperm.xlane v29, v0  }
0x1f6: {  	v36 =	vsub.f32 v23, v38;
	v23 =	vmovc v33;
	v34 =	vmul.f32 v50, v31;
	v31 =	vmul.f32 v40, v4  }
0x1f7: {  	v33 =	vmul.f32 v41, v5;
	v29 =	vadd.f32 v29, v32;
	v32 =	vperm.xlane v30, v1  }
0x1f8: {  	v40 =	vmul.f32 v42, v6;
	v35 =	vmul.f32 v34, v46;
	v31 =	vadd.f32 v31, v12  }
0x1f9: {  	v41 =	vmul.f32 v43, v7;
	v32 =	vadd.f32 v30, v32;
	v30 =	vperm.xlane v29, v1  }
0x1fa: {  	v35 =	vmul.f32 v35, v34;
	[tilespmem:s13+$0x8600] =	vst v31;
	v31 =	vadd.f32 v33, v13;
	v33 =	vmul.f32 v44, v8  }
0x1fb: {  	s20 =	sshra.s32 s15, $0x2;
	v44 =	vmul.f32 v48, v9;
	v42 =	vadd.f32 v29, v30;
	v43 =	vperm.xlane v32, v2  }
0x1fc: {  	v40 =	vadd.f32 v40, v14;
	v46 =	vmul.f32 v39, v10;
	v30 =	vld [tilespmem:s20+$0x8600];
	v35 =	vsub.f32 $1.500000000e+00, v35;
	[tilespmem:s13+$0x8610] =	vst v31  }
0x1fd: {  	v41 =	vadd.f32 v41, v15;
	v29 =	vld [tilespmem:s20+$0x8610];
	v43 =	vadd.f32 v43, v32;
	v47 =	vperm.xlane v42, v2  }
0x1fe: {  	v27 =	vsub.f32 v27, v38;
	v33 =	vadd.f32 v33, v16;
	v31 =	vld [tilespmem:s20+$0x8620];
	v39 =	vmul.f32 v35, v34;
	[tilespmem:s13+$0x8620] =	vst v40  }
0x1ff: {  	v44 =	vadd.f32 v44, v17;
	v32 =	vld [tilespmem:s20+$0x8630];
	v38 =	vadd.f32 v47, v42;
	v42 =	vperm.xlane v43, v3;
	[tilespmem:s13+$0x8630] =	vst v41  }
.Ltmp2:
0x200: {  	v46 =	vadd.f32 v46, v18;
	v34 =	vld [tilespmem:s20+$0x8640];
	v40 =	vmul.f32 v39, v52;
	v50 =	vmul.f32 v39, v27;
	[tilespmem:s13+$0x8640] =	vst v33;
	(pc) =	sbr.rel @p2 .LBB2_7-.Ltmp2, $4  }
0x201: {  	v41 =	vmul.f32 v39, v49;
	v35 =	vld [tilespmem:s20+$0x8650];
	v43 =	vadd.f32 v42, v43;
	v47 =	vperm.xlane v38, v3;
	[tilespmem:s13+$0x8650] =	vst v44  }
0x202: {  	v27 =	vmov v28;
	v42 =	vmul.f32 v39, v51;
	v33 =	vld [tilespmem:s20+$0x8660];
	v48 =	vmul.f32 v50, v11;
	[tilespmem:s13+$0x8660] =	vst v46;
	s13 =	smov.u32 s9;
	s9 =	smov.u32 s19;
	s19 =	smov.u32 s20  }
0x203: {  	v28 =	vld [tilespmem:s19+$0x8670];
	v46 =	vadd.f32 v47, v38;
	v38 =	vmul.f32 $7.812500000e-03, v43;
	v43 =	vmul.f32 v39, v45  }
0x204: {  	s15 =	sadd.s32 $0x200, s15;
	v44 =	vmul.f32 v39, v53;
	v47 =	vadd.f32 v29, v30;
	v45 =	vadd.f32 v48, v19  }
0x205: {  	v50 =	vmul.f32 v30, v30  }
0x206: {  	v48 =	vadd.f32 v32, v31;
	v51 =	vmul.f32 v29, v29;
	v52 =	vmul.f32 v31, v31  }
0x207: {  	v53 =	vmul.f32 v32, v32;
	v55 =	vmul.f32 v34, v34;
	v49 =	vadd.f32 v35, v34  }
0x208: {  	v56 =	vmul.f32 v35, v35;
	v47 =	vadd.f32 v48, v47;
	v59 =	vmul.f32 v33, v33  }
0x209: {  	v50 =	vadd.f32 v51, v50;
	v54 =	vadd.f32 v28, v33;
	v60 =	vmul.f32 v28, v28  }
0x20a: {  	v61 =	vadd.f32 v53, v52;
	v62 =	vadd.f32 v56, v55  }
0x20b: {  	v49 =	vadd.f32 v54, v49;
	v48 =	vadd.f32 v60, v59  }
0x20c: {  	v63 =	vadd.f32 v61, v50  }
0x20d: {  	v47 =	vadd.f32 v49, v47;
	v48 =	vadd.f32 v48, v62;
	_ =	sdelay $0x1  }
0x20e: {  	v48 =	vadd.f32 v48, v63;
	v53 =	vperm.xlane v47, v0;
	_ =	sdelay $0x1  }
0x20f: {  	v47 =	vadd.f32 v47, v53;
	v54 =	vperm.xlane v48, v0;
	_ =	sdelay $0x1  }
0x210: {  	v48 =	vadd.f32 v48, v54;
	v55 =	vperm.xlane v47, v1  }
0x211: {  	v46 =	vmul.f32 $7.812500000e-03, v46;
	v56 =	vmul.f32 v38, v38  }
0x212: {  	v47 =	vadd.f32 v47, v55;
	v57 =	vperm.xlane v48, v1  }
0x213: {  	v46 =	vsub.f32 v46, v56  }
0x214: {  	v48 =	vadd.f32 v48, v57;
	v58 =	vperm.xlane v47, v2  }
0x215: {  	v46 =	vadd.f32 $9.999999740e-06, v46  }
0x216: {  	v47 =	vadd.f32 v58, v47;
	v59 =	vperm.xlane v48, v2  }
0x217: {  	v60 =	vshra.s32 v46, $0x1  }
0x218: {  	v46 =	vmul.f32 $5.000000000e-01, v46;
	v48 =	vadd.f32 v59, v48;
	v61 =	vperm.xlane v47, v3  }
0x219: {  	v50 =	vsub.s32 $0x5F3759DF, v60  }
0x21a: {  	v62 =	vmul.f32 v50, v46;
	v47 =	vadd.f32 v61, v47;
	v63 =	vperm.xlane v48, v3;
	_ =	sdelay $0x1  }
0x21b: {  	v51 =	vmul.f32 v50, v62;
	v48 =	vadd.f32 v63, v48;
	v47 =	vmul.f32 $7.812500000e-03, v47;
	_ =	sdelay $0x1  }
0x21c: {  	v54 =	vsub.f32 $1.500000000e+00, v51;
	v48 =	vmul.f32 $7.812500000e-03, v48;
	v55 =	vmul.f32 v47, v47  }
0x21d: {  	v21 =	vsub.f32 v21, v38;
	v22 =	vsub.f32 v22, v38  }
0x21e: {  	v26 =	vsub.f32 v26, v38;
	v49 =	vmul.f32 v50, v54;
	v48 =	vsub.f32 v48, v55  }
0x21f: {  	v37 =	vmul.f32 v39, v37;
	v25 =	vsub.f32 v25, v38;
	v24 =	vsub.f32 v24, v38  }
0x220: {  	v36 =	vmul.f32 v39, v36;
	v56 =	vmul.f32 v49, v46;
	v57 =	vadd.f32 $9.999999740e-06, v48  }
0x221: {  	v20 =	vsub.f32 v20, v38;
	v23 =	vsub.f32 v23, v38;
	v40 =	vmul.f32 v40, v4  }
0x222: {  	v39 =	vmul.f32 v56, v49;
	v48 =	vshra.s32 v57, $0x1;
	v46 =	vmul.f32 $5.000000000e-01, v57  }
0x223: {  	v41 =	vmul.f32 v41, v5;
	v42 =	vmul.f32 v42, v6;
	v48 =	vsub.s32 $0x5F3759DF, v48  }
0x224: {  	v43 =	vmul.f32 v43, v7;
	v39 =	vsub.f32 $1.500000000e+00, v39;
	v58 =	vmul.f32 v48, v46  }
0x225: {  	v27 =	vsub.f32 v27, v38;
	v44 =	vmul.f32 v44, v8;
	v40 =	vadd.f32 v40, v12  }
0x226: {  	v41 =	vadd.f32 v41, v13;
	v39 =	vmul.f32 v39, v49;
	v59 =	vmul.f32 v48, v58  }
0x227: {  	v37 =	vmul.f32 v37, v9;
	v42 =	vadd.f32 v42, v14;
	v36 =	vmul.f32 v36, v10  }
0x228: {  	v43 =	vadd.f32 v43, v15;
	v27 =	vmul.f32 v39, v27;
	v38 =	vsub.f32 $1.500000000e+00, v59  }
0x229: {  	v44 =	vadd.f32 v44, v16;
	v21 =	vmul.f32 v39, v21;
	v22 =	vmul.f32 v39, v22  }
0x22a: {  	[tilespmem:s13+$0x8670] =	vst v45;
	v37 =	vadd.f32 v37, v17;
	v26 =	vmul.f32 v39, v26;
	v38 =	vmul.f32 v48, v38  }
0x22b: {  	[tilespmem:s13+$0x8600] =	vst v40;
	v36 =	vadd.f32 v36, v18;
	v25 =	vmul.f32 v39, v25;
	v24 =	vmul.f32 v39, v24  }
0x22c: {  	[tilespmem:s13+$0x8610] =	vst v41;
	v30 =	vsub.f32 v30, v47;
	v29 =	vsub.f32 v29, v47;
	v60 =	vmul.f32 v38, v46  }
0x22d: {  	[tilespmem:s13+$0x8620] =	vst v42;
	v31 =	vsub.f32 v31, v47;
	v61 =	vsub.f32 v32, v47;
	v27 =	vmul.f32 v27, v11  }
0x22e: {  	[tilespmem:s13+$0x8630] =	vst v43;
	v62 =	vsub.f32 v34, v47;
	v21 =	vmul.f32 v21, v4;
	v40 =	vmul.f32 v60, v38  }
0x22f: {  	[tilespmem:s13+$0x8640] =	vst v44;
	v23 =	vmul.f32 v39, v23;
	v22 =	vmul.f32 v22, v5;
	v27 =	vadd.f32 v27, v19  }
0x230: {  	[tilespmem:s13+$0x8650] =	vst v37;
	v26 =	vmul.f32 v26, v6;
	v21 =	vadd.f32 v21, v12;
	v41 =	vsub.f32 $1.500000000e+00, v40  }
0x231: {  	v28 =	vsub.f32 v28, v47;
	v25 =	vmul.f32 v25, v7;
	v22 =	vadd.f32 v22, v13;
	[tilespmem:s9+$0x8670] =	vst v27  }
0x232: {  	[tilespmem:s9+$0x8600] =	vst v21;
	v21 =	vmul.f32 v24, v8;
	v24 =	vadd.f32 v26, v14;
	v27 =	vmul.f32 v41, v38  }
0x233: {  	v20 =	vmul.f32 v39, v20;
	v63 =	vsub.f32 v35, v47;
	[tilespmem:s9+$0x8610] =	vst v22;
	v22 =	vadd.f32 v25, v15  }
0x234: {  	v23 =	vmul.f32 v23, v10;
	[tilespmem:s9+$0x8620] =	vst v24;
	v21 =	vadd.f32 v21, v16;
	v25 =	vmul.f32 v27, v28  }
0x235: {  	v42 =	vsub.f32 v33, v47;
	v20 =	vmul.f32 v20, v9;
	[tilespmem:s9+$0x8630] =	vst v22;
	v24 =	vmul.f32 v27, v30  }
0x236: {  	[tilespmem:s9+$0x8640] =	vst v21;
	v21 =	vadd.f32 v23, v18;
	v22 =	vmul.f32 v27, v29;
	v25 =	vmul.f32 v25, v11  }
0x237: {  	[tilespmem:s13+$0x8660] =	vst v36;
	v20 =	vadd.f32 v20, v17;
	v23 =	vmul.f32 v27, v31;
	v24 =	vmul.f32 v24, v4  }
0x238: {  	[tilespmem:s9+$0x8660] =	vst v21;
	v21 =	vmul.f32 v27, v62;
	v22 =	vmul.f32 v22, v5;
	v25 =	vadd.f32 v25, v19  }
0x239: {  	[tilespmem:s9+$0x8650] =	vst v20;
	v20 =	vmul.f32 v27, v61;
	v23 =	vmul.f32 v23, v6;
	v24 =	vadd.f32 v24, v12  }
0x23a: {  	v26 =	vmul.f32 v27, v42;
	v21 =	vmul.f32 v21, v8;
	v22 =	vadd.f32 v22, v13;
	[tilespmem:s19+$0x8670] =	vst v25  }
0x23b: {  	v20 =	vmul.f32 v20, v7;
	v23 =	vadd.f32 v23, v14;
	v25 =	vmul.f32 v27, v63;
	[tilespmem:s19+$0x8600] =	vst v24  }
0x23c: {  	v21 =	vadd.f32 v21, v16;
	[tilespmem:s19+$0x8610] =	vst v22;
	v22 =	vmul.f32 v26, v10  }
0x23d: {  	v20 =	vadd.f32 v20, v15;
	[tilespmem:s19+$0x8620] =	vst v23;
	v24 =	vmul.f32 v25, v9  }
0x23e: {  	[tilespmem:s19+$0x8640] =	vst v21;
	v21 =	vadd.f32 v22, v18  }
0x23f: {  	[tilespmem:s19+$0x8630] =	vst v20;
	v20 =	vadd.f32 v24, v17  }
0x240: {  	[tilespmem:s19+$0x8660] =	vst v21  }
0x241: {  	s9 =	simm.s32 @!p1 $0x3;
	[tilespmem:s19+$0x8650] =	vst v20  }
0x242: {  	_ =	swait.ge @!p1 [sflag:s9], $0x4000  }
0x243: {  	[sflag:s9] =	ssyncset.done @!p1 $0x0  }
0x244: {  	[sflag:s9] =	ssyncadd.s32 @!p1 $0xFFFFC000  }
0x245: {  	_ =	swait.ge @!p1 [sflag:s9], $0x4000  }
0x246: {  	s15 =	simm.s32 @!p1 $0x600;
	[sflag:s9] =	ssyncset.done @!p1 $0x0  }
0x247: {  	s13 =	simm.s32 @!p1 $0x100;
	[sflag:s9] =	ssyncadd.s32 @!p1 $0xFFFFC000;
	s9 =	simm.s32 @!p1 $0x80  }
0x248: {  	[tilespmem:s15], [sflag:$0x5] =	stream.indirect.gather.add.f32 @!p1 [spmem:s3], $0x80, s13, s9, $0xb8;
	[tilespmem:$0x11E80] =	vst v63  }
0x249: {  	s13 =	simm.s32 @!p1 $0x200  }
0x24a: {  	[tilespmem:s15], [sflag:$0x5] =	stream.indirect.gather.add.f32 @!p1 [spmem:s3], $0x80, s13, s9, $0xb8;
	[tilespmem:$0x11E80] =	vst v63  }
0x24b: {  	s13 =	simm.s32 @!p1 $0x180;
	s15 =	simm.s32 @!p1 $0x4600  }
0x24c: {  	[tilespmem:s15], [sflag:$0x5] =	stream.indirect.gather.add.f32 @!p1 [spmem:s3], $0x80, s13, s9, $0xb8;
	[tilespmem:$0x11E80] =	vst v63  }
0x24d: {  	s13 =	simm.s32 @!p1 $0x280  }
0x24e: {  	[tilespmem:s15], [sflag:$0x5] =	stream.indirect.gather.add.f32 @!p1 [spmem:s3], $0x80, s13, s9, $0xb8;
	[tilespmem:$0x11E80] =	vst v63  }
0x24f: {  	s13 =	simm.s32 $0x0  }
0x250: {  	v28 =	vld [tilespmem:s13+$0xC600]  }
0x251: {  	v29 =	vld [tilespmem:s13+$0xC610]  }
0x252: {  	v30 =	vld [tilespmem:s13+$0xC620]  }
0x253: {  	v31 =	vld [tilespmem:s13+$0xC630]  }
0x254: {  	v32 =	vld [tilespmem:s13+$0xC640]  }
0x255: {  	v33 =	vld [tilespmem:s13+$0xC650]  }
0x256: {  	v35 =	vld [tilespmem:s13+$0xC660]  }
0x257: {  	v34 =	vld [tilespmem:s13+$0xC670];
	_ =	sdelay $0x2  }
0x258: {  	v20 =	vadd.f32 v29, v28;
	v21 =	vadd.f32 v31, v30  }
0x259: {  	v22 =	vadd.f32 v33, v32;
	v23 =	vmul.f32 v28, v28;
	v24 =	vmul.f32 v29, v29  }
0x25a: {  	v25 =	vmul.f32 v30, v30;
	v26 =	vmul.f32 v31, v31;
	v27 =	vadd.f32 v34, v35  }
0x25b: {  	v43 =	vmul.f32 v32, v32;
	v44 =	vmul.f32 v33, v33;
	v20 =	vadd.f32 v21, v20  }
0x25c: {  	v21 =	vmul.f32 v35, v35;
	v22 =	vadd.f32 v27, v22;
	v27 =	vmul.f32 v34, v34  }
0x25d: {  	v23 =	vadd.f32 v24, v23;
	v24 =	vadd.f32 v26, v25  }
0x25e: {  	v25 =	vadd.f32 v44, v43;
	v21 =	vadd.f32 v27, v21  }
0x25f: {  	v20 =	vadd.f32 v22, v20  }
0x260: {  	v22 =	vadd.f32 v24, v23;
	v21 =	vadd.f32 v21, v25;
	_ =	sdelay $0x1  }
0x261: {  	v21 =	vadd.f32 v21, v22;
	v22 =	vperm.xlane v20, v0;
	_ =	sdelay $0x1  }
0x262: {  	v20 =	vadd.f32 v20, v22;
	v22 =	vperm.xlane v21, v0;
	_ =	sdelay $0x1  }
0x263: {  	v21 =	vadd.f32 v21, v22;
	v22 =	vperm.xlane v20, v1;
	_ =	sdelay $0x1  }
0x264: {  	v20 =	vadd.f32 v20, v22;
	v22 =	vperm.xlane v21, v1;
	_ =	sdelay $0x1  }
0x265: {  	s9 =	simm.s32 $0x80;
	v23 =	vadd.f32 v21, v22;
	v24 =	vperm.xlane v20, v2  }
0x266: {  	v26 =	vld [tilespmem:s9+$0xC620]  }
0x267: {  	v25 =	vld [tilespmem:s9+$0xC630];
	v27 =	vadd.f32 v24, v20;
	v20 =	vperm.xlane v23, v2  }
0x268: {  	v21 =	vld [tilespmem:s9+$0xC600]  }
0x269: {  	v22 =	vld [tilespmem:s9+$0xC610];
	v45 =	vadd.f32 v20, v23;
	v23 =	vperm.xlane v27, v3  }
0x26a: {  	v24 =	vld [tilespmem:s9+$0xC640]  }
0x26b: {  	v20 =	vld [tilespmem:s9+$0xC650];
	v46 =	vadd.f32 v23, v27;
	v47 =	vperm.xlane v45, v3  }
0x26c: {  	v23 =	vld [tilespmem:s9+$0xC660]  }
0x26d: {  	v27 =	vld [tilespmem:s9+$0xC670];
	v36 =	vadd.f32 v47, v45;
	v38 =	vmul.f32 $7.812500000e-03, v46  }
0x26e: {  	v54 =	vmul.f32 v26, v26;
	v49 =	vadd.f32 v25, v26;
	v55 =	vmul.f32 v25, v25  }
0x26f: {  	v48 =	vadd.f32 v22, v21;
	v36 =	vmul.f32 $7.812500000e-03, v36;
	v50 =	vmul.f32 v38, v38  }
0x270: {  	v61 =	vadd.f32 v55, v54;
	v52 =	vmul.f32 v21, v21  }
0x271: {  	v53 =	vmul.f32 v22, v22;
	v37 =	vadd.f32 v49, v48;
	v36 =	vsub.f32 v36, v50  }
0x272: {  	v57 =	vmul.f32 v24, v24;
	v51 =	vadd.f32 v20, v24;
	v56 =	vadd.f32 v27, v23  }
0x273: {  	v42 =	vadd.f32 v53, v52;
	v58 =	vmul.f32 v20, v20;
	v36 =	vadd.f32 $9.999999740e-06, v36  }
0x274: {  	v59 =	vmul.f32 v23, v23;
	v60 =	vmul.f32 v27, v27;
	v40 =	vadd.f32 v56, v51  }
0x275: {  	v63 =	vadd.f32 v58, v57;
	v62 =	vshra.s32 v36, $0x1;
	v36 =	vmul.f32 $5.000000000e-01, v36  }
0x276: {  	v39 =	vadd.f32 v60, v59;
	v37 =	vadd.f32 v40, v37;
	v47 =	vsub.s32 $0x5F3759DF, v62  }
0x277: {  	v48 =	vmul.f32 v47, v36  }
0x278: {  	v42 =	vadd.f32 v61, v42;
	v39 =	vadd.f32 v39, v63;
	v49 =	vperm.xlane v37, v0  }
0x279: {  	v40 =	vmul.f32 v47, v48  }
0x27a: {  	v39 =	vadd.f32 v39, v42;
	v37 =	vadd.f32 v37, v49  }
0x27b: {  	v40 =	vsub.f32 $1.500000000e+00, v40  }
0x27c: {  	v50 =	vperm.xlane v39, v0;
	v51 =	vperm.xlane v37, v1  }
0x27d: {  	v40 =	vmul.f32 v47, v40  }
0x27e: {  	v39 =	vadd.f32 v39, v50;
	v37 =	vadd.f32 v37, v51  }
0x27f: {  	v36 =	vmul.f32 v40, v36  }
0x280: {  	v52 =	vperm.xlane v39, v1;
	v53 =	vperm.xlane v37, v2  }
0x281: {  	s19 =	simm.s32 $0x100;
	v28 =	vsub.f32 v28, v38;
	v55 =	vsub.f32 v30, v38;
	v36 =	vmul.f32 v36, v40  }
0x282: {  	v30 =	vld [tilespmem:s19+$0xC600];
	v41 =	vadd.f32 v39, v52;
	v56 =	vadd.f32 v53, v37  }
0x283: {  	v54 =	vsub.f32 v29, v38;
	v29 =	vld [tilespmem:s19+$0xC610];
	v36 =	vsub.f32 $1.500000000e+00, v36  }
0x284: {  	v34 =	vsub.f32 v34, v38;
	v57 =	vperm.xlane v41, v2;
	v61 =	vperm.xlane v56, v3  }
0x285: {  	v58 =	vsub.f32 v31, v38;
	v31 =	vld [tilespmem:s19+$0xC620];
	v59 =	vsub.f32 v32, v38;
	v39 =	vmul.f32 v36, v40  }
0x286: {  	v32 =	vld [tilespmem:s19+$0xC630];
	v60 =	vadd.f32 v57, v41;
	v44 =	vadd.f32 v61, v56  }
0x287: {  	v36 =	vsub.f32 v35, v38;
	v35 =	vld [tilespmem:s19+$0xC650];
	v40 =	vmul.f32 v39, v28;
	v28 =	vmul.f32 v39, v34  }
0x288: {  	v47 =	vadd.f32 v29, v30;
	v62 =	vperm.xlane v60, v3;
	v34 =	vld [tilespmem:s19+$0xC640]  }
0x289: {  	v37 =	vsub.f32 v33, v38;
	v33 =	vld [tilespmem:s19+$0xC660];
	v38 =	vmul.f32 $7.812500000e-03, v44;
	v63 =	vmul.f32 v28, v11  }
0x28a: {  	v46 =	vadd.f32 v62, v60;
	v41 =	vmul.f32 v39, v54;
	v42 =	vmul.f32 v39, v55;
	v28 =	vld [tilespmem:s19+$0xC670]  }
0x28b: {  	s15 =	simm.s32 $0x600;
	v43 =	vmul.f32 v39, v58;
	v44 =	vmul.f32 v39, v59;
	v45 =	vadd.f32 v63, v19  }
.LBB2_9:
0x28c: {  	p1 =	sne.s32 s15, $0xFE00;
	v48 =	vadd.f32 v32, v31;
	v46 =	vmul.f32 $7.812500000e-03, v46;
	v49 =	vmul.f32 v38, v38  }
0x28d: {  	v51 =	vmul.f32 v30, v30;
	v52 =	vmul.f32 v29, v29;
	v50 =	vadd.f32 v35, v34;
	[tilespmem:s13+$0xC670] =	vst v45  }
0x28e: {  	v53 =	vmul.f32 v32, v32;
	v45 =	vmul.f32 v31, v31;
	v46 =	vsub.f32 v46, v49  }
0x28f: {  	v54 =	vmul.f32 v34, v34;
	v55 =	vmul.f32 v35, v35;
	v49 =	vadd.f32 v28, v33  }
0x290: {  	v47 =	vadd.f32 v48, v47;
	v48 =	vmul.f32 v33, v33;
	v46 =	vadd.f32 $9.999999740e-06, v46  }
0x291: {  	v51 =	vadd.f32 v52, v51;
	v49 =	vadd.f32 v49, v50;
	v50 =	vmul.f32 v28, v28  }
0x292: {  	v45 =	vadd.f32 v53, v45;
	v52 =	vshra.s32 v46, $0x1;
	v46 =	vmul.f32 $5.000000000e-01, v46  }
0x293: {  	v53 =	vadd.f32 v55, v54;
	v48 =	vadd.f32 v50, v48;
	v50 =	vsub.s32 $0x5F3759DF, v52  }
0x294: {  	v47 =	vadd.f32 v49, v47;
	v52 =	vsub.f32 v21, v38;
	v21 =	vmovc v30;
	v49 =	vmul.f32 v50, v46  }
0x295: {  	v30 =	vadd.f32 v45, v51;
	v45 =	vadd.f32 v48, v53;
	v48 =	vmul.f32 v39, v37  }
0x296: {  	v51 =	vsub.f32 v26, v38;
	v37 =	vmul.f32 v50, v49;
	v49 =	vsub.f32 v22, v38;
	v22 =	vmovc v29  }
0x297: {  	v26 =	vmovc v31;
	v29 =	vadd.f32 v45, v30;
	v30 =	vperm.xlane v47, v0;
	v45 =	vsub.f32 v25, v38  }
0x298: {  	v53 =	vsub.f32 v24, v38;
	v39 =	vmul.f32 v39, v36;
	v24 =	vmovc v34;
	v25 =	vmovc v32;
	v31 =	vsub.f32 $1.500000000e+00, v37  }
0x299: {  	v37 =	vsub.f32 v20, v38;
	v20 =	vmovc v35;
	v30 =	vadd.f32 v47, v30;
	v32 =	vperm.xlane v29, v0  }
0x29a: {  	v36 =	vsub.f32 v23, v38;
	v23 =	vmovc v33;
	v34 =	vmul.f32 v50, v31;
	v31 =	vmul.f32 v40, v4  }
0x29b: {  	v33 =	vmul.f32 v41, v5;
	v29 =	vadd.f32 v29, v32;
	v32 =	vperm.xlane v30, v1  }
0x29c: {  	v40 =	vmul.f32 v42, v6;
	v35 =	vmul.f32 v34, v46;
	v31 =	vadd.f32 v31, v12  }
0x29d: {  	v41 =	vmul.f32 v43, v7;
	v32 =	vadd.f32 v30, v32;
	v30 =	vperm.xlane v29, v1  }
0x29e: {  	v35 =	vmul.f32 v35, v34;
	[tilespmem:s13+$0xC600] =	vst v31;
	v31 =	vadd.f32 v33, v13;
	v33 =	vmul.f32 v44, v8  }
0x29f: {  	s20 =	sshra.s32 s15, $0x2;
	v44 =	vmul.f32 v48, v9;
	v42 =	vadd.f32 v29, v30;
	v43 =	vperm.xlane v32, v2  }
0x2a0: {  	v40 =	vadd.f32 v40, v14;
	v46 =	vmul.f32 v39, v10;
	v30 =	vld [tilespmem:s20+$0xC600];
	v35 =	vsub.f32 $1.500000000e+00, v35;
	[tilespmem:s13+$0xC610] =	vst v31  }
0x2a1: {  	v41 =	vadd.f32 v41, v15;
	v29 =	vld [tilespmem:s20+$0xC610];
	v43 =	vadd.f32 v43, v32;
	v47 =	vperm.xlane v42, v2  }
0x2a2: {  	v27 =	vsub.f32 v27, v38;
	v33 =	vadd.f32 v33, v16;
	v31 =	vld [tilespmem:s20+$0xC620];
	v39 =	vmul.f32 v35, v34;
	[tilespmem:s13+$0xC620] =	vst v40  }
0x2a3: {  	v44 =	vadd.f32 v44, v17;
	v32 =	vld [tilespmem:s20+$0xC630];
	v38 =	vadd.f32 v47, v42;
	v42 =	vperm.xlane v43, v3;
	[tilespmem:s13+$0xC630] =	vst v41  }
.Ltmp3:
0x2a4: {  	v46 =	vadd.f32 v46, v18;
	v34 =	vld [tilespmem:s20+$0xC640];
	v40 =	vmul.f32 v39, v52;
	v50 =	vmul.f32 v39, v27;
	[tilespmem:s13+$0xC640] =	vst v33;
	(pc) =	sbr.rel @p1 .LBB2_9-.Ltmp3, $4  }
0x2a5: {  	v41 =	vmul.f32 v39, v49;
	v35 =	vld [tilespmem:s20+$0xC650];
	v43 =	vadd.f32 v42, v43;
	v47 =	vperm.xlane v38, v3;
	[tilespmem:s13+$0xC650] =	vst v44  }
0x2a6: {  	v27 =	vmov v28;
	v42 =	vmul.f32 v39, v51;
	v33 =	vld [tilespmem:s20+$0xC660];
	v48 =	vmul.f32 v50, v11;
	[tilespmem:s13+$0xC660] =	vst v46;
	s13 =	smov.u32 s9;
	s9 =	smov.u32 s19;
	s19 =	smov.u32 s20  }
0x2a7: {  	v28 =	vld [tilespmem:s19+$0xC670];
	v46 =	vadd.f32 v47, v38;
	v38 =	vmul.f32 $7.812500000e-03, v43;
	v43 =	vmul.f32 v39, v45  }
0x2a8: {  	s15 =	sadd.s32 $0x200, s15;
	v44 =	vmul.f32 v39, v53;
	v47 =	vadd.f32 v29, v30;
	v45 =	vadd.f32 v48, v19  }
0x2a9: {  	v50 =	vmul.f32 v30, v30  }
0x2aa: {  	v48 =	vadd.f32 v32, v31;
	v51 =	vmul.f32 v29, v29;
	v52 =	vmul.f32 v31, v31  }
0x2ab: {  	v53 =	vmul.f32 v32, v32;
	v55 =	vmul.f32 v34, v34;
	v49 =	vadd.f32 v35, v34  }
0x2ac: {  	v56 =	vmul.f32 v35, v35;
	v47 =	vadd.f32 v48, v47;
	v59 =	vmul.f32 v33, v33  }
0x2ad: {  	v50 =	vadd.f32 v51, v50;
	v54 =	vadd.f32 v28, v33;
	v60 =	vmul.f32 v28, v28  }
0x2ae: {  	v61 =	vadd.f32 v53, v52;
	v62 =	vadd.f32 v56, v55  }
0x2af: {  	v49 =	vadd.f32 v54, v49;
	v48 =	vadd.f32 v60, v59  }
0x2b0: {  	v63 =	vadd.f32 v61, v50  }
0x2b1: {  	v47 =	vadd.f32 v49, v47;
	v48 =	vadd.f32 v48, v62;
	_ =	sdelay $0x1  }
0x2b2: {  	v48 =	vadd.f32 v48, v63;
	v52 =	vperm.xlane v47, v0;
	_ =	sdelay $0x1  }
0x2b3: {  	v47 =	vadd.f32 v47, v52;
	v53 =	vperm.xlane v48, v0;
	_ =	sdelay $0x1  }
0x2b4: {  	v48 =	vadd.f32 v48, v53;
	v54 =	vperm.xlane v47, v1  }
0x2b5: {  	v46 =	vmul.f32 $7.812500000e-03, v46;
	v55 =	vmul.f32 v38, v38  }
0x2b6: {  	v47 =	vadd.f32 v47, v54;
	v56 =	vperm.xlane v48, v1  }
0x2b7: {  	v46 =	vsub.f32 v46, v55  }
0x2b8: {  	v48 =	vadd.f32 v48, v56;
	v57 =	vperm.xlane v47, v2  }
0x2b9: {  	v46 =	vadd.f32 $9.999999740e-06, v46  }
0x2ba: {  	v47 =	vadd.f32 v57, v47;
	v58 =	vperm.xlane v48, v2  }
0x2bb: {  	v59 =	vshra.s32 v46, $0x1  }
0x2bc: {  	v46 =	vmul.f32 $5.000000000e-01, v46;
	v48 =	vadd.f32 v58, v48;
	v60 =	vperm.xlane v47, v3  }
0x2bd: {  	v50 =	vsub.s32 $0x5F3759DF, v59  }
0x2be: {  	v61 =	vmul.f32 v50, v46;
	v47 =	vadd.f32 v60, v47;
	v62 =	vperm.xlane v48, v3;
	_ =	sdelay $0x1  }
0x2bf: {  	v51 =	vmul.f32 v50, v61;
	v48 =	vadd.f32 v62, v48;
	v47 =	vmul.f32 $7.812500000e-03, v47;
	_ =	sdelay $0x1  }
0x2c0: {  	v63 =	vsub.f32 $1.500000000e+00, v51;
	v48 =	vmul.f32 $7.812500000e-03, v48;
	v54 =	vmul.f32 v47, v47  }
0x2c1: {  	v21 =	vsub.f32 v21, v38;
	v22 =	vsub.f32 v22, v38  }
0x2c2: {  	v26 =	vsub.f32 v26, v38;
	v49 =	vmul.f32 v50, v63;
	v48 =	vsub.f32 v48, v54  }
0x2c3: {  	v37 =	vmul.f32 v39, v37;
	v25 =	vsub.f32 v25, v38;
	v24 =	vsub.f32 v24, v38  }
0x2c4: {  	v36 =	vmul.f32 v39, v36;
	v55 =	vmul.f32 v49, v46;
	v56 =	vadd.f32 $9.999999740e-06, v48  }
0x2c5: {  	v20 =	vsub.f32 v20, v38;
	v23 =	vsub.f32 v23, v38;
	v40 =	vmul.f32 v40, v4  }
0x2c6: {  	v39 =	vmul.f32 v55, v49;
	v48 =	vshra.s32 v56, $0x1;
	v46 =	vmul.f32 $5.000000000e-01, v56  }
0x2c7: {  	v41 =	vmul.f32 v41, v5;
	v42 =	vmul.f32 v42, v6;
	v48 =	vsub.s32 $0x5F3759DF, v48  }
0x2c8: {  	v43 =	vmul.f32 v43, v7;
	v39 =	vsub.f32 $1.500000000e+00, v39;
	v57 =	vmul.f32 v48, v46  }
0x2c9: {  	v27 =	vsub.f32 v27, v38;
	v44 =	vmul.f32 v44, v8;
	v40 =	vadd.f32 v40, v12  }
0x2ca: {  	v41 =	vadd.f32 v41, v13;
	v39 =	vmul.f32 v39, v49;
	v58 =	vmul.f32 v48, v57  }
0x2cb: {  	v37 =	vmul.f32 v37, v9;
	v42 =	vadd.f32 v42, v14;
	v36 =	vmul.f32 v36, v10  }
0x2cc: {  	v43 =	vadd.f32 v43, v15;
	v27 =	vmul.f32 v39, v27;
	v38 =	vsub.f32 $1.500000000e+00, v58  }
0x2cd: {  	v44 =	vadd.f32 v44, v16;
	v21 =	vmul.f32 v39, v21;
	v22 =	vmul.f32 v39, v22  }
0x2ce: {  	[tilespmem:s13+$0xC670] =	vst v45;
	v37 =	vadd.f32 v37, v17;
	v26 =	vmul.f32 v39, v26;
	v38 =	vmul.f32 v48, v38  }
0x2cf: {  	[tilespmem:s13+$0xC600] =	vst v40;
	v36 =	vadd.f32 v36, v18;
	v25 =	vmul.f32 v39, v25;
	v24 =	vmul.f32 v39, v24  }
0x2d0: {  	[tilespmem:s13+$0xC610] =	vst v41;
	v60 =	vsub.f32 v30, v47;
	v61 =	vsub.f32 v29, v47;
	v59 =	vmul.f32 v38, v46  }
0x2d1: {  	[tilespmem:s13+$0xC620] =	vst v42;
	v20 =	vmul.f32 v39, v20;
	v62 =	vsub.f32 v31, v47;
	v63 =	vsub.f32 v32, v47  }
0x2d2: {  	[tilespmem:s13+$0xC630] =	vst v43;
	v43 =	vsub.f32 v34, v47;
	v27 =	vmul.f32 v27, v11;
	v40 =	vmul.f32 v59, v38  }
0x2d3: {  	[tilespmem:s13+$0xC640] =	vst v44;
	v23 =	vmul.f32 v39, v23;
	v44 =	vsub.f32 v35, v47;
	v21 =	vmul.f32 v21, v4  }
0x2d4: {  	[tilespmem:s13+$0xC650] =	vst v37;
	v22 =	vmul.f32 v22, v5;
	v27 =	vadd.f32 v27, v19;
	v45 =	vsub.f32 $1.500000000e+00, v40  }
0x2d5: {  	[tilespmem:s13+$0xC660] =	vst v36;
	v26 =	vmul.f32 v26, v6;
	v25 =	vmul.f32 v25, v7;
	v21 =	vadd.f32 v21, v12  }
0x2d6: {  	v22 =	vadd.f32 v22, v13;
	[tilespmem:s9+$0xC670] =	vst v27;
	v48 =	vsub.f32 v28, v47;
	v46 =	vmul.f32 v45, v38  }
0x2d7: {  	v49 =	vsub.f32 v33, v47;
	v20 =	vmul.f32 v20, v9;
	v51 =	vadd.f32 v26, v14;
	[tilespmem:s9+$0xC600] =	vst v21  }
0x2d8: {  	v50 =	vmul.f32 v24, v8;
	v52 =	vadd.f32 v25, v15;
	[tilespmem:s9+$0xC610] =	vst v22;
	v53 =	vmul.f32 v46, v48  }
0x2d9: {  	v23 =	vmul.f32 v23, v10;
	v20 =	vadd.f32 v20, v17;
	[tilespmem:s9+$0xC620] =	vst v51;
	v54 =	vmul.f32 v46, v60  }
0x2da: {  	v21 =	vadd.f32 v50, v16;
	[tilespmem:s9+$0xC630] =	vst v52;
	v55 =	vmul.f32 v46, v61;
	v25 =	vmul.f32 v53, v11  }
0x2db: {  	v56 =	vadd.f32 v23, v18;
	[tilespmem:s9+$0xC650] =	vst v20;
	v57 =	vmul.f32 v46, v62;
	v24 =	vmul.f32 v54, v4  }
0x2dc: {  	[tilespmem:s9+$0xC640] =	vst v21;
	v20 =	vmul.f32 v46, v63;
	v22 =	vmul.f32 v55, v5;
	v25 =	vadd.f32 v25, v19  }
0x2dd: {  	[tilespmem:s9+$0xC660] =	vst v56;
	v58 =	vmul.f32 v46, v43;
	v23 =	vmul.f32 v57, v6;
	v24 =	vadd.f32 v24, v12  }
0x2de: {  	v60 =	vmul.f32 v46, v49;
	v20 =	vmul.f32 v20, v7;
	v22 =	vadd.f32 v22, v13;
	[tilespmem:s19+$0xC670] =	vst v25  }
0x2df: {  	v59 =	vmul.f32 v46, v44;
	v21 =	vmul.f32 v58, v8;
	v23 =	vadd.f32 v23, v14;
	[tilespmem:s19+$0xC600] =	vst v24  }
0x2e0: {  	s10 =	sadd.s32 $0x1, s10;
	v62 =	vmul.f32 v60, v10;
	v20 =	vadd.f32 v20, v15;
	[tilespmem:s19+$0xC610] =	vst v22  }
0x2e1: {  	p1 =	sne.s32 s10, $0x32;
	v61 =	vmul.f32 v59, v9;
	v21 =	vadd.f32 v21, v16;
	[tilespmem:s19+$0xC620] =	vst v23  }
.Ltmp4:
0x2e2: {  	s20 =	sshll.u32 s12, $0xF;
	v63 =	vadd.f32 v62, v18;
	[tilespmem:s19+$0xC630] =	vst v20;
	(pc) =	sbr.rel @p1 .LBB2_2-.Ltmp4, $4  }
0x2e3: {  	s9 =	sadd.s32 s11, s20;
	v20 =	vadd.f32 v61, v17;
	[tilespmem:s19+$0xC640] =	vst v21  }
0x2e4: {  	s9 =	sshrl.u32 s9, $0x3;
	[tilespmem:s19+$0xC660] =	vst v63  }
0x2e5: {  	s9 =	sadd.s32 s2, s9;
	[tilespmem:s19+$0xC650] =	vst v20  }
0x2e6: {  	[hbm4b:s9+s4] =	stream.linear.scatter [tilespmem:s28], [sflag:$0x8], $0x8000, $0x38;
	[tilespmem:$0x11E80] =	vst v63  }
0x2e7: {  	_ =	swait.ge [sflag:s6], $0x8000  }
0x2e8: {  	s7 =	sadd.s32 $0x1, s7;
	s9 =	rddreg [dreg:$0x9]  }
0x2e9: {  	p1 =	sne.s32 s7, s9  }
.Ltmp5:
0x2ea: {  	_ = 	snop;
	(pc) =	sbr.rel @p1 .LBB2_1-.Ltmp5, $3  }
0x2eb: {  	_ =	sdelay $0x1  }
0x2ec: {  	[sflag:s6] =	ssyncset.done $0x0  }
0x2ed: {  	[sflag:s6] =	ssyncadd.s32 $0xFFFF8000  }
0x2ee: {  	_ =	sfence.sel $0x180000  }
0x2ef: {  	[bflag:$0x0] =	sbarrier.arrive $0xFFFF  }
0x2f0: {  	_ =	strace $0x90000047  }
0x2f1: {  	[bflag:$0x2] =	sbarrier.arrive $0xFFFF  }
0x2f2: {  	s0 =	rddreg [dreg:$0x4]  }
0x2f3: {  	s0 =	sadd.s32 @!p0 $0x100000, s0  }
0x2f4: {  	[sflag:s0] =	ssyncadd.tile.s32 @!p0 $0x1;
	_ =	shalt  }
.Lfunc_end2:
_tile_overlayer_lowered:
.L_overlay_start_2:
0x2f5: {  	(tag) =	ssettag $0x2  }
0x2f6: {  	s0 =	rddreg [dreg:$0x0];
	s2 =	stileid.u32  }
0x2f7: {  	s1 =	rddreg [dreg:$0x1];
	p0 =	sne.s32 s2, $0x0  }
0x2f8: {  	s3 =	rddreg [dreg:$0x2];
	[bflag:$0x3] =	sbarrier.arrive $0xFFFF;
	s2 =	simm.s32 @!p0 $0x1C09  }
0x2f9: {  	[timem:s3], [sflag:s2] =	dma.local @!p0 [hbm:s0], s1  }
0x2fa: {  	s0 =	simm.s32 @!p0 $0x9  }
0x2fb: {  	_ =	swait.ge @!p0 [sflag:s0], s1  }
0x2fc: {  	s1 =	ssub.s32 @!p0 $0x0, s1;
	[sflag:s0] =	ssyncset.done @!p0 $0x0  }
0x2fd: {  	[sflag:s0] =	ssyncadd.s32 @!p0 s1  }
0x2fe: {  	[bflag:$0x3] =	sbarrier.arrive $0xFFFF  }
0x2ff: {  	_ =	shalt  }

</sc_bundles>
